<compile_context>
chip_gen: v7x
topology: tpu7x:2x2x1
jax: 0.10.2.dev20260603
libtpu: 0.0.44.dev20260713+nightly
codegen_flags: <defaults>
</compile_context>

<pallas_src>
import functools

import jax
import jax.numpy as jnp
from jax import lax
from jax.experimental import pallas as pl
from jax.experimental.pallas import tpu as pltpu
from jax.experimental.pallas import tpu_sc as plsc

N = 10000
E = 160000
D = 256
H = 128
NC = 2
NS = 16
K = 32
NSLOT = 4
NCH = 320
EPT = K * NCH
E_PAD = EPT * NS
STRIPE = 632
N_PAD = STRIPE * NS

BN = 1000



def _mesh():
    return plsc.VectorSubcoreMesh(
        core_axis_name="c", subcore_axis_name="s",
        num_cores=NC, num_subcores=NS)


def _sc_body(src2, dst, table, z128, s_out, acc, *refs):
    slots = [refs[i * 6:(i + 1) * 6] for i in range(NSLOT)]

    c = lax.axis_index("c")
    s = lax.axis_index("s")
    sbase = c * E_PAD + s * EPT
    dbase = s * EPT

    def issue_idx(chunk, sl):
        sb, db, rows, isem, gsem, ssem = sl
        pltpu.async_copy(src2.at[pl.ds(sbase + chunk * K, K)], sb, isem)
        pltpu.async_copy(dst.at[pl.ds(dbase + chunk * K, K)], db, isem)

    def wait_idx(sl):
        sb, db, rows, isem, gsem, ssem = sl
        pltpu.make_async_copy(src2.at[pl.ds(0, K)], sb, isem).wait()
        pltpu.make_async_copy(dst.at[pl.ds(0, K)], db, isem).wait()

    def issue_gather(sl):
        sb, db, rows, isem, gsem, ssem = sl
        pltpu.async_copy(table.at[sb], rows, gsem)

    def wait_gather(sl):
        sb, db, rows, isem, gsem, ssem = sl
        pltpu.make_async_copy(table.at[sb], rows, gsem).wait()

    def issue_scatter(sl):
        sb, db, rows, isem, gsem, ssem = sl
        pltpu.async_copy(rows, acc.at[db], ssem, add=True)

    def wait_scatter(sl):
        sb, db, rows, isem, gsem, ssem = sl
        pltpu.make_async_copy(rows, acc.at[db], ssem).wait()

    issue_idx(0, slots[0])
    issue_idx(1, slots[1])
    pltpu.sync_copy(z128, acc.at[pl.ds(s * STRIPE, STRIPE)])
    wait_idx(slots[0])
    issue_gather(slots[0])
    plsc.subcore_barrier()

    @pl.loop(0, NCH, step=NSLOT)
    def _(j):
        for b in range(NSLOT):
            jj = j + b
            s0 = slots[b]
            s1 = slots[(b + 1) % NSLOT]
            s2 = slots[(b + 2) % NSLOT]

            @pl.when(jj >= 2)
            def _():
                wait_scatter(s2)

            @pl.when(jj + 2 < NCH)
            def _():
                issue_idx(jj + 2, s2)

            @pl.when(jj + 1 < NCH)
            def _():
                wait_idx(s1)
                issue_gather(s1)

            wait_gather(s0)
            issue_scatter(s0)

    wait_scatter(slots[(NCH - 2) % NSLOT])
    wait_scatter(slots[(NCH - 1) % NSLOT])

    plsc.subcore_barrier()

    sl = pl.ds(s * STRIPE, STRIPE)
    osl = pl.ds(c * N_PAD + s * STRIPE, STRIPE)
    pltpu.sync_copy(acc.at[sl], s_out.at[osl])


def _make_sc_call():
    scratch = [pltpu.VMEM_SHARED((N_PAD, H), jnp.float32)]
    for _ in range(NSLOT):
        scratch.extend([
            pltpu.VMEM((K,), jnp.int32),
            pltpu.VMEM((K,), jnp.int32),
            pltpu.VMEM((K, H), jnp.float32),
            pltpu.SemaphoreType.DMA,
            pltpu.SemaphoreType.DMA,
            pltpu.SemaphoreType.DMA,
        ])
    return pl.kernel(
        _sc_body,
        out_type=jax.ShapeDtypeStruct((NC * N_PAD, H), jnp.float32),
        mesh=_mesh(),
        scratch_types=scratch,
        name="sage_sc_scatter",
    )


EPT_D = E_PAD // (NC * NS)
NCH_D = EPT_D // K


def _sc_deg_body(dst, ones128, z128, deg_out, acc, ones_v, *refs):
    slots = [refs[i * 3:(i + 1) * 3] for i in range(NSLOT)]

    c = lax.axis_index("c")
    s = lax.axis_index("s")
    dbase = (c * NS + s) * EPT_D

    def issue_idx(chunk, sl):
        db, isem, ssem = sl
        pltpu.async_copy(dst.at[pl.ds(dbase + chunk * K, K)], db, isem)

    def wait_idx(sl):
        db, isem, ssem = sl
        pltpu.make_async_copy(dst.at[pl.ds(0, K)], db, isem).wait()

    def issue_scatter(sl):
        db, isem, ssem = sl
        pltpu.async_copy(ones_v, acc.at[db], ssem, add=True)

    def wait_scatter(sl):
        db, isem, ssem = sl
        pltpu.make_async_copy(ones_v, acc.at[db], ssem).wait()

    issue_idx(0, slots[0])
    issue_idx(1, slots[1])
    pltpu.sync_copy(z128, acc.at[pl.ds(s * STRIPE, STRIPE)])
    pltpu.sync_copy(ones128, ones_v)
    plsc.subcore_barrier()

    @pl.loop(0, NCH_D, step=NSLOT)
    def _(j):
        for b in range(NSLOT):
            jj = j + b
            s0 = slots[b]
            s2 = slots[(b + 2) % NSLOT]

            @pl.when(jj >= 2)
            def _():
                wait_scatter(s2)

            @pl.when(jj + 2 < NCH_D)
            def _():
                issue_idx(jj + 2, s2)

            wait_idx(s0)
            issue_scatter(s0)

    wait_scatter(slots[(NCH_D - 2) % NSLOT])
    wait_scatter(slots[(NCH_D - 1) % NSLOT])

    plsc.subcore_barrier()

    sl = pl.ds(s * STRIPE, STRIPE)
    osl = pl.ds(c * N_PAD + s * STRIPE, STRIPE)
    pltpu.sync_copy(acc.at[sl], deg_out.at[osl])


def _make_sc_deg_call():
    scratch = [
        pltpu.VMEM_SHARED((N_PAD, H), jnp.float32),
        pltpu.VMEM((K, H), jnp.float32),
    ]
    for _ in range(NSLOT):
        scratch.extend([
            pltpu.VMEM((K,), jnp.int32),
            pltpu.SemaphoreType.DMA,
            pltpu.SemaphoreType.DMA,
        ])
    return pl.kernel(
        _sc_deg_body,
        out_type=jax.ShapeDtypeStruct((NC * N_PAD, H), jnp.float32),
        mesh=_mesh(),
        scratch_types=scratch,
        name="sage_sc_degree",
    )



def _tc_in_body(x_ref, wn_ref, ws_ref, b_ref, g_ref, p_ref):
    xb = x_ref[...]
    wn = wn_ref[...]
    g_ref[0] = jnp.dot(xb, wn[:, :H], preferred_element_type=jnp.float32)
    g_ref[1] = jnp.dot(xb, wn[:, H:], preferred_element_type=jnp.float32)
    p_ref[...] = (jnp.dot(xb, ws_ref[...], preferred_element_type=jnp.float32)
                  + b_ref[...])


def _tc_in(x, wn, ws, b):
    return pl.pallas_call(
        _tc_in_body,
        grid=(N // BN,),
        in_specs=[
            pl.BlockSpec((BN, D), lambda i: (i, 0)),
            pl.BlockSpec((D, D), lambda i: (0, 0)),
            pl.BlockSpec((D, D), lambda i: (0, 0)),
            pl.BlockSpec((1, D), lambda i: (0, 0)),
        ],
        out_specs=[
            pl.BlockSpec((NC, BN, H), lambda i: (0, i, 0)),
            pl.BlockSpec((BN, D), lambda i: (i, 0)),
        ],
        out_shape=[
            jax.ShapeDtypeStruct((NC, N, H), jnp.float32),
            jax.ShapeDtypeStruct((N, D), jnp.float32),
        ],
        name="sage_tc_in",
    )(x, wn, ws, b)


def _tc_mid_body(p_ref, s_ref, deg_ref, wn_ref, ws_ref, b_ref, g_ref, o_ref):
    deg = deg_ref[0, :, 0:1] + deg_ref[1, :, 0:1]
    rd = 1.0 / jnp.maximum(deg, 1.0)
    sc = jnp.concatenate([s_ref[0], s_ref[1]], axis=1)
    h1 = jnp.maximum(p_ref[...] + sc * rd, 0.0)
    wn = wn_ref[...]
    g_ref[0] = jnp.dot(h1, wn[:, :H], preferred_element_type=jnp.float32)
    g_ref[1] = jnp.dot(h1, wn[:, H:], preferred_element_type=jnp.float32)
    o_ref[...] = (jnp.dot(h1, ws_ref[...], preferred_element_type=jnp.float32)
                  + b_ref[...])


def _tc_mid(p0, s0, deg16, wn, ws, b):
    return pl.pallas_call(
        _tc_mid_body,
        grid=(N // BN,),
        in_specs=[
            pl.BlockSpec((BN, D), lambda i: (i, 0)),
            pl.BlockSpec((NC, BN, H), lambda i: (0, i, 0)),
            pl.BlockSpec((NC, BN, H), lambda i: (0, i, 0)),
            pl.BlockSpec((D, D), lambda i: (0, 0)),
            pl.BlockSpec((D, D), lambda i: (0, 0)),
            pl.BlockSpec((1, D), lambda i: (0, 0)),
        ],
        out_specs=[
            pl.BlockSpec((NC, BN, H), lambda i: (0, i, 0)),
            pl.BlockSpec((BN, D), lambda i: (i, 0)),
        ],
        out_shape=[
            jax.ShapeDtypeStruct((NC, N, H), jnp.float32),
            jax.ShapeDtypeStruct((N, D), jnp.float32),
        ],
        name="sage_tc_mid",
    )(p0, s0, deg16, wn, ws, b)


def _tc_out_body(p_ref, s_ref, deg_ref, o_ref):
    deg = deg_ref[0, :, 0:1] + deg_ref[1, :, 0:1]
    rd = 1.0 / jnp.maximum(deg, 1.0)
    sc = jnp.concatenate([s_ref[0], s_ref[1]], axis=1)
    o_ref[...] = p_ref[...] + sc * rd


def _tc_out(p1, s1, deg16):
    return pl.pallas_call(
        _tc_out_body,
        grid=(N // BN,),
        in_specs=[
            pl.BlockSpec((BN, D), lambda i: (i, 0)),
            pl.BlockSpec((NC, BN, H), lambda i: (0, i, 0)),
            pl.BlockSpec((NC, BN, H), lambda i: (0, i, 0)),
        ],
        out_specs=pl.BlockSpec((BN, D), lambda i: (i, 0)),
        out_shape=jax.ShapeDtypeStruct((N, D), jnp.float32),
        name="sage_tc_out",
    )(p1, s1, deg16)



def kernel(x, edge_index, W_self0, W_neigh0, b0, W_self1, W_neigh1, b1):
    src = edge_index[0]
    dst = edge_index[1]
    pad = E_PAD - E
    src_p = jnp.concatenate([src, jnp.zeros((pad,), jnp.int32)])
    dst_p = jnp.concatenate([dst, jnp.full((pad,), N, jnp.int32)])
    src2 = jnp.concatenate([src_p, src_p + N])

    z128 = jnp.zeros((STRIPE, H), jnp.float32)
    ones128 = jnp.ones((K, H), jnp.float32)

    b0r = b0.reshape(1, D)
    b1r = b1.reshape(1, D)

    sc_scatter = _make_sc_call()
    sc_degree = _make_sc_deg_call()

    deg = sc_degree(dst_p, ones128, z128).reshape(NC, N_PAD, H)
    g0, p0 = _tc_in(x, W_neigh0, W_self0, b0r)
    s0 = sc_scatter(src2, dst_p, g0.reshape(NC * N, H), z128)
    s0 = s0.reshape(NC, N_PAD, H)
    g1, p1 = _tc_mid(p0, s0, deg, W_neigh1, W_self1, b1r)
    s1 = sc_scatter(src2, dst_p, g1.reshape(NC * N, H), z128)
    s1 = s1.reshape(NC, N_PAD, H)
    return _tc_out(p1, s1, deg)

# --- scband reference (transcript-rebuilt; emitter-appended) ---
"""Pipeline reference for scband-sage-61658550501960 (READ-ONLY COPY).

The authoritative reference and input builder live on the scoring server;
editing this copy changes nothing except your own understanding.
"""

import jax, jax.numpy as jnp
import numpy as np

N = 10000
E = 160000
FEATS = [256, 256, 256]


def _init_linear(key, fan_in, fan_out):
    k1, k2 = jax.random.split(key)
    lim = 1.0 / np.sqrt(fan_in)
    W = jax.random.uniform(k1, (fan_in, fan_out), minval=-lim, maxval=lim, dtype=jnp.float32)
    b = jax.random.uniform(k2, (fan_out,), minval=-lim, maxval=lim, dtype=jnp.float32)
    return W, b


def setup_inputs(seed: int = 0) -> dict:
    key = jax.random.key(seed)
    ks = jax.random.split(key, 8)
    x = jax.random.normal(ks[0], (N, FEATS[0]), dtype=jnp.float32)
    edge_index = jax.random.randint(ks[1], (2, E), 0, N, dtype=jnp.int32)
    W_self0, b0 = _init_linear(ks[2], FEATS[0], FEATS[1])
    W_neigh0, _ = _init_linear(ks[3], FEATS[0], FEATS[1])
    W_self1, b1 = _init_linear(ks[4], FEATS[1], FEATS[2])
    W_neigh1, _ = _init_linear(ks[5], FEATS[1], FEATS[2])
    return {
        "x": x,
        "edge_index": edge_index,
        "W_self0": W_self0,
        "W_neigh0": W_neigh0,
        "b0": b0,
        "W_self1": W_self1,
        "W_neigh1": W_neigh1,
        "b1": b1,
    }


def _sage_layer(h, src, dst, W_self, W_neigh, b, apply_relu):
    # DGL SAGEConv with 'mean' aggregator (eval mode, feat_drop inactive):
    # h_neigh = mean_{u in N(v)} h_u ; rst = fc_self(h_v) + fc_neigh(h_neigh) + bias
    msg = jnp.take(h, src, axis=0)                              # gather  [E, d]
    neigh_sum = jnp.zeros_like(h).at[dst].add(msg)              # scatter-add
    deg = jnp.zeros((h.shape[0],), h.dtype).at[dst].add(1.0)    # in-degree
    h_neigh = neigh_sum / jnp.maximum(deg, 1.0)[:, None]
    out = h @ W_self + h_neigh @ W_neigh + b
    if apply_relu:
        out = jax.nn.relu(out)
    return out


def reference(x, edge_index, W_self0, W_neigh0, b0, W_self1, W_neigh1, b1):
    src = edge_index[0]
    dst = edge_index[1]
    h = _sage_layer(x, src, dst, W_self0, W_neigh0, b0, apply_relu=True)
    h = _sage_layer(h, src, dst, W_self1, W_neigh1, b1, apply_relu=False)
    return h

if __name__ == "__main__":
    import jax
    _d = setup_inputs()
    print(jax.jit(kernel)(*tuple(_d.values())))

</pallas_src>

<mosaic_0001>
#map = affine_map<(d0, d1) -> (0)>
#map1 = affine_map<(d0, d1) -> (0, 0)>
module attributes {stable_mosaic.version = 14 : i64} {
  func.func @sage_sc_degree(%arg0: i32, %arg1: i32, %arg2: memref<163840xi32, #tpu.memory_space<hbm>>, %arg3: memref<32x128xf32, #tpu.memory_space<hbm>>, %arg4: memref<632x128xf32, #tpu.memory_space<hbm>>, %arg5: memref<20224x128xf32, #tpu.memory_space<hbm>>, %arg6: memref<10112x128xf32, #tpu.memory_space<vmem_shared>>, %arg7: memref<32x128xf32, #tpu.memory_space<vmem>>, %arg8: memref<32xi32, #tpu.memory_space<vmem>>, %arg9: memref<!tpu.dma_semaphore, #tpu.memory_space<semaphore_mem>>, %arg10: memref<!tpu.dma_semaphore, #tpu.memory_space<semaphore_mem>>, %arg11: memref<32xi32, #tpu.memory_space<vmem>>, %arg12: memref<!tpu.dma_semaphore, #tpu.memory_space<semaphore_mem>>, %arg13: memref<!tpu.dma_semaphore, #tpu.memory_space<semaphore_mem>>, %arg14: memref<32xi32, #tpu.memory_space<vmem>>, %arg15: memref<!tpu.dma_semaphore, #tpu.memory_space<semaphore_mem>>, %arg16: memref<!tpu.dma_semaphore, #tpu.memory_space<semaphore_mem>>, %arg17: memref<32xi32, #tpu.memory_space<vmem>>, %arg18: memref<!tpu.dma_semaphore, #tpu.memory_space<semaphore_mem>>, %arg19: memref<!tpu.dma_semaphore, #tpu.memory_space<semaphore_mem>>) attributes {dimension_semantics = [#tpu.dimension_semantics<core_parallel>, #tpu.dimension_semantics<subcore_parallel>], iteration_bounds = array<i64: 2, 16>, scalar_prefetch = 0 : i64, scratch_operands = 14 : i64, tpu.core_type = #tpu.core_type<sc_vector_subcore>, window_params = [{transform_indices = #map}, {transform_indices = #map1}, {transform_indices = #map1}, {transform_indices = #map1}]} {
    %mul3A = arith.constant 16 : i32
    %mul3A_0 = arith.muli %arg0, %mul3A : i32
    %add3A = arith.addi %mul3A_0, %arg1 : i32
    %mul3A_1 = arith.constant 5120 : i32
    %mul3A_2 = arith.muli %add3A, %mul3A_1 : i32
    %add3A_3 = arith.constant 0 : i32
    %add3A_4 = arith.addi %mul3A_2, %add3A_3 : i32
    %dma_start3A = tpu.memref_slice %arg2[%add3A_4] : memref<163840xi32, #tpu.memory_space<hbm>> -> memref<32xi32, #tpu.memory_space<hbm>>
    %dma_start3A_5 = tpu.memref_slice %arg2[%add3A_4] : memref<163840xi32, #tpu.memory_space<hbm>> -> memref<32xi32, #tpu.memory_space<hbm>>
    tpu.enqueue_dma source(%dma_start3A_5 : memref<32xi32, #tpu.memory_space<hbm>>) target(%arg8 : memref<32xi32, #tpu.memory_space<vmem>>) target_semaphore(%arg9 : memref<!tpu.dma_semaphore, #tpu.memory_space<semaphore_mem>>)
    %add3A_6 = arith.constant 32 : i32
    %add3A_7 = arith.addi %mul3A_2, %add3A_6 : i32
    %dma_start3A_8 = tpu.memref_slice %arg2[%add3A_7] : memref<163840xi32, #tpu.memory_space<hbm>> -> memref<32xi32, #tpu.memory_space<hbm>>
    %dma_start3A_9 = tpu.memref_slice %arg2[%add3A_7] : memref<163840xi32, #tpu.memory_space<hbm>> -> memref<32xi32, #tpu.memory_space<hbm>>
    tpu.enqueue_dma source(%dma_start3A_9 : memref<32xi32, #tpu.memory_space<hbm>>) target(%arg11 : memref<32xi32, #tpu.memory_space<vmem>>) target_semaphore(%arg12 : memref<!tpu.dma_semaphore, #tpu.memory_space<semaphore_mem>>)
    %mul3A_10 = arith.constant 632 : i32
    %mul3A_11 = arith.muli %arg1, %mul3A_10 : i32
    "tpu.region"() ({
      %run_scoped3A = tpu.sem_alloc : memref<!tpu.dma_semaphore, #tpu.memory_space<semaphore_mem>>
      %dma_start3A_29 = arith.constant 0 : i32
      %dma_start3A_30 = tpu.memref_slice %arg6[%mul3A_11, %dma_start3A_29] : memref<10112x128xf32, #tpu.memory_space<vmem_shared>> -> memref<632x128xf32, #tpu.memory_space<vmem_shared>>
      tpu.enqueue_dma source(%arg4 : memref<632x128xf32, #tpu.memory_space<hbm>>) target(%dma_start3A_30 : memref<632x128xf32, #tpu.memory_space<vmem_shared>>) target_semaphore(%run_scoped3A : memref<!tpu.dma_semaphore, #tpu.memory_space<semaphore_mem>>)
      %dma_wait3A_31 = arith.constant 0 : i32
      %dma_wait3A_32 = tpu.memref_slice %arg6[%mul3A_11, %dma_wait3A_31] : memref<10112x128xf32, #tpu.memory_space<vmem_shared>> -> memref<632x128xf32, #tpu.memory_space<vmem_shared>>
      tpu.wait_dma2 semaphore(%run_scoped3A : memref<!tpu.dma_semaphore, #tpu.memory_space<semaphore_mem>>) src(%arg4 : memref<632x128xf32, #tpu.memory_space<hbm>>) dst(%dma_wait3A_32 : memref<632x128xf32, #tpu.memory_space<vmem_shared>>)
      tpu.yield
    }) : () -> ()
    "tpu.region"() ({
      %run_scoped3A = tpu.sem_alloc : memref<!tpu.dma_semaphore, #tpu.memory_space<semaphore_mem>>
      tpu.enqueue_dma source(%arg3 : memref<32x128xf32, #tpu.memory_space<hbm>>) target(%arg7 : memref<32x128xf32, #tpu.memory_space<vmem>>) target_semaphore(%run_scoped3A : memref<!tpu.dma_semaphore, #tpu.memory_space<semaphore_mem>>)
      tpu.wait_dma2 semaphore(%run_scoped3A : memref<!tpu.dma_semaphore, #tpu.memory_space<semaphore_mem>>) src(%arg3 : memref<32x128xf32, #tpu.memory_space<hbm>>) dst(%arg7 : memref<32x128xf32, #tpu.memory_space<vmem>>)
      tpu.yield
    }) : () -> ()
    %barrier3A = arith.constant 0 : index
    tpu.barrier barrier_id(%barrier3A)
    %scan3A = arith.constant 0 : i32
    %scan3A_12 = arith.constant 40 : i32
    %scan3A_13 = arith.addi %scan3A, %scan3A_12 : i32
    %scan3A_14 = arith.constant 1 : i32
    scf.for %scan3A_29 = %scan3A to %scan3A_13 step %scan3A_14  : i32 {
      %mul3A_30 = arith.constant 4 : i32
      %mul3A_31 = arith.muli %scan3A_29, %mul3A_30 : i32
      %add3A_32 = arith.constant 0 : i32
      %add3A_33 = arith.addi %add3A_32, %mul3A_31 : i32
      %add3A_34 = arith.constant 0 : i32
      %add3A_35 = arith.addi %add3A_33, %add3A_34 : i32
      %ge3A = arith.constant 2 : i32
      %ge3A_36 = arith.cmpi sge, %add3A_35, %ge3A : i32
      %convert_element_type3A = arith.extui %ge3A_36 : i1 to i32
      %cond3A = arith.constant 0 : i32
      %cond3A_37 = arith.cmpi ne, %convert_element_type3A, %cond3A : i32
      scf.if %cond3A_37 {
        %dma_wait3A_114 = arith.constant 0 : i32
        %dma_wait3A_115 = arith.constant 0 : i32
        %dma_wait3A_116 = tpu.memref_slice %arg6[%dma_wait3A_114, %dma_wait3A_115] : memref<10112x128xf32, #tpu.memory_space<vmem_shared>> -> memref<10112x128xf32, #tpu.memory_space<vmem_shared>>
        tpu.wait_indirect_dma semaphore(%arg16 : memref<!tpu.dma_semaphore, #tpu.memory_space<semaphore_mem>>) src(%arg7 : memref<32x128xf32, #tpu.memory_space<vmem>>) dst(%dma_wait3A_116 : memref<10112x128xf32, #tpu.memory_space<vmem_shared>>)
      } else {
      }
      %add3A_38 = arith.constant 2 : i32
      %add3A_39 = arith.addi %add3A_35, %add3A_38 : i32
      %lt3A = arith.constant 160 : i32
      %lt3A_40 = arith.cmpi slt, %add3A_39, %lt3A : i32
      %convert_element_type3A_41 = arith.extui %lt3A_40 : i1 to i32
      %cond3A_42 = arith.constant 0 : i32
      %cond3A_43 = arith.cmpi ne, %convert_element_type3A_41, %cond3A_42 : i32
      scf.if %cond3A_43 {
        %add3A_114 = arith.constant 2 : i32
        %add3A_115 = arith.addi %add3A_35, %add3A_114 : i32
        %mul3A_116 = arith.constant 32 : i32
        %mul3A_117 = arith.muli %add3A_115, %mul3A_116 : i32
        %add3A_118 = arith.addi %mul3A_2, %mul3A_117 : i32
        %dma_start3A_119 = tpu.memref_slice %arg2[%add3A_118] : memref<163840xi32, #tpu.memory_space<hbm>> -> memref<32xi32, #tpu.memory_space<hbm>>
        %dma_start3A_120 = tpu.memref_slice %arg2[%add3A_118] : memref<163840xi32, #tpu.memory_space<hbm>> -> memref<32xi32, #tpu.memory_space<hbm>>
        tpu.enqueue_dma source(%dma_start3A_120 : memref<32xi32, #tpu.memory_space<hbm>>) target(%arg14 : memref<32xi32, #tpu.memory_space<vmem>>) target_semaphore(%arg15 : memref<!tpu.dma_semaphore, #tpu.memory_space<semaphore_mem>>)
      } else {
      }
      %dma_wait3A_44 = arith.constant 0 : i32
      %dma_wait3A_45 = tpu.memref_slice %arg2[%dma_wait3A_44] : memref<163840xi32, #tpu.memory_space<hbm>> -> memref<32xi32, #tpu.memory_space<hbm>>
      %dma_wait3A_46 = arith.constant 0 : i32
      %dma_wait3A_47 = tpu.memref_slice %arg2[%dma_wait3A_46] : memref<163840xi32, #tpu.memory_space<hbm>> -> memref<32xi32, #tpu.memory_space<hbm>>
      tpu.wait_dma2 semaphore(%arg9 : memref<!tpu.dma_semaphore, #tpu.memory_space<semaphore_mem>>) src(%dma_wait3A_47 : memref<32xi32, #tpu.memory_space<hbm>>) dst(%arg8 : memref<32xi32, #tpu.memory_space<vmem>>)
      %dma_start3A_48 = arith.constant 0 : i32
      %dma_start3A_49 = arith.constant 0 : i32
      %dma_start3A_50 = tpu.memref_slice %arg6[%dma_start3A_48, %dma_start3A_49] : memref<10112x128xf32, #tpu.memory_space<vmem_shared>> -> memref<10112x128xf32, #tpu.memory_space<vmem_shared>>
      tpu.enqueue_indirect_dma source(%arg7 : memref<32x128xf32, #tpu.memory_space<vmem>>) target(%dma_start3A_50 : memref<10112x128xf32, #tpu.memory_space<vmem_shared>>) offsets(%arg8 : memref<32xi32, #tpu.memory_space<vmem>>) semaphore(%arg10 : memref<!tpu.dma_semaphore, #tpu.memory_space<semaphore_mem>>) {add = true}
      %add3A_51 = arith.constant 1 : i32
      %add3A_52 = arith.addi %add3A_33, %add3A_51 : i32
      %ge3A_53 = arith.constant 2 : i32
      %ge3A_54 = arith.cmpi sge, %add3A_52, %ge3A_53 : i32
      %convert_element_type3A_55 = arith.extui %ge3A_54 : i1 to i32
      %cond3A_56 = arith.constant 0 : i32
      %cond3A_57 = arith.cmpi ne, %convert_element_type3A_55, %cond3A_56 : i32
      scf.if %cond3A_57 {
        %dma_wait3A_114 = arith.constant 0 : i32
        %dma_wait3A_115 = arith.constant 0 : i32
        %dma_wait3A_116 = tpu.memref_slice %arg6[%dma_wait3A_114, %dma_wait3A_115] : memref<10112x128xf32, #tpu.memory_space<vmem_shared>> -> memref<10112x128xf32, #tpu.memory_space<vmem_shared>>
        tpu.wait_indirect_dma semaphore(%arg19 : memref<!tpu.dma_semaphore, #tpu.memory_space<semaphore_mem>>) src(%arg7 : memref<32x128xf32, #tpu.memory_space<vmem>>) dst(%dma_wait3A_116 : memref<10112x128xf32, #tpu.memory_space<vmem_shared>>)
      } else {
      }
      %add3A_58 = arith.constant 2 : i32
      %add3A_59 = arith.addi %add3A_52, %add3A_58 : i32
      %lt3A_60 = arith.constant 160 : i32
      %lt3A_61 = arith.cmpi slt, %add3A_59, %lt3A_60 : i32
      %convert_element_type3A_62 = arith.extui %lt3A_61 : i1 to i32
      %cond3A_63 = arith.constant 0 : i32
      %cond3A_64 = arith.cmpi ne, %convert_element_type3A_62, %cond3A_63 : i32
      scf.if %cond3A_64 {
        %add3A_114 = arith.constant 2 : i32
        %add3A_115 = arith.addi %add3A_52, %add3A_114 : i32
        %mul3A_116 = arith.constant 32 : i32
        %mul3A_117 = arith.muli %add3A_115, %mul3A_116 : i32
        %add3A_118 = arith.addi %mul3A_2, %mul3A_117 : i32
        %dma_start3A_119 = tpu.memref_slice %arg2[%add3A_118] : memref<163840xi32, #tpu.memory_space<hbm>> -> memref<32xi32, #tpu.memory_space<hbm>>
        %dma_start3A_120 = tpu.memref_slice %arg2[%add3A_118] : memref<163840xi32, #tpu.memory_space<hbm>> -> memref<32xi32, #tpu.memory_space<hbm>>
        tpu.enqueue_dma source(%dma_start3A_120 : memref<32xi32, #tpu.memory_space<hbm>>) target(%arg17 : memref<32xi32, #tpu.memory_space<vmem>>) target_semaphore(%arg18 : memref<!tpu.dma_semaphore, #tpu.memory_space<semaphore_mem>>)
      } else {
      }
      %dma_wait3A_65 = arith.constant 0 : i32
      %dma_wait3A_66 = tpu.memref_slice %arg2[%dma_wait3A_65] : memref<163840xi32, #tpu.memory_space<hbm>> -> memref<32xi32, #tpu.memory_space<hbm>>
      %dma_wait3A_67 = arith.constant 0 : i32
      %dma_wait3A_68 = tpu.memref_slice %arg2[%dma_wait3A_67] : memref<163840xi32, #tpu.memory_space<hbm>> -> memref<32xi32, #tpu.memory_space<hbm>>
      tpu.wait_dma2 semaphore(%arg12 : memref<!tpu.dma_semaphore, #tpu.memory_space<semaphore_mem>>) src(%dma_wait3A_68 : memref<32xi32, #tpu.memory_space<hbm>>) dst(%arg11 : memref<32xi32, #tpu.memory_space<vmem>>)
      %dma_start3A_69 = arith.constant 0 : i32
      %dma_start3A_70 = arith.constant 0 : i32
      %dma_start3A_71 = tpu.memref_slice %arg6[%dma_start3A_69, %dma_start3A_70] : memref<10112x128xf32, #tpu.memory_space<vmem_shared>> -> memref<10112x128xf32, #tpu.memory_space<vmem_shared>>
      tpu.enqueue_indirect_dma source(%arg7 : memref<32x128xf32, #tpu.memory_space<vmem>>) target(%dma_start3A_71 : memref<10112x128xf32, #tpu.memory_space<vmem_shared>>) offsets(%arg11 : memref<32xi32, #tpu.memory_space<vmem>>) semaphore(%arg13 : memref<!tpu.dma_semaphore, #tpu.memory_space<semaphore_mem>>) {add = true}
      %add3A_72 = arith.constant 2 : i32
      %add3A_73 = arith.addi %add3A_33, %add3A_72 : i32
      %ge3A_74 = arith.constant 2 : i32
      %ge3A_75 = arith.cmpi sge, %add3A_73, %ge3A_74 : i32
      %convert_element_type3A_76 = arith.extui %ge3A_75 : i1 to i32
      %cond3A_77 = arith.constant 0 : i32
      %cond3A_78 = arith.cmpi ne, %convert_element_type3A_76, %cond3A_77 : i32
      scf.if %cond3A_78 {
        %dma_wait3A_114 = arith.constant 0 : i32
        %dma_wait3A_115 = arith.constant 0 : i32
        %dma_wait3A_116 = tpu.memref_slice %arg6[%dma_wait3A_114, %dma_wait3A_115] : memref<10112x128xf32, #tpu.memory_space<vmem_shared>> -> memref<10112x128xf32, #tpu.memory_space<vmem_shared>>
        tpu.wait_indirect_dma semaphore(%arg10 : memref<!tpu.dma_semaphore, #tpu.memory_space<semaphore_mem>>) src(%arg7 : memref<32x128xf32, #tpu.memory_space<vmem>>) dst(%dma_wait3A_116 : memref<10112x128xf32, #tpu.memory_space<vmem_shared>>)
      } else {
      }
      %add3A_79 = arith.constant 2 : i32
      %add3A_80 = arith.addi %add3A_73, %add3A_79 : i32
      %lt3A_81 = arith.constant 160 : i32
      %lt3A_82 = arith.cmpi slt, %add3A_80, %lt3A_81 : i32
      %convert_element_type3A_83 = arith.extui %lt3A_82 : i1 to i32
      %cond3A_84 = arith.constant 0 : i32
      %cond3A_85 = arith.cmpi ne, %convert_element_type3A_83, %cond3A_84 : i32
      scf.if %cond3A_85 {
        %add3A_114 = arith.constant 2 : i32
        %add3A_115 = arith.addi %add3A_73, %add3A_114 : i32
        %mul3A_116 = arith.constant 32 : i32
        %mul3A_117 = arith.muli %add3A_115, %mul3A_116 : i32
        %add3A_118 = arith.addi %mul3A_2, %mul3A_117 : i32
        %dma_start3A_119 = tpu.memref_slice %arg2[%add3A_118] : memref<163840xi32, #tpu.memory_space<hbm>> -> memref<32xi32, #tpu.memory_space<hbm>>
        %dma_start3A_120 = tpu.memref_slice %arg2[%add3A_118] : memref<163840xi32, #tpu.memory_space<hbm>> -> memref<32xi32, #tpu.memory_space<hbm>>
        tpu.enqueue_dma source(%dma_start3A_120 : memref<32xi32, #tpu.memory_space<hbm>>) target(%arg8 : memref<32xi32, #tpu.memory_space<vmem>>) target_semaphore(%arg9 : memref<!tpu.dma_semaphore, #tpu.memory_space<semaphore_mem>>)
      } else {
      }
      %dma_wait3A_86 = arith.constant 0 : i32
      %dma_wait3A_87 = tpu.memref_slice %arg2[%dma_wait3A_86] : memref<163840xi32, #tpu.memory_space<hbm>> -> memref<32xi32, #tpu.memory_space<hbm>>
      %dma_wait3A_88 = arith.constant 0 : i32
      %dma_wait3A_89 = tpu.memref_slice %arg2[%dma_wait3A_88] : memref<163840xi32, #tpu.memory_space<hbm>> -> memref<32xi32, #tpu.memory_space<hbm>>
      tpu.wait_dma2 semaphore(%arg15 : memref<!tpu.dma_semaphore, #tpu.memory_space<semaphore_mem>>) src(%dma_wait3A_89 : memref<32xi32, #tpu.memory_space<hbm>>) dst(%arg14 : memref<32xi32, #tpu.memory_space<vmem>>)
      %dma_start3A_90 = arith.constant 0 : i32
      %dma_start3A_91 = arith.constant 0 : i32
      %dma_start3A_92 = tpu.memref_slice %arg6[%dma_start3A_90, %dma_start3A_91] : memref<10112x128xf32, #tpu.memory_space<vmem_shared>> -> memref<10112x128xf32, #tpu.memory_space<vmem_shared>>
      tpu.enqueue_indirect_dma source(%arg7 : memref<32x128xf32, #tpu.memory_space<vmem>>) target(%dma_start3A_92 : memref<10112x128xf32, #tpu.memory_space<vmem_shared>>) offsets(%arg14 : memref<32xi32, #tpu.memory_space<vmem>>) semaphore(%arg16 : memref<!tpu.dma_semaphore, #tpu.memory_space<semaphore_mem>>) {add = true}
      %add3A_93 = arith.constant 3 : i32
      %add3A_94 = arith.addi %add3A_33, %add3A_93 : i32
      %ge3A_95 = arith.constant 2 : i32
      %ge3A_96 = arith.cmpi sge, %add3A_94, %ge3A_95 : i32
      %convert_element_type3A_97 = arith.extui %ge3A_96 : i1 to i32
      %cond3A_98 = arith.constant 0 : i32
      %cond3A_99 = arith.cmpi ne, %convert_element_type3A_97, %cond3A_98 : i32
      scf.if %cond3A_99 {
        %dma_wait3A_114 = arith.constant 0 : i32
        %dma_wait3A_115 = arith.constant 0 : i32
        %dma_wait3A_116 = tpu.memref_slice %arg6[%dma_wait3A_114, %dma_wait3A_115] : memref<10112x128xf32, #tpu.memory_space<vmem_shared>> -> memref<10112x128xf32, #tpu.memory_space<vmem_shared>>
        tpu.wait_indirect_dma semaphore(%arg13 : memref<!tpu.dma_semaphore, #tpu.memory_space<semaphore_mem>>) src(%arg7 : memref<32x128xf32, #tpu.memory_space<vmem>>) dst(%dma_wait3A_116 : memref<10112x128xf32, #tpu.memory_space<vmem_shared>>)
      } else {
      }
      %add3A_100 = arith.constant 2 : i32
      %add3A_101 = arith.addi %add3A_94, %add3A_100 : i32
      %lt3A_102 = arith.constant 160 : i32
      %lt3A_103 = arith.cmpi slt, %add3A_101, %lt3A_102 : i32
      %convert_element_type3A_104 = arith.extui %lt3A_103 : i1 to i32
      %cond3A_105 = arith.constant 0 : i32
      %cond3A_106 = arith.cmpi ne, %convert_element_type3A_104, %cond3A_105 : i32
      scf.if %cond3A_106 {
        %add3A_114 = arith.constant 2 : i32
        %add3A_115 = arith.addi %add3A_94, %add3A_114 : i32
        %mul3A_116 = arith.constant 32 : i32
        %mul3A_117 = arith.muli %add3A_115, %mul3A_116 : i32
        %add3A_118 = arith.addi %mul3A_2, %mul3A_117 : i32
        %dma_start3A_119 = tpu.memref_slice %arg2[%add3A_118] : memref<163840xi32, #tpu.memory_space<hbm>> -> memref<32xi32, #tpu.memory_space<hbm>>
        %dma_start3A_120 = tpu.memref_slice %arg2[%add3A_118] : memref<163840xi32, #tpu.memory_space<hbm>> -> memref<32xi32, #tpu.memory_space<hbm>>
        tpu.enqueue_dma source(%dma_start3A_120 : memref<32xi32, #tpu.memory_space<hbm>>) target(%arg11 : memref<32xi32, #tpu.memory_space<vmem>>) target_semaphore(%arg12 : memref<!tpu.dma_semaphore, #tpu.memory_space<semaphore_mem>>)
      } else {
      }
      %dma_wait3A_107 = arith.constant 0 : i32
      %dma_wait3A_108 = tpu.memref_slice %arg2[%dma_wait3A_107] : memref<163840xi32, #tpu.memory_space<hbm>> -> memref<32xi32, #tpu.memory_space<hbm>>
      %dma_wait3A_109 = arith.constant 0 : i32
      %dma_wait3A_110 = tpu.memref_slice %arg2[%dma_wait3A_109] : memref<163840xi32, #tpu.memory_space<hbm>> -> memref<32xi32, #tpu.memory_space<hbm>>
      tpu.wait_dma2 semaphore(%arg18 : memref<!tpu.dma_semaphore, #tpu.memory_space<semaphore_mem>>) src(%dma_wait3A_110 : memref<32xi32, #tpu.memory_space<hbm>>) dst(%arg17 : memref<32xi32, #tpu.memory_space<vmem>>)
      %dma_start3A_111 = arith.constant 0 : i32
      %dma_start3A_112 = arith.constant 0 : i32
      %dma_start3A_113 = tpu.memref_slice %arg6[%dma_start3A_111, %dma_start3A_112] : memref<10112x128xf32, #tpu.memory_space<vmem_shared>> -> memref<10112x128xf32, #tpu.memory_space<vmem_shared>>
      tpu.enqueue_indirect_dma source(%arg7 : memref<32x128xf32, #tpu.memory_space<vmem>>) target(%dma_start3A_113 : memref<10112x128xf32, #tpu.memory_space<vmem_shared>>) offsets(%arg17 : memref<32xi32, #tpu.memory_space<vmem>>) semaphore(%arg19 : memref<!tpu.dma_semaphore, #tpu.memory_space<semaphore_mem>>) {add = true}
    }
    %scan3A_15 = arith.constant 40 : i32
    %dma_wait3A = arith.constant 0 : i32
    %dma_wait3A_16 = arith.constant 0 : i32
    %dma_wait3A_17 = tpu.memref_slice %arg6[%dma_wait3A, %dma_wait3A_16] : memref<10112x128xf32, #tpu.memory_space<vmem_shared>> -> memref<10112x128xf32, #tpu.memory_space<vmem_shared>>
    tpu.wait_indirect_dma semaphore(%arg16 : memref<!tpu.dma_semaphore, #tpu.memory_space<semaphore_mem>>) src(%arg7 : memref<32x128xf32, #tpu.memory_space<vmem>>) dst(%dma_wait3A_17 : memref<10112x128xf32, #tpu.memory_space<vmem_shared>>)
    %dma_wait3A_18 = arith.constant 0 : i32
    %dma_wait3A_19 = arith.constant 0 : i32
    %dma_wait3A_20 = tpu.memref_slice %arg6[%dma_wait3A_18, %dma_wait3A_19] : memref<10112x128xf32, #tpu.memory_space<vmem_shared>> -> memref<10112x128xf32, #tpu.memory_space<vmem_shared>>
    tpu.wait_indirect_dma semaphore(%arg19 : memref<!tpu.dma_semaphore, #tpu.memory_space<semaphore_mem>>) src(%arg7 : memref<32x128xf32, #tpu.memory_space<vmem>>) dst(%dma_wait3A_20 : memref<10112x128xf32, #tpu.memory_space<vmem_shared>>)
    %barrier3A_21 = arith.constant 0 : index
    tpu.barrier barrier_id(%barrier3A_21)
    %mul3A_22 = arith.constant 632 : i32
    %mul3A_23 = arith.muli %arg1, %mul3A_22 : i32
    %mul3A_24 = arith.constant 10112 : i32
    %mul3A_25 = arith.muli %arg0, %mul3A_24 : i32
    %mul3A_26 = arith.constant 632 : i32
    %mul3A_27 = arith.muli %arg1, %mul3A_26 : i32
    %add3A_28 = arith.addi %mul3A_25, %mul3A_27 : i32
    "tpu.region"() ({
      %run_scoped3A = tpu.sem_alloc : memref<!tpu.dma_semaphore, #tpu.memory_space<semaphore_mem>>
      %dma_start3A_29 = arith.constant 0 : i32
      %dma_start3A_30 = tpu.memref_slice %arg5[%add3A_28, %dma_start3A_29] : memref<20224x128xf32, #tpu.memory_space<hbm>> -> memref<632x128xf32, #tpu.memory_space<hbm>>
      %dma_start3A_31 = arith.constant 0 : i32
      %dma_start3A_32 = tpu.memref_slice %arg6[%mul3A_23, %dma_start3A_31] : memref<10112x128xf32, #tpu.memory_space<vmem_shared>> -> memref<632x128xf32, #tpu.memory_space<vmem_shared>>
      tpu.enqueue_dma source(%dma_start3A_32 : memref<632x128xf32, #tpu.memory_space<vmem_shared>>) target(%dma_start3A_30 : memref<632x128xf32, #tpu.memory_space<hbm>>) target_semaphore(%run_scoped3A : memref<!tpu.dma_semaphore, #tpu.memory_space<semaphore_mem>>)
      %dma_wait3A_33 = arith.constant 0 : i32
      %dma_wait3A_34 = tpu.memref_slice %arg5[%add3A_28, %dma_wait3A_33] : memref<20224x128xf32, #tpu.memory_space<hbm>> -> memref<632x128xf32, #tpu.memory_space<hbm>>
      %dma_wait3A_35 = arith.constant 0 : i32
      %dma_wait3A_36 = tpu.memref_slice %arg6[%mul3A_23, %dma_wait3A_35] : memref<10112x128xf32, #tpu.memory_space<vmem_shared>> -> memref<632x128xf32, #tpu.memory_space<vmem_shared>>
      tpu.wait_dma2 semaphore(%run_scoped3A : memref<!tpu.dma_semaphore, #tpu.memory_space<semaphore_mem>>) src(%dma_wait3A_36 : memref<632x128xf32, #tpu.memory_space<vmem_shared>>) dst(%dma_wait3A_34 : memref<632x128xf32, #tpu.memory_space<hbm>>)
      tpu.yield
    }) : () -> ()
    return
  }
}

#map = affine_map<(d0, d1) -> (0)>
#map1 = affine_map<(d0, d1) -> (0, 0)>
module attributes {stable_mosaic.version = 14 : i64} {
  func.func @sage_sc_scatter(%arg0: i32, %arg1: i32, %arg2: memref<327680xi32, #tpu.memory_space<hbm>>, %arg3: memref<163840xi32, #tpu.memory_space<hbm>>, %arg4: memref<20000x128xf32, #tpu.memory_space<hbm>>, %arg5: memref<632x128xf32, #tpu.memory_space<hbm>>, %arg6: memref<20224x128xf32, #tpu.memory_space<hbm>>, %arg7: memref<10112x128xf32, #tpu.memory_space<vmem_shared>>, %arg8: memref<32xi32, #tpu.memory_space<vmem>>, %arg9: memref<32xi32, #tpu.memory_space<vmem>>, %arg10: memref<32x128xf32, #tpu.memory_space<vmem>>, %arg11: memref<!tpu.dma_semaphore, #tpu.memory_space<semaphore_mem>>, %arg12: memref<!tpu.dma_semaphore, #tpu.memory_space<semaphore_mem>>, %arg13: memref<!tpu.dma_semaphore, #tpu.memory_space<semaphore_mem>>, %arg14: memref<32xi32, #tpu.memory_space<vmem>>, %arg15: memref<32xi32, #tpu.memory_space<vmem>>, %arg16: memref<32x128xf32, #tpu.memory_space<vmem>>, %arg17: memref<!tpu.dma_semaphore, #tpu.memory_space<semaphore_mem>>, %arg18: memref<!tpu.dma_semaphore, #tpu.memory_space<semaphore_mem>>, %arg19: memref<!tpu.dma_semaphore, #tpu.memory_space<semaphore_mem>>, %arg20: memref<32xi32, #tpu.memory_space<vmem>>, %arg21: memref<32xi32, #tpu.memory_space<vmem>>, %arg22: memref<32x128xf32, #tpu.memory_space<vmem>>, %arg23: memref<!tpu.dma_semaphore, #tpu.memory_space<semaphore_mem>>, %arg24: memref<!tpu.dma_semaphore, #tpu.memory_space<semaphore_mem>>, %arg25: memref<!tpu.dma_semaphore, #tpu.memory_space<semaphore_mem>>, %arg26: memref<32xi32, #tpu.memory_space<vmem>>, %arg27: memref<32xi32, #tpu.memory_space<vmem>>, %arg28: memref<32x128xf32, #tpu.memory_space<vmem>>, %arg29: memref<!tpu.dma_semaphore, #tpu.memory_space<semaphore_mem>>, %arg30: memref<!tpu.dma_semaphore, #tpu.memory_space<semaphore_mem>>, %arg31: memref<!tpu.dma_semaphore, #tpu.memory_space<semaphore_mem>>) attributes {dimension_semantics = [#tpu.dimension_semantics<core_parallel>, #tpu.dimension_semantics<subcore_parallel>], iteration_bounds = array<i64: 2, 16>, scalar_prefetch = 0 : i64, scratch_operands = 25 : i64, tpu.core_type = #tpu.core_type<sc_vector_subcore>, window_params = [{transform_indices = #map}, {transform_indices = #map}, {transform_indices = #map1}, {transform_indices = #map1}, {transform_indices = #map1}]} {
    %mul3A = arith.constant 163840 : i32
    %mul3A_0 = arith.muli %arg0, %mul3A : i32
    %mul3A_1 = arith.constant 10240 : i32
    %mul3A_2 = arith.muli %arg1, %mul3A_1 : i32
    %add3A = arith.addi %mul3A_0, %mul3A_2 : i32
    %mul3A_3 = arith.constant 10240 : i32
    %mul3A_4 = arith.muli %arg1, %mul3A_3 : i32
    %add3A_5 = arith.constant 0 : i32
    %add3A_6 = arith.addi %add3A, %add3A_5 : i32
    %dma_start3A = tpu.memref_slice %arg2[%add3A_6] : memref<327680xi32, #tpu.memory_space<hbm>> -> memref<32xi32, #tpu.memory_space<hbm>>
    %dma_start3A_7 = tpu.memref_slice %arg2[%add3A_6] : memref<327680xi32, #tpu.memory_space<hbm>> -> memref<32xi32, #tpu.memory_space<hbm>>
    tpu.enqueue_dma source(%dma_start3A_7 : memref<32xi32, #tpu.memory_space<hbm>>) target(%arg8 : memref<32xi32, #tpu.memory_space<vmem>>) target_semaphore(%arg11 : memref<!tpu.dma_semaphore, #tpu.memory_space<semaphore_mem>>)
    %add3A_8 = arith.constant 0 : i32
    %add3A_9 = arith.addi %mul3A_4, %add3A_8 : i32
    %dma_start3A_10 = tpu.memref_slice %arg3[%add3A_9] : memref<163840xi32, #tpu.memory_space<hbm>> -> memref<32xi32, #tpu.memory_space<hbm>>
    %dma_start3A_11 = tpu.memref_slice %arg3[%add3A_9] : memref<163840xi32, #tpu.memory_space<hbm>> -> memref<32xi32, #tpu.memory_space<hbm>>
    tpu.enqueue_dma source(%dma_start3A_11 : memref<32xi32, #tpu.memory_space<hbm>>) target(%arg9 : memref<32xi32, #tpu.memory_space<vmem>>) target_semaphore(%arg11 : memref<!tpu.dma_semaphore, #tpu.memory_space<semaphore_mem>>)
    %add3A_12 = arith.constant 32 : i32
    %add3A_13 = arith.addi %add3A, %add3A_12 : i32
    %dma_start3A_14 = tpu.memref_slice %arg2[%add3A_13] : memref<327680xi32, #tpu.memory_space<hbm>> -> memref<32xi32, #tpu.memory_space<hbm>>
    %dma_start3A_15 = tpu.memref_slice %arg2[%add3A_13] : memref<327680xi32, #tpu.memory_space<hbm>> -> memref<32xi32, #tpu.memory_space<hbm>>
    tpu.enqueue_dma source(%dma_start3A_15 : memref<32xi32, #tpu.memory_space<hbm>>) target(%arg14 : memref<32xi32, #tpu.memory_space<vmem>>) target_semaphore(%arg17 : memref<!tpu.dma_semaphore, #tpu.memory_space<semaphore_mem>>)
    %add3A_16 = arith.constant 32 : i32
    %add3A_17 = arith.addi %mul3A_4, %add3A_16 : i32
    %dma_start3A_18 = tpu.memref_slice %arg3[%add3A_17] : memref<163840xi32, #tpu.memory_space<hbm>> -> memref<32xi32, #tpu.memory_space<hbm>>
    %dma_start3A_19 = tpu.memref_slice %arg3[%add3A_17] : memref<163840xi32, #tpu.memory_space<hbm>> -> memref<32xi32, #tpu.memory_space<hbm>>
    tpu.enqueue_dma source(%dma_start3A_19 : memref<32xi32, #tpu.memory_space<hbm>>) target(%arg15 : memref<32xi32, #tpu.memory_space<vmem>>) target_semaphore(%arg17 : memref<!tpu.dma_semaphore, #tpu.memory_space<semaphore_mem>>)
    %mul3A_20 = arith.constant 632 : i32
    %mul3A_21 = arith.muli %arg1, %mul3A_20 : i32
    "tpu.region"() ({
      %run_scoped3A = tpu.sem_alloc : memref<!tpu.dma_semaphore, #tpu.memory_space<semaphore_mem>>
      %dma_start3A_50 = arith.constant 0 : i32
      %dma_start3A_51 = tpu.memref_slice %arg7[%mul3A_21, %dma_start3A_50] : memref<10112x128xf32, #tpu.memory_space<vmem_shared>> -> memref<632x128xf32, #tpu.memory_space<vmem_shared>>
      tpu.enqueue_dma source(%arg5 : memref<632x128xf32, #tpu.memory_space<hbm>>) target(%dma_start3A_51 : memref<632x128xf32, #tpu.memory_space<vmem_shared>>) target_semaphore(%run_scoped3A : memref<!tpu.dma_semaphore, #tpu.memory_space<semaphore_mem>>)
      %dma_wait3A_52 = arith.constant 0 : i32
      %dma_wait3A_53 = tpu.memref_slice %arg7[%mul3A_21, %dma_wait3A_52] : memref<10112x128xf32, #tpu.memory_space<vmem_shared>> -> memref<632x128xf32, #tpu.memory_space<vmem_shared>>
      tpu.wait_dma2 semaphore(%run_scoped3A : memref<!tpu.dma_semaphore, #tpu.memory_space<semaphore_mem>>) src(%arg5 : memref<632x128xf32, #tpu.memory_space<hbm>>) dst(%dma_wait3A_53 : memref<632x128xf32, #tpu.memory_space<vmem_shared>>)
      tpu.yield
    }) : () -> ()
    %dma_wait3A = arith.constant 0 : i32
    %dma_wait3A_22 = tpu.memref_slice %arg2[%dma_wait3A] : memref<327680xi32, #tpu.memory_space<hbm>> -> memref<32xi32, #tpu.memory_space<hbm>>
    %dma_wait3A_23 = arith.constant 0 : i32
    %dma_wait3A_24 = tpu.memref_slice %arg2[%dma_wait3A_23] : memref<327680xi32, #tpu.memory_space<hbm>> -> memref<32xi32, #tpu.memory_space<hbm>>
    tpu.wait_dma2 semaphore(%arg11 : memref<!tpu.dma_semaphore, #tpu.memory_space<semaphore_mem>>) src(%dma_wait3A_24 : memref<32xi32, #tpu.memory_space<hbm>>) dst(%arg8 : memref<32xi32, #tpu.memory_space<vmem>>)
    %dma_wait3A_25 = arith.constant 0 : i32
    %dma_wait3A_26 = tpu.memref_slice %arg3[%dma_wait3A_25] : memref<163840xi32, #tpu.memory_space<hbm>> -> memref<32xi32, #tpu.memory_space<hbm>>
    %dma_wait3A_27 = arith.constant 0 : i32
    %dma_wait3A_28 = tpu.memref_slice %arg3[%dma_wait3A_27] : memref<163840xi32, #tpu.memory_space<hbm>> -> memref<32xi32, #tpu.memory_space<hbm>>
    tpu.wait_dma2 semaphore(%arg11 : memref<!tpu.dma_semaphore, #tpu.memory_space<semaphore_mem>>) src(%dma_wait3A_28 : memref<32xi32, #tpu.memory_space<hbm>>) dst(%arg9 : memref<32xi32, #tpu.memory_space<vmem>>)
    %dma_start3A_29 = arith.constant 0 : i32
    %dma_start3A_30 = arith.constant 0 : i32
    %dma_start3A_31 = tpu.memref_slice %arg4[%dma_start3A_29, %dma_start3A_30] : memref<20000x128xf32, #tpu.memory_space<hbm>> -> memref<20000x128xf32, #tpu.memory_space<hbm>>
    tpu.enqueue_indirect_dma source(%dma_start3A_31 : memref<20000x128xf32, #tpu.memory_space<hbm>>) target(%arg10 : memref<32x128xf32, #tpu.memory_space<vmem>>) offsets(%arg8 : memref<32xi32, #tpu.memory_space<vmem>>) semaphore(%arg12 : memref<!tpu.dma_semaphore, #tpu.memory_space<semaphore_mem>>)
    %barrier3A = arith.constant 0 : index
    tpu.barrier barrier_id(%barrier3A)
    %scan3A = arith.constant 0 : i32
    %scan3A_32 = arith.constant 80 : i32
    %scan3A_33 = arith.addi %scan3A, %scan3A_32 : i32
    %scan3A_34 = arith.constant 1 : i32
    scf.for %scan3A_50 = %scan3A to %scan3A_33 step %scan3A_34  : i32 {
      %mul3A_51 = arith.constant 4 : i32
      %mul3A_52 = arith.muli %scan3A_50, %mul3A_51 : i32
      %add3A_53 = arith.constant 0 : i32
      %add3A_54 = arith.addi %add3A_53, %mul3A_52 : i32
      %add3A_55 = arith.constant 0 : i32
      %add3A_56 = arith.addi %add3A_54, %add3A_55 : i32
      %ge3A = arith.constant 2 : i32
      %ge3A_57 = arith.cmpi sge, %add3A_56, %ge3A : i32
      %convert_element_type3A = arith.extui %ge3A_57 : i1 to i32
      %cond3A = arith.constant 0 : i32
      %cond3A_58 = arith.cmpi ne, %convert_element_type3A, %cond3A : i32
      scf.if %cond3A_58 {
        %dma_wait3A_159 = arith.constant 0 : i32
        %dma_wait3A_160 = arith.constant 0 : i32
        %dma_wait3A_161 = tpu.memref_slice %arg7[%dma_wait3A_159, %dma_wait3A_160] : memref<10112x128xf32, #tpu.memory_space<vmem_shared>> -> memref<10112x128xf32, #tpu.memory_space<vmem_shared>>
        tpu.wait_indirect_dma semaphore(%arg25 : memref<!tpu.dma_semaphore, #tpu.memory_space<semaphore_mem>>) src(%arg22 : memref<32x128xf32, #tpu.memory_space<vmem>>) dst(%dma_wait3A_161 : memref<10112x128xf32, #tpu.memory_space<vmem_shared>>)
      } else {
      }
      %add3A_59 = arith.constant 2 : i32
      %add3A_60 = arith.addi %add3A_56, %add3A_59 : i32
      %lt3A = arith.constant 320 : i32
      %lt3A_61 = arith.cmpi slt, %add3A_60, %lt3A : i32
      %convert_element_type3A_62 = arith.extui %lt3A_61 : i1 to i32
      %cond3A_63 = arith.constant 0 : i32
      %cond3A_64 = arith.cmpi ne, %convert_element_type3A_62, %cond3A_63 : i32
      scf.if %cond3A_64 {
        %add3A_159 = arith.constant 2 : i32
        %add3A_160 = arith.addi %add3A_56, %add3A_159 : i32
        %mul3A_161 = arith.constant 32 : i32
        %mul3A_162 = arith.muli %add3A_160, %mul3A_161 : i32
        %add3A_163 = arith.addi %add3A, %mul3A_162 : i32
        %dma_start3A_164 = tpu.memref_slice %arg2[%add3A_163] : memref<327680xi32, #tpu.memory_space<hbm>> -> memref<32xi32, #tpu.memory_space<hbm>>
        %dma_start3A_165 = tpu.memref_slice %arg2[%add3A_163] : memref<327680xi32, #tpu.memory_space<hbm>> -> memref<32xi32, #tpu.memory_space<hbm>>
        tpu.enqueue_dma source(%dma_start3A_165 : memref<32xi32, #tpu.memory_space<hbm>>) target(%arg20 : memref<32xi32, #tpu.memory_space<vmem>>) target_semaphore(%arg23 : memref<!tpu.dma_semaphore, #tpu.memory_space<semaphore_mem>>)
        %mul3A_166 = arith.constant 32 : i32
        %mul3A_167 = arith.muli %add3A_160, %mul3A_166 : i32
        %add3A_168 = arith.addi %mul3A_4, %mul3A_167 : i32
        %dma_start3A_169 = tpu.memref_slice %arg3[%add3A_168] : memref<163840xi32, #tpu.memory_space<hbm>> -> memref<32xi32, #tpu.memory_space<hbm>>
        %dma_start3A_170 = tpu.memref_slice %arg3[%add3A_168] : memref<163840xi32, #tpu.memory_space<hbm>> -> memref<32xi32, #tpu.memory_space<hbm>>
        tpu.enqueue_dma source(%dma_start3A_170 : memref<32xi32, #tpu.memory_space<hbm>>) target(%arg21 : memref<32xi32, #tpu.memory_space<vmem>>) target_semaphore(%arg23 : memref<!tpu.dma_semaphore, #tpu.memory_space<semaphore_mem>>)
      } else {
      }
      %add3A_65 = arith.constant 1 : i32
      %add3A_66 = arith.addi %add3A_56, %add3A_65 : i32
      %lt3A_67 = arith.constant 320 : i32
      %lt3A_68 = arith.cmpi slt, %add3A_66, %lt3A_67 : i32
      %convert_element_type3A_69 = arith.extui %lt3A_68 : i1 to i32
      %cond3A_70 = arith.constant 0 : i32
      %cond3A_71 = arith.cmpi ne, %convert_element_type3A_69, %cond3A_70 : i32
      scf.if %cond3A_71 {
        %dma_wait3A_159 = arith.constant 0 : i32
        %dma_wait3A_160 = tpu.memref_slice %arg2[%dma_wait3A_159] : memref<327680xi32, #tpu.memory_space<hbm>> -> memref<32xi32, #tpu.memory_space<hbm>>
        %dma_wait3A_161 = arith.constant 0 : i32
        %dma_wait3A_162 = tpu.memref_slice %arg2[%dma_wait3A_161] : memref<327680xi32, #tpu.memory_space<hbm>> -> memref<32xi32, #tpu.memory_space<hbm>>
        tpu.wait_dma2 semaphore(%arg17 : memref<!tpu.dma_semaphore, #tpu.memory_space<semaphore_mem>>) src(%dma_wait3A_162 : memref<32xi32, #tpu.memory_space<hbm>>) dst(%arg14 : memref<32xi32, #tpu.memory_space<vmem>>)
        %dma_wait3A_163 = arith.constant 0 : i32
        %dma_wait3A_164 = tpu.memref_slice %arg3[%dma_wait3A_163] : memref<163840xi32, #tpu.memory_space<hbm>> -> memref<32xi32, #tpu.memory_space<hbm>>
        %dma_wait3A_165 = arith.constant 0 : i32
        %dma_wait3A_166 = tpu.memref_slice %arg3[%dma_wait3A_165] : memref<163840xi32, #tpu.memory_space<hbm>> -> memref<32xi32, #tpu.memory_space<hbm>>
        tpu.wait_dma2 semaphore(%arg17 : memref<!tpu.dma_semaphore, #tpu.memory_space<semaphore_mem>>) src(%dma_wait3A_166 : memref<32xi32, #tpu.memory_space<hbm>>) dst(%arg15 : memref<32xi32, #tpu.memory_space<vmem>>)
        %dma_start3A_167 = arith.constant 0 : i32
        %dma_start3A_168 = arith.constant 0 : i32
        %dma_start3A_169 = tpu.memref_slice %arg4[%dma_start3A_167, %dma_start3A_168] : memref<20000x128xf32, #tpu.memory_space<hbm>> -> memref<20000x128xf32, #tpu.memory_space<hbm>>
        tpu.enqueue_indirect_dma source(%dma_start3A_169 : memref<20000x128xf32, #tpu.memory_space<hbm>>) target(%arg16 : memref<32x128xf32, #tpu.memory_space<vmem>>) offsets(%arg14 : memref<32xi32, #tpu.memory_space<vmem>>) semaphore(%arg18 : memref<!tpu.dma_semaphore, #tpu.memory_space<semaphore_mem>>)
      } else {
      }
      %dma_wait3A_72 = arith.constant 0 : i32
      %dma_wait3A_73 = arith.constant 0 : i32
      %dma_wait3A_74 = tpu.memref_slice %arg4[%dma_wait3A_72, %dma_wait3A_73] : memref<20000x128xf32, #tpu.memory_space<hbm>> -> memref<20000x128xf32, #tpu.memory_space<hbm>>
      tpu.wait_indirect_dma semaphore(%arg12 : memref<!tpu.dma_semaphore, #tpu.memory_space<semaphore_mem>>) src(%dma_wait3A_74 : memref<20000x128xf32, #tpu.memory_space<hbm>>) dst(%arg10 : memref<32x128xf32, #tpu.memory_space<vmem>>)
      %dma_start3A_75 = arith.constant 0 : i32
      %dma_start3A_76 = arith.constant 0 : i32
      %dma_start3A_77 = tpu.memref_slice %arg7[%dma_start3A_75, %dma_start3A_76] : memref<10112x128xf32, #tpu.memory_space<vmem_shared>> -> memref<10112x128xf32, #tpu.memory_space<vmem_shared>>
      tpu.enqueue_indirect_dma source(%arg10 : memref<32x128xf32, #tpu.memory_space<vmem>>) target(%dma_start3A_77 : memref<10112x128xf32, #tpu.memory_space<vmem_shared>>) offsets(%arg9 : memref<32xi32, #tpu.memory_space<vmem>>) semaphore(%arg13 : memref<!tpu.dma_semaphore, #tpu.memory_space<semaphore_mem>>) {add = true}
      %add3A_78 = arith.constant 1 : i32
      %add3A_79 = arith.addi %add3A_54, %add3A_78 : i32
      %ge3A_80 = arith.constant 2 : i32
      %ge3A_81 = arith.cmpi sge, %add3A_79, %ge3A_80 : i32
      %convert_element_type3A_82 = arith.extui %ge3A_81 : i1 to i32
      %cond3A_83 = arith.constant 0 : i32
      %cond3A_84 = arith.cmpi ne, %convert_element_type3A_82, %cond3A_83 : i32
      scf.if %cond3A_84 {
        %dma_wait3A_159 = arith.constant 0 : i32
        %dma_wait3A_160 = arith.constant 0 : i32
        %dma_wait3A_161 = tpu.memref_slice %arg7[%dma_wait3A_159, %dma_wait3A_160] : memref<10112x128xf32, #tpu.memory_space<vmem_shared>> -> memref<10112x128xf32, #tpu.memory_space<vmem_shared>>
        tpu.wait_indirect_dma semaphore(%arg31 : memref<!tpu.dma_semaphore, #tpu.memory_space<semaphore_mem>>) src(%arg28 : memref<32x128xf32, #tpu.memory_space<vmem>>) dst(%dma_wait3A_161 : memref<10112x128xf32, #tpu.memory_space<vmem_shared>>)
      } else {
      }
      %add3A_85 = arith.constant 2 : i32
      %add3A_86 = arith.addi %add3A_79, %add3A_85 : i32
      %lt3A_87 = arith.constant 320 : i32
      %lt3A_88 = arith.cmpi slt, %add3A_86, %lt3A_87 : i32
      %convert_element_type3A_89 = arith.extui %lt3A_88 : i1 to i32
      %cond3A_90 = arith.constant 0 : i32
      %cond3A_91 = arith.cmpi ne, %convert_element_type3A_89, %cond3A_90 : i32
      scf.if %cond3A_91 {
        %add3A_159 = arith.constant 2 : i32
        %add3A_160 = arith.addi %add3A_79, %add3A_159 : i32
        %mul3A_161 = arith.constant 32 : i32
        %mul3A_162 = arith.muli %add3A_160, %mul3A_161 : i32
        %add3A_163 = arith.addi %add3A, %mul3A_162 : i32
        %dma_start3A_164 = tpu.memref_slice %arg2[%add3A_163] : memref<327680xi32, #tpu.memory_space<hbm>> -> memref<32xi32, #tpu.memory_space<hbm>>
        %dma_start3A_165 = tpu.memref_slice %arg2[%add3A_163] : memref<327680xi32, #tpu.memory_space<hbm>> -> memref<32xi32, #tpu.memory_space<hbm>>
        tpu.enqueue_dma source(%dma_start3A_165 : memref<32xi32, #tpu.memory_space<hbm>>) target(%arg26 : memref<32xi32, #tpu.memory_space<vmem>>) target_semaphore(%arg29 : memref<!tpu.dma_semaphore, #tpu.memory_space<semaphore_mem>>)
        %mul3A_166 = arith.constant 32 : i32
        %mul3A_167 = arith.muli %add3A_160, %mul3A_166 : i32
        %add3A_168 = arith.addi %mul3A_4, %mul3A_167 : i32
        %dma_start3A_169 = tpu.memref_slice %arg3[%add3A_168] : memref<163840xi32, #tpu.memory_space<hbm>> -> memref<32xi32, #tpu.memory_space<hbm>>
        %dma_start3A_170 = tpu.memref_slice %arg3[%add3A_168] : memref<163840xi32, #tpu.memory_space<hbm>> -> memref<32xi32, #tpu.memory_space<hbm>>
        tpu.enqueue_dma source(%dma_start3A_170 : memref<32xi32, #tpu.memory_space<hbm>>) target(%arg27 : memref<32xi32, #tpu.memory_space<vmem>>) target_semaphore(%arg29 : memref<!tpu.dma_semaphore, #tpu.memory_space<semaphore_mem>>)
      } else {
      }
      %add3A_92 = arith.constant 1 : i32
      %add3A_93 = arith.addi %add3A_79, %add3A_92 : i32
      %lt3A_94 = arith.constant 320 : i32
      %lt3A_95 = arith.cmpi slt, %add3A_93, %lt3A_94 : i32
      %convert_element_type3A_96 = arith.extui %lt3A_95 : i1 to i32
      %cond3A_97 = arith.constant 0 : i32
      %cond3A_98 = arith.cmpi ne, %convert_element_type3A_96, %cond3A_97 : i32
      scf.if %cond3A_98 {
        %dma_wait3A_159 = arith.constant 0 : i32
        %dma_wait3A_160 = tpu.memref_slice %arg2[%dma_wait3A_159] : memref<327680xi32, #tpu.memory_space<hbm>> -> memref<32xi32, #tpu.memory_space<hbm>>
        %dma_wait3A_161 = arith.constant 0 : i32
        %dma_wait3A_162 = tpu.memref_slice %arg2[%dma_wait3A_161] : memref<327680xi32, #tpu.memory_space<hbm>> -> memref<32xi32, #tpu.memory_space<hbm>>
        tpu.wait_dma2 semaphore(%arg23 : memref<!tpu.dma_semaphore, #tpu.memory_space<semaphore_mem>>) src(%dma_wait3A_162 : memref<32xi32, #tpu.memory_space<hbm>>) dst(%arg20 : memref<32xi32, #tpu.memory_space<vmem>>)
        %dma_wait3A_163 = arith.constant 0 : i32
        %dma_wait3A_164 = tpu.memref_slice %arg3[%dma_wait3A_163] : memref<163840xi32, #tpu.memory_space<hbm>> -> memref<32xi32, #tpu.memory_space<hbm>>
        %dma_wait3A_165 = arith.constant 0 : i32
        %dma_wait3A_166 = tpu.memref_slice %arg3[%dma_wait3A_165] : memref<163840xi32, #tpu.memory_space<hbm>> -> memref<32xi32, #tpu.memory_space<hbm>>
        tpu.wait_dma2 semaphore(%arg23 : memref<!tpu.dma_semaphore, #tpu.memory_space<semaphore_mem>>) src(%dma_wait3A_166 : memref<32xi32, #tpu.memory_space<hbm>>) dst(%arg21 : memref<32xi32, #tpu.memory_space<vmem>>)
        %dma_start3A_167 = arith.constant 0 : i32
        %dma_start3A_168 = arith.constant 0 : i32
        %dma_start3A_169 = tpu.memref_slice %arg4[%dma_start3A_167, %dma_start3A_168] : memref<20000x128xf32, #tpu.memory_space<hbm>> -> memref<20000x128xf32, #tpu.memory_space<hbm>>
        tpu.enqueue_indirect_dma source(%dma_start3A_169 : memref<20000x128xf32, #tpu.memory_space<hbm>>) target(%arg22 : memref<32x128xf32, #tpu.memory_space<vmem>>) offsets(%arg20 : memref<32xi32, #tpu.memory_space<vmem>>) semaphore(%arg24 : memref<!tpu.dma_semaphore, #tpu.memory_space<semaphore_mem>>)
      } else {
      }
      %dma_wait3A_99 = arith.constant 0 : i32
      %dma_wait3A_100 = arith.constant 0 : i32
      %dma_wait3A_101 = tpu.memref_slice %arg4[%dma_wait3A_99, %dma_wait3A_100] : memref<20000x128xf32, #tpu.memory_space<hbm>> -> memref<20000x128xf32, #tpu.memory_space<hbm>>
      tpu.wait_indirect_dma semaphore(%arg18 : memref<!tpu.dma_semaphore, #tpu.memory_space<semaphore_mem>>) src(%dma_wait3A_101 : memref<20000x128xf32, #tpu.memory_space<hbm>>) dst(%arg16 : memref<32x128xf32, #tpu.memory_space<vmem>>)
      %dma_start3A_102 = arith.constant 0 : i32
      %dma_start3A_103 = arith.constant 0 : i32
      %dma_start3A_104 = tpu.memref_slice %arg7[%dma_start3A_102, %dma_start3A_103] : memref<10112x128xf32, #tpu.memory_space<vmem_shared>> -> memref<10112x128xf32, #tpu.memory_space<vmem_shared>>
      tpu.enqueue_indirect_dma source(%arg16 : memref<32x128xf32, #tpu.memory_space<vmem>>) target(%dma_start3A_104 : memref<10112x128xf32, #tpu.memory_space<vmem_shared>>) offsets(%arg15 : memref<32xi32, #tpu.memory_space<vmem>>) semaphore(%arg19 : memref<!tpu.dma_semaphore, #tpu.memory_space<semaphore_mem>>) {add = true}
      %add3A_105 = arith.constant 2 : i32
      %add3A_106 = arith.addi %add3A_54, %add3A_105 : i32
      %ge3A_107 = arith.constant 2 : i32
      %ge3A_108 = arith.cmpi sge, %add3A_106, %ge3A_107 : i32
      %convert_element_type3A_109 = arith.extui %ge3A_108 : i1 to i32
      %cond3A_110 = arith.constant 0 : i32
      %cond3A_111 = arith.cmpi ne, %convert_element_type3A_109, %cond3A_110 : i32
      scf.if %cond3A_111 {
        %dma_wait3A_159 = arith.constant 0 : i32
        %dma_wait3A_160 = arith.constant 0 : i32
        %dma_wait3A_161 = tpu.memref_slice %arg7[%dma_wait3A_159, %dma_wait3A_160] : memref<10112x128xf32, #tpu.memory_space<vmem_shared>> -> memref<10112x128xf32, #tpu.memory_space<vmem_shared>>
        tpu.wait_indirect_dma semaphore(%arg13 : memref<!tpu.dma_semaphore, #tpu.memory_space<semaphore_mem>>) src(%arg10 : memref<32x128xf32, #tpu.memory_space<vmem>>) dst(%dma_wait3A_161 : memref<10112x128xf32, #tpu.memory_space<vmem_shared>>)
      } else {
      }
      %add3A_112 = arith.constant 2 : i32
      %add3A_113 = arith.addi %add3A_106, %add3A_112 : i32
      %lt3A_114 = arith.constant 320 : i32
      %lt3A_115 = arith.cmpi slt, %add3A_113, %lt3A_114 : i32
      %convert_element_type3A_116 = arith.extui %lt3A_115 : i1 to i32
      %cond3A_117 = arith.constant 0 : i32
      %cond3A_118 = arith.cmpi ne, %convert_element_type3A_116, %cond3A_117 : i32
      scf.if %cond3A_118 {
        %add3A_159 = arith.constant 2 : i32
        %add3A_160 = arith.addi %add3A_106, %add3A_159 : i32
        %mul3A_161 = arith.constant 32 : i32
        %mul3A_162 = arith.muli %add3A_160, %mul3A_161 : i32
        %add3A_163 = arith.addi %add3A, %mul3A_162 : i32
        %dma_start3A_164 = tpu.memref_slice %arg2[%add3A_163] : memref<327680xi32, #tpu.memory_space<hbm>> -> memref<32xi32, #tpu.memory_space<hbm>>
        %dma_start3A_165 = tpu.memref_slice %arg2[%add3A_163] : memref<327680xi32, #tpu.memory_space<hbm>> -> memref<32xi32, #tpu.memory_space<hbm>>
        tpu.enqueue_dma source(%dma_start3A_165 : memref<32xi32, #tpu.memory_space<hbm>>) target(%arg8 : memref<32xi32, #tpu.memory_space<vmem>>) target_semaphore(%arg11 : memref<!tpu.dma_semaphore, #tpu.memory_space<semaphore_mem>>)
        %mul3A_166 = arith.constant 32 : i32
        %mul3A_167 = arith.muli %add3A_160, %mul3A_166 : i32
        %add3A_168 = arith.addi %mul3A_4, %mul3A_167 : i32
        %dma_start3A_169 = tpu.memref_slice %arg3[%add3A_168] : memref<163840xi32, #tpu.memory_space<hbm>> -> memref<32xi32, #tpu.memory_space<hbm>>
        %dma_start3A_170 = tpu.memref_slice %arg3[%add3A_168] : memref<163840xi32, #tpu.memory_space<hbm>> -> memref<32xi32, #tpu.memory_space<hbm>>
        tpu.enqueue_dma source(%dma_start3A_170 : memref<32xi32, #tpu.memory_space<hbm>>) target(%arg9 : memref<32xi32, #tpu.memory_space<vmem>>) target_semaphore(%arg11 : memref<!tpu.dma_semaphore, #tpu.memory_space<semaphore_mem>>)
      } else {
      }
      %add3A_119 = arith.constant 1 : i32
      %add3A_120 = arith.addi %add3A_106, %add3A_119 : i32
      %lt3A_121 = arith.constant 320 : i32
      %lt3A_122 = arith.cmpi slt, %add3A_120, %lt3A_121 : i32
      %convert_element_type3A_123 = arith.extui %lt3A_122 : i1 to i32
      %cond3A_124 = arith.constant 0 : i32
      %cond3A_125 = arith.cmpi ne, %convert_element_type3A_123, %cond3A_124 : i32
      scf.if %cond3A_125 {
        %dma_wait3A_159 = arith.constant 0 : i32
        %dma_wait3A_160 = tpu.memref_slice %arg2[%dma_wait3A_159] : memref<327680xi32, #tpu.memory_space<hbm>> -> memref<32xi32, #tpu.memory_space<hbm>>
        %dma_wait3A_161 = arith.constant 0 : i32
        %dma_wait3A_162 = tpu.memref_slice %arg2[%dma_wait3A_161] : memref<327680xi32, #tpu.memory_space<hbm>> -> memref<32xi32, #tpu.memory_space<hbm>>
        tpu.wait_dma2 semaphore(%arg29 : memref<!tpu.dma_semaphore, #tpu.memory_space<semaphore_mem>>) src(%dma_wait3A_162 : memref<32xi32, #tpu.memory_space<hbm>>) dst(%arg26 : memref<32xi32, #tpu.memory_space<vmem>>)
        %dma_wait3A_163 = arith.constant 0 : i32
        %dma_wait3A_164 = tpu.memref_slice %arg3[%dma_wait3A_163] : memref<163840xi32, #tpu.memory_space<hbm>> -> memref<32xi32, #tpu.memory_space<hbm>>
        %dma_wait3A_165 = arith.constant 0 : i32
        %dma_wait3A_166 = tpu.memref_slice %arg3[%dma_wait3A_165] : memref<163840xi32, #tpu.memory_space<hbm>> -> memref<32xi32, #tpu.memory_space<hbm>>
        tpu.wait_dma2 semaphore(%arg29 : memref<!tpu.dma_semaphore, #tpu.memory_space<semaphore_mem>>) src(%dma_wait3A_166 : memref<32xi32, #tpu.memory_space<hbm>>) dst(%arg27 : memref<32xi32, #tpu.memory_space<vmem>>)
        %dma_start3A_167 = arith.constant 0 : i32
        %dma_start3A_168 = arith.constant 0 : i32
        %dma_start3A_169 = tpu.memref_slice %arg4[%dma_start3A_167, %dma_start3A_168] : memref<20000x128xf32, #tpu.memory_space<hbm>> -> memref<20000x128xf32, #tpu.memory_space<hbm>>
        tpu.enqueue_indirect_dma source(%dma_start3A_169 : memref<20000x128xf32, #tpu.memory_space<hbm>>) target(%arg28 : memref<32x128xf32, #tpu.memory_space<vmem>>) offsets(%arg26 : memref<32xi32, #tpu.memory_space<vmem>>) semaphore(%arg30 : memref<!tpu.dma_semaphore, #tpu.memory_space<semaphore_mem>>)
      } else {
      }
      %dma_wait3A_126 = arith.constant 0 : i32
      %dma_wait3A_127 = arith.constant 0 : i32
      %dma_wait3A_128 = tpu.memref_slice %arg4[%dma_wait3A_126, %dma_wait3A_127] : memref<20000x128xf32, #tpu.memory_space<hbm>> -> memref<20000x128xf32, #tpu.memory_space<hbm>>
      tpu.wait_indirect_dma semaphore(%arg24 : memref<!tpu.dma_semaphore, #tpu.memory_space<semaphore_mem>>) src(%dma_wait3A_128 : memref<20000x128xf32, #tpu.memory_space<hbm>>) dst(%arg22 : memref<32x128xf32, #tpu.memory_space<vmem>>)
      %dma_start3A_129 = arith.constant 0 : i32
      %dma_start3A_130 = arith.constant 0 : i32
      %dma_start3A_131 = tpu.memref_slice %arg7[%dma_start3A_129, %dma_start3A_130] : memref<10112x128xf32, #tpu.memory_space<vmem_shared>> -> memref<10112x128xf32, #tpu.memory_space<vmem_shared>>
      tpu.enqueue_indirect_dma source(%arg22 : memref<32x128xf32, #tpu.memory_space<vmem>>) target(%dma_start3A_131 : memref<10112x128xf32, #tpu.memory_space<vmem_shared>>) offsets(%arg21 : memref<32xi32, #tpu.memory_space<vmem>>) semaphore(%arg25 : memref<!tpu.dma_semaphore, #tpu.memory_space<semaphore_mem>>) {add = true}
      %add3A_132 = arith.constant 3 : i32
      %add3A_133 = arith.addi %add3A_54, %add3A_132 : i32
      %ge3A_134 = arith.constant 2 : i32
      %ge3A_135 = arith.cmpi sge, %add3A_133, %ge3A_134 : i32
      %convert_element_type3A_136 = arith.extui %ge3A_135 : i1 to i32
      %cond3A_137 = arith.constant 0 : i32
      %cond3A_138 = arith.cmpi ne, %convert_element_type3A_136, %cond3A_137 : i32
      scf.if %cond3A_138 {
        %dma_wait3A_159 = arith.constant 0 : i32
        %dma_wait3A_160 = arith.constant 0 : i32
        %dma_wait3A_161 = tpu.memref_slice %arg7[%dma_wait3A_159, %dma_wait3A_160] : memref<10112x128xf32, #tpu.memory_space<vmem_shared>> -> memref<10112x128xf32, #tpu.memory_space<vmem_shared>>
        tpu.wait_indirect_dma semaphore(%arg19 : memref<!tpu.dma_semaphore, #tpu.memory_space<semaphore_mem>>) src(%arg16 : memref<32x128xf32, #tpu.memory_space<vmem>>) dst(%dma_wait3A_161 : memref<10112x128xf32, #tpu.memory_space<vmem_shared>>)
      } else {
      }
      %add3A_139 = arith.constant 2 : i32
      %add3A_140 = arith.addi %add3A_133, %add3A_139 : i32
      %lt3A_141 = arith.constant 320 : i32
      %lt3A_142 = arith.cmpi slt, %add3A_140, %lt3A_141 : i32
      %convert_element_type3A_143 = arith.extui %lt3A_142 : i1 to i32
      %cond3A_144 = arith.constant 0 : i32
      %cond3A_145 = arith.cmpi ne, %convert_element_type3A_143, %cond3A_144 : i32
      scf.if %cond3A_145 {
        %add3A_159 = arith.constant 2 : i32
        %add3A_160 = arith.addi %add3A_133, %add3A_159 : i32
        %mul3A_161 = arith.constant 32 : i32
        %mul3A_162 = arith.muli %add3A_160, %mul3A_161 : i32
        %add3A_163 = arith.addi %add3A, %mul3A_162 : i32
        %dma_start3A_164 = tpu.memref_slice %arg2[%add3A_163] : memref<327680xi32, #tpu.memory_space<hbm>> -> memref<32xi32, #tpu.memory_space<hbm>>
        %dma_start3A_165 = tpu.memref_slice %arg2[%add3A_163] : memref<327680xi32, #tpu.memory_space<hbm>> -> memref<32xi32, #tpu.memory_space<hbm>>
        tpu.enqueue_dma source(%dma_start3A_165 : memref<32xi32, #tpu.memory_space<hbm>>) target(%arg14 : memref<32xi32, #tpu.memory_space<vmem>>) target_semaphore(%arg17 : memref<!tpu.dma_semaphore, #tpu.memory_space<semaphore_mem>>)
        %mul3A_166 = arith.constant 32 : i32
        %mul3A_167 = arith.muli %add3A_160, %mul3A_166 : i32
        %add3A_168 = arith.addi %mul3A_4, %mul3A_167 : i32
        %dma_start3A_169 = tpu.memref_slice %arg3[%add3A_168] : memref<163840xi32, #tpu.memory_space<hbm>> -> memref<32xi32, #tpu.memory_space<hbm>>
        %dma_start3A_170 = tpu.memref_slice %arg3[%add3A_168] : memref<163840xi32, #tpu.memory_space<hbm>> -> memref<32xi32, #tpu.memory_space<hbm>>
        tpu.enqueue_dma source(%dma_start3A_170 : memref<32xi32, #tpu.memory_space<hbm>>) target(%arg15 : memref<32xi32, #tpu.memory_space<vmem>>) target_semaphore(%arg17 : memref<!tpu.dma_semaphore, #tpu.memory_space<semaphore_mem>>)
      } else {
      }
      %add3A_146 = arith.constant 1 : i32
      %add3A_147 = arith.addi %add3A_133, %add3A_146 : i32
      %lt3A_148 = arith.constant 320 : i32
      %lt3A_149 = arith.cmpi slt, %add3A_147, %lt3A_148 : i32
      %convert_element_type3A_150 = arith.extui %lt3A_149 : i1 to i32
      %cond3A_151 = arith.constant 0 : i32
      %cond3A_152 = arith.cmpi ne, %convert_element_type3A_150, %cond3A_151 : i32
      scf.if %cond3A_152 {
        %dma_wait3A_159 = arith.constant 0 : i32
        %dma_wait3A_160 = tpu.memref_slice %arg2[%dma_wait3A_159] : memref<327680xi32, #tpu.memory_space<hbm>> -> memref<32xi32, #tpu.memory_space<hbm>>
        %dma_wait3A_161 = arith.constant 0 : i32
        %dma_wait3A_162 = tpu.memref_slice %arg2[%dma_wait3A_161] : memref<327680xi32, #tpu.memory_space<hbm>> -> memref<32xi32, #tpu.memory_space<hbm>>
        tpu.wait_dma2 semaphore(%arg11 : memref<!tpu.dma_semaphore, #tpu.memory_space<semaphore_mem>>) src(%dma_wait3A_162 : memref<32xi32, #tpu.memory_space<hbm>>) dst(%arg8 : memref<32xi32, #tpu.memory_space<vmem>>)
        %dma_wait3A_163 = arith.constant 0 : i32
        %dma_wait3A_164 = tpu.memref_slice %arg3[%dma_wait3A_163] : memref<163840xi32, #tpu.memory_space<hbm>> -> memref<32xi32, #tpu.memory_space<hbm>>
        %dma_wait3A_165 = arith.constant 0 : i32
        %dma_wait3A_166 = tpu.memref_slice %arg3[%dma_wait3A_165] : memref<163840xi32, #tpu.memory_space<hbm>> -> memref<32xi32, #tpu.memory_space<hbm>>
        tpu.wait_dma2 semaphore(%arg11 : memref<!tpu.dma_semaphore, #tpu.memory_space<semaphore_mem>>) src(%dma_wait3A_166 : memref<32xi32, #tpu.memory_space<hbm>>) dst(%arg9 : memref<32xi32, #tpu.memory_space<vmem>>)
        %dma_start3A_167 = arith.constant 0 : i32
        %dma_start3A_168 = arith.constant 0 : i32
        %dma_start3A_169 = tpu.memref_slice %arg4[%dma_start3A_167, %dma_start3A_168] : memref<20000x128xf32, #tpu.memory_space<hbm>> -> memref<20000x128xf32, #tpu.memory_space<hbm>>
        tpu.enqueue_indirect_dma source(%dma_start3A_169 : memref<20000x128xf32, #tpu.memory_space<hbm>>) target(%arg10 : memref<32x128xf32, #tpu.memory_space<vmem>>) offsets(%arg8 : memref<32xi32, #tpu.memory_space<vmem>>) semaphore(%arg12 : memref<!tpu.dma_semaphore, #tpu.memory_space<semaphore_mem>>)
      } else {
      }
      %dma_wait3A_153 = arith.constant 0 : i32
      %dma_wait3A_154 = arith.constant 0 : i32
      %dma_wait3A_155 = tpu.memref_slice %arg4[%dma_wait3A_153, %dma_wait3A_154] : memref<20000x128xf32, #tpu.memory_space<hbm>> -> memref<20000x128xf32, #tpu.memory_space<hbm>>
      tpu.wait_indirect_dma semaphore(%arg30 : memref<!tpu.dma_semaphore, #tpu.memory_space<semaphore_mem>>) src(%dma_wait3A_155 : memref<20000x128xf32, #tpu.memory_space<hbm>>) dst(%arg28 : memref<32x128xf32, #tpu.memory_space<vmem>>)
      %dma_start3A_156 = arith.constant 0 : i32
      %dma_start3A_157 = arith.constant 0 : i32
      %dma_start3A_158 = tpu.memref_slice %arg7[%dma_start3A_156, %dma_start3A_157] : memref<10112x128xf32, #tpu.memory_space<vmem_shared>> -> memref<10112x128xf32, #tpu.memory_space<vmem_shared>>
      tpu.enqueue_indirect_dma source(%arg28 : memref<32x128xf32, #tpu.memory_space<vmem>>) target(%dma_start3A_158 : memref<10112x128xf32, #tpu.memory_space<vmem_shared>>) offsets(%arg27 : memref<32xi32, #tpu.memory_space<vmem>>) semaphore(%arg31 : memref<!tpu.dma_semaphore, #tpu.memory_space<semaphore_mem>>) {add = true}
    }
    %scan3A_35 = arith.constant 80 : i32
    %dma_wait3A_36 = arith.constant 0 : i32
    %dma_wait3A_37 = arith.constant 0 : i32
    %dma_wait3A_38 = tpu.memref_slice %arg7[%dma_wait3A_36, %dma_wait3A_37] : memref<10112x128xf32, #tpu.memory_space<vmem_shared>> -> memref<10112x128xf32, #tpu.memory_space<vmem_shared>>
    tpu.wait_indirect_dma semaphore(%arg25 : memref<!tpu.dma_semaphore, #tpu.memory_space<semaphore_mem>>) src(%arg22 : memref<32x128xf32, #tpu.memory_space<vmem>>) dst(%dma_wait3A_38 : memref<10112x128xf32, #tpu.memory_space<vmem_shared>>)
    %dma_wait3A_39 = arith.constant 0 : i32
    %dma_wait3A_40 = arith.constant 0 : i32
    %dma_wait3A_41 = tpu.memref_slice %arg7[%dma_wait3A_39, %dma_wait3A_40] : memref<10112x128xf32, #tpu.memory_space<vmem_shared>> -> memref<10112x128xf32, #tpu.memory_space<vmem_shared>>
    tpu.wait_indirect_dma semaphore(%arg31 : memref<!tpu.dma_semaphore, #tpu.memory_space<semaphore_mem>>) src(%arg28 : memref<32x128xf32, #tpu.memory_space<vmem>>) dst(%dma_wait3A_41 : memref<10112x128xf32, #tpu.memory_space<vmem_shared>>)
    %barrier3A_42 = arith.constant 0 : index
    tpu.barrier barrier_id(%barrier3A_42)
    %mul3A_43 = arith.constant 632 : i32
    %mul3A_44 = arith.muli %arg1, %mul3A_43 : i32
    %mul3A_45 = arith.constant 10112 : i32
    %mul3A_46 = arith.muli %arg0, %mul3A_45 : i32
    %mul3A_47 = arith.constant 632 : i32
    %mul3A_48 = arith.muli %arg1, %mul3A_47 : i32
    %add3A_49 = arith.addi %mul3A_46, %mul3A_48 : i32
    "tpu.region"() ({
      %run_scoped3A = tpu.sem_alloc : memref<!tpu.dma_semaphore, #tpu.memory_space<semaphore_mem>>
      %dma_start3A_50 = arith.constant 0 : i32
      %dma_start3A_51 = tpu.memref_slice %arg6[%add3A_49, %dma_start3A_50] : memref<20224x128xf32, #tpu.memory_space<hbm>> -> memref<632x128xf32, #tpu.memory_space<hbm>>
      %dma_start3A_52 = arith.constant 0 : i32
      %dma_start3A_53 = tpu.memref_slice %arg7[%mul3A_44, %dma_start3A_52] : memref<10112x128xf32, #tpu.memory_space<vmem_shared>> -> memref<632x128xf32, #tpu.memory_space<vmem_shared>>
      tpu.enqueue_dma source(%dma_start3A_53 : memref<632x128xf32, #tpu.memory_space<vmem_shared>>) target(%dma_start3A_51 : memref<632x128xf32, #tpu.memory_space<hbm>>) target_semaphore(%run_scoped3A : memref<!tpu.dma_semaphore, #tpu.memory_space<semaphore_mem>>)
      %dma_wait3A_54 = arith.constant 0 : i32
      %dma_wait3A_55 = tpu.memref_slice %arg6[%add3A_49, %dma_wait3A_54] : memref<20224x128xf32, #tpu.memory_space<hbm>> -> memref<632x128xf32, #tpu.memory_space<hbm>>
      %dma_wait3A_56 = arith.constant 0 : i32
      %dma_wait3A_57 = tpu.memref_slice %arg7[%mul3A_44, %dma_wait3A_56] : memref<10112x128xf32, #tpu.memory_space<vmem_shared>> -> memref<632x128xf32, #tpu.memory_space<vmem_shared>>
      tpu.wait_dma2 semaphore(%run_scoped3A : memref<!tpu.dma_semaphore, #tpu.memory_space<semaphore_mem>>) src(%dma_wait3A_57 : memref<632x128xf32, #tpu.memory_space<vmem_shared>>) dst(%dma_wait3A_55 : memref<632x128xf32, #tpu.memory_space<hbm>>)
      tpu.yield
    }) : () -> ()
    return
  }
}

#map = affine_map<(d0, d1) -> (0)>
#map1 = affine_map<(d0, d1) -> (0, 0)>
module attributes {stable_mosaic.version = 14 : i64} {
  func.func @sage_sc_scatter(%arg0: i32, %arg1: i32, %arg2: memref<327680xi32, #tpu.memory_space<hbm>>, %arg3: memref<163840xi32, #tpu.memory_space<hbm>>, %arg4: memref<20000x128xf32, #tpu.memory_space<hbm>>, %arg5: memref<632x128xf32, #tpu.memory_space<hbm>>, %arg6: memref<20224x128xf32, #tpu.memory_space<hbm>>, %arg7: memref<10112x128xf32, #tpu.memory_space<vmem_shared>>, %arg8: memref<32xi32, #tpu.memory_space<vmem>>, %arg9: memref<32xi32, #tpu.memory_space<vmem>>, %arg10: memref<32x128xf32, #tpu.memory_space<vmem>>, %arg11: memref<!tpu.dma_semaphore, #tpu.memory_space<semaphore_mem>>, %arg12: memref<!tpu.dma_semaphore, #tpu.memory_space<semaphore_mem>>, %arg13: memref<!tpu.dma_semaphore, #tpu.memory_space<semaphore_mem>>, %arg14: memref<32xi32, #tpu.memory_space<vmem>>, %arg15: memref<32xi32, #tpu.memory_space<vmem>>, %arg16: memref<32x128xf32, #tpu.memory_space<vmem>>, %arg17: memref<!tpu.dma_semaphore, #tpu.memory_space<semaphore_mem>>, %arg18: memref<!tpu.dma_semaphore, #tpu.memory_space<semaphore_mem>>, %arg19: memref<!tpu.dma_semaphore, #tpu.memory_space<semaphore_mem>>, %arg20: memref<32xi32, #tpu.memory_space<vmem>>, %arg21: memref<32xi32, #tpu.memory_space<vmem>>, %arg22: memref<32x128xf32, #tpu.memory_space<vmem>>, %arg23: memref<!tpu.dma_semaphore, #tpu.memory_space<semaphore_mem>>, %arg24: memref<!tpu.dma_semaphore, #tpu.memory_space<semaphore_mem>>, %arg25: memref<!tpu.dma_semaphore, #tpu.memory_space<semaphore_mem>>, %arg26: memref<32xi32, #tpu.memory_space<vmem>>, %arg27: memref<32xi32, #tpu.memory_space<vmem>>, %arg28: memref<32x128xf32, #tpu.memory_space<vmem>>, %arg29: memref<!tpu.dma_semaphore, #tpu.memory_space<semaphore_mem>>, %arg30: memref<!tpu.dma_semaphore, #tpu.memory_space<semaphore_mem>>, %arg31: memref<!tpu.dma_semaphore, #tpu.memory_space<semaphore_mem>>) attributes {dimension_semantics = [#tpu.dimension_semantics<core_parallel>, #tpu.dimension_semantics<subcore_parallel>], iteration_bounds = array<i64: 2, 16>, scalar_prefetch = 0 : i64, scratch_operands = 25 : i64, tpu.core_type = #tpu.core_type<sc_vector_subcore>, window_params = [{transform_indices = #map}, {transform_indices = #map}, {transform_indices = #map1}, {transform_indices = #map1}, {transform_indices = #map1}]} {
    %mul3A = arith.constant 163840 : i32
    %mul3A_0 = arith.muli %arg0, %mul3A : i32
    %mul3A_1 = arith.constant 10240 : i32
    %mul3A_2 = arith.muli %arg1, %mul3A_1 : i32
    %add3A = arith.addi %mul3A_0, %mul3A_2 : i32
    %mul3A_3 = arith.constant 10240 : i32
    %mul3A_4 = arith.muli %arg1, %mul3A_3 : i32
    %add3A_5 = arith.constant 0 : i32
    %add3A_6 = arith.addi %add3A, %add3A_5 : i32
    %dma_start3A = tpu.memref_slice %arg2[%add3A_6] : memref<327680xi32, #tpu.memory_space<hbm>> -> memref<32xi32, #tpu.memory_space<hbm>>
    %dma_start3A_7 = tpu.memref_slice %arg2[%add3A_6] : memref<327680xi32, #tpu.memory_space<hbm>> -> memref<32xi32, #tpu.memory_space<hbm>>
    tpu.enqueue_dma source(%dma_start3A_7 : memref<32xi32, #tpu.memory_space<hbm>>) target(%arg8 : memref<32xi32, #tpu.memory_space<vmem>>) target_semaphore(%arg11 : memref<!tpu.dma_semaphore, #tpu.memory_space<semaphore_mem>>)
    %add3A_8 = arith.constant 0 : i32
    %add3A_9 = arith.addi %mul3A_4, %add3A_8 : i32
    %dma_start3A_10 = tpu.memref_slice %arg3[%add3A_9] : memref<163840xi32, #tpu.memory_space<hbm>> -> memref<32xi32, #tpu.memory_space<hbm>>
    %dma_start3A_11 = tpu.memref_slice %arg3[%add3A_9] : memref<163840xi32, #tpu.memory_space<hbm>> -> memref<32xi32, #tpu.memory_space<hbm>>
    tpu.enqueue_dma source(%dma_start3A_11 : memref<32xi32, #tpu.memory_space<hbm>>) target(%arg9 : memref<32xi32, #tpu.memory_space<vmem>>) target_semaphore(%arg11 : memref<!tpu.dma_semaphore, #tpu.memory_space<semaphore_mem>>)
    %add3A_12 = arith.constant 32 : i32
    %add3A_13 = arith.addi %add3A, %add3A_12 : i32
    %dma_start3A_14 = tpu.memref_slice %arg2[%add3A_13] : memref<327680xi32, #tpu.memory_space<hbm>> -> memref<32xi32, #tpu.memory_space<hbm>>
    %dma_start3A_15 = tpu.memref_slice %arg2[%add3A_13] : memref<327680xi32, #tpu.memory_space<hbm>> -> memref<32xi32, #tpu.memory_space<hbm>>
    tpu.enqueue_dma source(%dma_start3A_15 : memref<32xi32, #tpu.memory_space<hbm>>) target(%arg14 : memref<32xi32, #tpu.memory_space<vmem>>) target_semaphore(%arg17 : memref<!tpu.dma_semaphore, #tpu.memory_space<semaphore_mem>>)
    %add3A_16 = arith.constant 32 : i32
    %add3A_17 = arith.addi %mul3A_4, %add3A_16 : i32
    %dma_start3A_18 = tpu.memref_slice %arg3[%add3A_17] : memref<163840xi32, #tpu.memory_space<hbm>> -> memref<32xi32, #tpu.memory_space<hbm>>
    %dma_start3A_19 = tpu.memref_slice %arg3[%add3A_17] : memref<163840xi32, #tpu.memory_space<hbm>> -> memref<32xi32, #tpu.memory_space<hbm>>
    tpu.enqueue_dma source(%dma_start3A_19 : memref<32xi32, #tpu.memory_space<hbm>>) target(%arg15 : memref<32xi32, #tpu.memory_space<vmem>>) target_semaphore(%arg17 : memref<!tpu.dma_semaphore, #tpu.memory_space<semaphore_mem>>)
    %mul3A_20 = arith.constant 632 : i32
    %mul3A_21 = arith.muli %arg1, %mul3A_20 : i32
    "tpu.region"() ({
      %run_scoped3A = tpu.sem_alloc : memref<!tpu.dma_semaphore, #tpu.memory_space<semaphore_mem>>
      %dma_start3A_50 = arith.constant 0 : i32
      %dma_start3A_51 = tpu.memref_slice %arg7[%mul3A_21, %dma_start3A_50] : memref<10112x128xf32, #tpu.memory_space<vmem_shared>> -> memref<632x128xf32, #tpu.memory_space<vmem_shared>>
      tpu.enqueue_dma source(%arg5 : memref<632x128xf32, #tpu.memory_space<hbm>>) target(%dma_start3A_51 : memref<632x128xf32, #tpu.memory_space<vmem_shared>>) target_semaphore(%run_scoped3A : memref<!tpu.dma_semaphore, #tpu.memory_space<semaphore_mem>>)
      %dma_wait3A_52 = arith.constant 0 : i32
      %dma_wait3A_53 = tpu.memref_slice %arg7[%mul3A_21, %dma_wait3A_52] : memref<10112x128xf32, #tpu.memory_space<vmem_shared>> -> memref<632x128xf32, #tpu.memory_space<vmem_shared>>
      tpu.wait_dma2 semaphore(%run_scoped3A : memref<!tpu.dma_semaphore, #tpu.memory_space<semaphore_mem>>) src(%arg5 : memref<632x128xf32, #tpu.memory_space<hbm>>) dst(%dma_wait3A_53 : memref<632x128xf32, #tpu.memory_space<vmem_shared>>)
      tpu.yield
    }) : () -> ()
    %dma_wait3A = arith.constant 0 : i32
    %dma_wait3A_22 = tpu.memref_slice %arg2[%dma_wait3A] : memref<327680xi32, #tpu.memory_space<hbm>> -> memref<32xi32, #tpu.memory_space<hbm>>
    %dma_wait3A_23 = arith.constant 0 : i32
    %dma_wait3A_24 = tpu.memref_slice %arg2[%dma_wait3A_23] : memref<327680xi32, #tpu.memory_space<hbm>> -> memref<32xi32, #tpu.memory_space<hbm>>
    tpu.wait_dma2 semaphore(%arg11 : memref<!tpu.dma_semaphore, #tpu.memory_space<semaphore_mem>>) src(%dma_wait3A_24 : memref<32xi32, #tpu.memory_space<hbm>>) dst(%arg8 : memref<32xi32, #tpu.memory_space<vmem>>)
    %dma_wait3A_25 = arith.constant 0 : i32
    %dma_wait3A_26 = tpu.memref_slice %arg3[%dma_wait3A_25] : memref<163840xi32, #tpu.memory_space<hbm>> -> memref<32xi32, #tpu.memory_space<hbm>>
    %dma_wait3A_27 = arith.constant 0 : i32
    %dma_wait3A_28 = tpu.memref_slice %arg3[%dma_wait3A_27] : memref<163840xi32, #tpu.memory_space<hbm>> -> memref<32xi32, #tpu.memory_space<hbm>>
    tpu.wait_dma2 semaphore(%arg11 : memref<!tpu.dma_semaphore, #tpu.memory_space<semaphore_mem>>) src(%dma_wait3A_28 : memref<32xi32, #tpu.memory_space<hbm>>) dst(%arg9 : memref<32xi32, #tpu.memory_space<vmem>>)
    %dma_start3A_29 = arith.constant 0 : i32
    %dma_start3A_30 = arith.constant 0 : i32
    %dma_start3A_31 = tpu.memref_slice %arg4[%dma_start3A_29, %dma_start3A_30] : memref<20000x128xf32, #tpu.memory_space<hbm>> -> memref<20000x128xf32, #tpu.memory_space<hbm>>
    tpu.enqueue_indirect_dma source(%dma_start3A_31 : memref<20000x128xf32, #tpu.memory_space<hbm>>) target(%arg10 : memref<32x128xf32, #tpu.memory_space<vmem>>) offsets(%arg8 : memref<32xi32, #tpu.memory_space<vmem>>) semaphore(%arg12 : memref<!tpu.dma_semaphore, #tpu.memory_space<semaphore_mem>>)
    %barrier3A = arith.constant 0 : index
    tpu.barrier barrier_id(%barrier3A)
    %scan3A = arith.constant 0 : i32
    %scan3A_32 = arith.constant 80 : i32
    %scan3A_33 = arith.addi %scan3A, %scan3A_32 : i32
    %scan3A_34 = arith.constant 1 : i32
    scf.for %scan3A_50 = %scan3A to %scan3A_33 step %scan3A_34  : i32 {
      %mul3A_51 = arith.constant 4 : i32
      %mul3A_52 = arith.muli %scan3A_50, %mul3A_51 : i32
      %add3A_53 = arith.constant 0 : i32
      %add3A_54 = arith.addi %add3A_53, %mul3A_52 : i32
      %add3A_55 = arith.constant 0 : i32
      %add3A_56 = arith.addi %add3A_54, %add3A_55 : i32
      %ge3A = arith.constant 2 : i32
      %ge3A_57 = arith.cmpi sge, %add3A_56, %ge3A : i32
      %convert_element_type3A = arith.extui %ge3A_57 : i1 to i32
      %cond3A = arith.constant 0 : i32
      %cond3A_58 = arith.cmpi ne, %convert_element_type3A, %cond3A : i32
      scf.if %cond3A_58 {
        %dma_wait3A_159 = arith.constant 0 : i32
        %dma_wait3A_160 = arith.constant 0 : i32
        %dma_wait3A_161 = tpu.memref_slice %arg7[%dma_wait3A_159, %dma_wait3A_160] : memref<10112x128xf32, #tpu.memory_space<vmem_shared>> -> memref<10112x128xf32, #tpu.memory_space<vmem_shared>>
        tpu.wait_indirect_dma semaphore(%arg25 : memref<!tpu.dma_semaphore, #tpu.memory_space<semaphore_mem>>) src(%arg22 : memref<32x128xf32, #tpu.memory_space<vmem>>) dst(%dma_wait3A_161 : memref<10112x128xf32, #tpu.memory_space<vmem_shared>>)
      } else {
      }
      %add3A_59 = arith.constant 2 : i32
      %add3A_60 = arith.addi %add3A_56, %add3A_59 : i32
      %lt3A = arith.constant 320 : i32
      %lt3A_61 = arith.cmpi slt, %add3A_60, %lt3A : i32
      %convert_element_type3A_62 = arith.extui %lt3A_61 : i1 to i32
      %cond3A_63 = arith.constant 0 : i32
      %cond3A_64 = arith.cmpi ne, %convert_element_type3A_62, %cond3A_63 : i32
      scf.if %cond3A_64 {
        %add3A_159 = arith.constant 2 : i32
        %add3A_160 = arith.addi %add3A_56, %add3A_159 : i32
        %mul3A_161 = arith.constant 32 : i32
        %mul3A_162 = arith.muli %add3A_160, %mul3A_161 : i32
        %add3A_163 = arith.addi %add3A, %mul3A_162 : i32
        %dma_start3A_164 = tpu.memref_slice %arg2[%add3A_163] : memref<327680xi32, #tpu.memory_space<hbm>> -> memref<32xi32, #tpu.memory_space<hbm>>
        %dma_start3A_165 = tpu.memref_slice %arg2[%add3A_163] : memref<327680xi32, #tpu.memory_space<hbm>> -> memref<32xi32, #tpu.memory_space<hbm>>
        tpu.enqueue_dma source(%dma_start3A_165 : memref<32xi32, #tpu.memory_space<hbm>>) target(%arg20 : memref<32xi32, #tpu.memory_space<vmem>>) target_semaphore(%arg23 : memref<!tpu.dma_semaphore, #tpu.memory_space<semaphore_mem>>)
        %mul3A_166 = arith.constant 32 : i32
        %mul3A_167 = arith.muli %add3A_160, %mul3A_166 : i32
        %add3A_168 = arith.addi %mul3A_4, %mul3A_167 : i32
        %dma_start3A_169 = tpu.memref_slice %arg3[%add3A_168] : memref<163840xi32, #tpu.memory_space<hbm>> -> memref<32xi32, #tpu.memory_space<hbm>>
        %dma_start3A_170 = tpu.memref_slice %arg3[%add3A_168] : memref<163840xi32, #tpu.memory_space<hbm>> -> memref<32xi32, #tpu.memory_space<hbm>>
        tpu.enqueue_dma source(%dma_start3A_170 : memref<32xi32, #tpu.memory_space<hbm>>) target(%arg21 : memref<32xi32, #tpu.memory_space<vmem>>) target_semaphore(%arg23 : memref<!tpu.dma_semaphore, #tpu.memory_space<semaphore_mem>>)
      } else {
      }
      %add3A_65 = arith.constant 1 : i32
      %add3A_66 = arith.addi %add3A_56, %add3A_65 : i32
      %lt3A_67 = arith.constant 320 : i32
      %lt3A_68 = arith.cmpi slt, %add3A_66, %lt3A_67 : i32
      %convert_element_type3A_69 = arith.extui %lt3A_68 : i1 to i32
      %cond3A_70 = arith.constant 0 : i32
      %cond3A_71 = arith.cmpi ne, %convert_element_type3A_69, %cond3A_70 : i32
      scf.if %cond3A_71 {
        %dma_wait3A_159 = arith.constant 0 : i32
        %dma_wait3A_160 = tpu.memref_slice %arg2[%dma_wait3A_159] : memref<327680xi32, #tpu.memory_space<hbm>> -> memref<32xi32, #tpu.memory_space<hbm>>
        %dma_wait3A_161 = arith.constant 0 : i32
        %dma_wait3A_162 = tpu.memref_slice %arg2[%dma_wait3A_161] : memref<327680xi32, #tpu.memory_space<hbm>> -> memref<32xi32, #tpu.memory_space<hbm>>
        tpu.wait_dma2 semaphore(%arg17 : memref<!tpu.dma_semaphore, #tpu.memory_space<semaphore_mem>>) src(%dma_wait3A_162 : memref<32xi32, #tpu.memory_space<hbm>>) dst(%arg14 : memref<32xi32, #tpu.memory_space<vmem>>)
        %dma_wait3A_163 = arith.constant 0 : i32
        %dma_wait3A_164 = tpu.memref_slice %arg3[%dma_wait3A_163] : memref<163840xi32, #tpu.memory_space<hbm>> -> memref<32xi32, #tpu.memory_space<hbm>>
        %dma_wait3A_165 = arith.constant 0 : i32
        %dma_wait3A_166 = tpu.memref_slice %arg3[%dma_wait3A_165] : memref<163840xi32, #tpu.memory_space<hbm>> -> memref<32xi32, #tpu.memory_space<hbm>>
        tpu.wait_dma2 semaphore(%arg17 : memref<!tpu.dma_semaphore, #tpu.memory_space<semaphore_mem>>) src(%dma_wait3A_166 : memref<32xi32, #tpu.memory_space<hbm>>) dst(%arg15 : memref<32xi32, #tpu.memory_space<vmem>>)
        %dma_start3A_167 = arith.constant 0 : i32
        %dma_start3A_168 = arith.constant 0 : i32
        %dma_start3A_169 = tpu.memref_slice %arg4[%dma_start3A_167, %dma_start3A_168] : memref<20000x128xf32, #tpu.memory_space<hbm>> -> memref<20000x128xf32, #tpu.memory_space<hbm>>
        tpu.enqueue_indirect_dma source(%dma_start3A_169 : memref<20000x128xf32, #tpu.memory_space<hbm>>) target(%arg16 : memref<32x128xf32, #tpu.memory_space<vmem>>) offsets(%arg14 : memref<32xi32, #tpu.memory_space<vmem>>) semaphore(%arg18 : memref<!tpu.dma_semaphore, #tpu.memory_space<semaphore_mem>>)
      } else {
      }
      %dma_wait3A_72 = arith.constant 0 : i32
      %dma_wait3A_73 = arith.constant 0 : i32
      %dma_wait3A_74 = tpu.memref_slice %arg4[%dma_wait3A_72, %dma_wait3A_73] : memref<20000x128xf32, #tpu.memory_space<hbm>> -> memref<20000x128xf32, #tpu.memory_space<hbm>>
      tpu.wait_indirect_dma semaphore(%arg12 : memref<!tpu.dma_semaphore, #tpu.memory_space<semaphore_mem>>) src(%dma_wait3A_74 : memref<20000x128xf32, #tpu.memory_space<hbm>>) dst(%arg10 : memref<32x128xf32, #tpu.memory_space<vmem>>)
      %dma_start3A_75 = arith.constant 0 : i32
      %dma_start3A_76 = arith.constant 0 : i32
      %dma_start3A_77 = tpu.memref_slice %arg7[%dma_start3A_75, %dma_start3A_76] : memref<10112x128xf32, #tpu.memory_space<vmem_shared>> -> memref<10112x128xf32, #tpu.memory_space<vmem_shared>>
      tpu.enqueue_indirect_dma source(%arg10 : memref<32x128xf32, #tpu.memory_space<vmem>>) target(%dma_start3A_77 : memref<10112x128xf32, #tpu.memory_space<vmem_shared>>) offsets(%arg9 : memref<32xi32, #tpu.memory_space<vmem>>) semaphore(%arg13 : memref<!tpu.dma_semaphore, #tpu.memory_space<semaphore_mem>>) {add = true}
      %add3A_78 = arith.constant 1 : i32
      %add3A_79 = arith.addi %add3A_54, %add3A_78 : i32
      %ge3A_80 = arith.constant 2 : i32
      %ge3A_81 = arith.cmpi sge, %add3A_79, %ge3A_80 : i32
      %convert_element_type3A_82 = arith.extui %ge3A_81 : i1 to i32
      %cond3A_83 = arith.constant 0 : i32
      %cond3A_84 = arith.cmpi ne, %convert_element_type3A_82, %cond3A_83 : i32
      scf.if %cond3A_84 {
        %dma_wait3A_159 = arith.constant 0 : i32
        %dma_wait3A_160 = arith.constant 0 : i32
        %dma_wait3A_161 = tpu.memref_slice %arg7[%dma_wait3A_159, %dma_wait3A_160] : memref<10112x128xf32, #tpu.memory_space<vmem_shared>> -> memref<10112x128xf32, #tpu.memory_space<vmem_shared>>
        tpu.wait_indirect_dma semaphore(%arg31 : memref<!tpu.dma_semaphore, #tpu.memory_space<semaphore_mem>>) src(%arg28 : memref<32x128xf32, #tpu.memory_space<vmem>>) dst(%dma_wait3A_161 : memref<10112x128xf32, #tpu.memory_space<vmem_shared>>)
      } else {
      }
      %add3A_85 = arith.constant 2 : i32
      %add3A_86 = arith.addi %add3A_79, %add3A_85 : i32
      %lt3A_87 = arith.constant 320 : i32
      %lt3A_88 = arith.cmpi slt, %add3A_86, %lt3A_87 : i32
      %convert_element_type3A_89 = arith.extui %lt3A_88 : i1 to i32
      %cond3A_90 = arith.constant 0 : i32
      %cond3A_91 = arith.cmpi ne, %convert_element_type3A_89, %cond3A_90 : i32
      scf.if %cond3A_91 {
        %add3A_159 = arith.constant 2 : i32
        %add3A_160 = arith.addi %add3A_79, %add3A_159 : i32
        %mul3A_161 = arith.constant 32 : i32
        %mul3A_162 = arith.muli %add3A_160, %mul3A_161 : i32
        %add3A_163 = arith.addi %add3A, %mul3A_162 : i32
        %dma_start3A_164 = tpu.memref_slice %arg2[%add3A_163] : memref<327680xi32, #tpu.memory_space<hbm>> -> memref<32xi32, #tpu.memory_space<hbm>>
        %dma_start3A_165 = tpu.memref_slice %arg2[%add3A_163] : memref<327680xi32, #tpu.memory_space<hbm>> -> memref<32xi32, #tpu.memory_space<hbm>>
        tpu.enqueue_dma source(%dma_start3A_165 : memref<32xi32, #tpu.memory_space<hbm>>) target(%arg26 : memref<32xi32, #tpu.memory_space<vmem>>) target_semaphore(%arg29 : memref<!tpu.dma_semaphore, #tpu.memory_space<semaphore_mem>>)
        %mul3A_166 = arith.constant 32 : i32
        %mul3A_167 = arith.muli %add3A_160, %mul3A_166 : i32
        %add3A_168 = arith.addi %mul3A_4, %mul3A_167 : i32
        %dma_start3A_169 = tpu.memref_slice %arg3[%add3A_168] : memref<163840xi32, #tpu.memory_space<hbm>> -> memref<32xi32, #tpu.memory_space<hbm>>
        %dma_start3A_170 = tpu.memref_slice %arg3[%add3A_168] : memref<163840xi32, #tpu.memory_space<hbm>> -> memref<32xi32, #tpu.memory_space<hbm>>
        tpu.enqueue_dma source(%dma_start3A_170 : memref<32xi32, #tpu.memory_space<hbm>>) target(%arg27 : memref<32xi32, #tpu.memory_space<vmem>>) target_semaphore(%arg29 : memref<!tpu.dma_semaphore, #tpu.memory_space<semaphore_mem>>)
      } else {
      }
      %add3A_92 = arith.constant 1 : i32
      %add3A_93 = arith.addi %add3A_79, %add3A_92 : i32
      %lt3A_94 = arith.constant 320 : i32
      %lt3A_95 = arith.cmpi slt, %add3A_93, %lt3A_94 : i32
      %convert_element_type3A_96 = arith.extui %lt3A_95 : i1 to i32
      %cond3A_97 = arith.constant 0 : i32
      %cond3A_98 = arith.cmpi ne, %convert_element_type3A_96, %cond3A_97 : i32
      scf.if %cond3A_98 {
        %dma_wait3A_159 = arith.constant 0 : i32
        %dma_wait3A_160 = tpu.memref_slice %arg2[%dma_wait3A_159] : memref<327680xi32, #tpu.memory_space<hbm>> -> memref<32xi32, #tpu.memory_space<hbm>>
        %dma_wait3A_161 = arith.constant 0 : i32
        %dma_wait3A_162 = tpu.memref_slice %arg2[%dma_wait3A_161] : memref<327680xi32, #tpu.memory_space<hbm>> -> memref<32xi32, #tpu.memory_space<hbm>>
        tpu.wait_dma2 semaphore(%arg23 : memref<!tpu.dma_semaphore, #tpu.memory_space<semaphore_mem>>) src(%dma_wait3A_162 : memref<32xi32, #tpu.memory_space<hbm>>) dst(%arg20 : memref<32xi32, #tpu.memory_space<vmem>>)
        %dma_wait3A_163 = arith.constant 0 : i32
        %dma_wait3A_164 = tpu.memref_slice %arg3[%dma_wait3A_163] : memref<163840xi32, #tpu.memory_space<hbm>> -> memref<32xi32, #tpu.memory_space<hbm>>
        %dma_wait3A_165 = arith.constant 0 : i32
        %dma_wait3A_166 = tpu.memref_slice %arg3[%dma_wait3A_165] : memref<163840xi32, #tpu.memory_space<hbm>> -> memref<32xi32, #tpu.memory_space<hbm>>
        tpu.wait_dma2 semaphore(%arg23 : memref<!tpu.dma_semaphore, #tpu.memory_space<semaphore_mem>>) src(%dma_wait3A_166 : memref<32xi32, #tpu.memory_space<hbm>>) dst(%arg21 : memref<32xi32, #tpu.memory_space<vmem>>)
        %dma_start3A_167 = arith.constant 0 : i32
        %dma_start3A_168 = arith.constant 0 : i32
        %dma_start3A_169 = tpu.memref_slice %arg4[%dma_start3A_167, %dma_start3A_168] : memref<20000x128xf32, #tpu.memory_space<hbm>> -> memref<20000x128xf32, #tpu.memory_space<hbm>>
        tpu.enqueue_indirect_dma source(%dma_start3A_169 : memref<20000x128xf32, #tpu.memory_space<hbm>>) target(%arg22 : memref<32x128xf32, #tpu.memory_space<vmem>>) offsets(%arg20 : memref<32xi32, #tpu.memory_space<vmem>>) semaphore(%arg24 : memref<!tpu.dma_semaphore, #tpu.memory_space<semaphore_mem>>)
      } else {
      }
      %dma_wait3A_99 = arith.constant 0 : i32
      %dma_wait3A_100 = arith.constant 0 : i32
      %dma_wait3A_101 = tpu.memref_slice %arg4[%dma_wait3A_99, %dma_wait3A_100] : memref<20000x128xf32, #tpu.memory_space<hbm>> -> memref<20000x128xf32, #tpu.memory_space<hbm>>
      tpu.wait_indirect_dma semaphore(%arg18 : memref<!tpu.dma_semaphore, #tpu.memory_space<semaphore_mem>>) src(%dma_wait3A_101 : memref<20000x128xf32, #tpu.memory_space<hbm>>) dst(%arg16 : memref<32x128xf32, #tpu.memory_space<vmem>>)
      %dma_start3A_102 = arith.constant 0 : i32
      %dma_start3A_103 = arith.constant 0 : i32
      %dma_start3A_104 = tpu.memref_slice %arg7[%dma_start3A_102, %dma_start3A_103] : memref<10112x128xf32, #tpu.memory_space<vmem_shared>> -> memref<10112x128xf32, #tpu.memory_space<vmem_shared>>
      tpu.enqueue_indirect_dma source(%arg16 : memref<32x128xf32, #tpu.memory_space<vmem>>) target(%dma_start3A_104 : memref<10112x128xf32, #tpu.memory_space<vmem_shared>>) offsets(%arg15 : memref<32xi32, #tpu.memory_space<vmem>>) semaphore(%arg19 : memref<!tpu.dma_semaphore, #tpu.memory_space<semaphore_mem>>) {add = true}
      %add3A_105 = arith.constant 2 : i32
      %add3A_106 = arith.addi %add3A_54, %add3A_105 : i32
      %ge3A_107 = arith.constant 2 : i32
      %ge3A_108 = arith.cmpi sge, %add3A_106, %ge3A_107 : i32
      %convert_element_type3A_109 = arith.extui %ge3A_108 : i1 to i32
      %cond3A_110 = arith.constant 0 : i32
      %cond3A_111 = arith.cmpi ne, %convert_element_type3A_109, %cond3A_110 : i32
      scf.if %cond3A_111 {
        %dma_wait3A_159 = arith.constant 0 : i32
        %dma_wait3A_160 = arith.constant 0 : i32
        %dma_wait3A_161 = tpu.memref_slice %arg7[%dma_wait3A_159, %dma_wait3A_160] : memref<10112x128xf32, #tpu.memory_space<vmem_shared>> -> memref<10112x128xf32, #tpu.memory_space<vmem_shared>>
        tpu.wait_indirect_dma semaphore(%arg13 : memref<!tpu.dma_semaphore, #tpu.memory_space<semaphore_mem>>) src(%arg10 : memref<32x128xf32, #tpu.memory_space<vmem>>) dst(%dma_wait3A_161 : memref<10112x128xf32, #tpu.memory_space<vmem_shared>>)
      } else {
      }
      %add3A_112 = arith.constant 2 : i32
      %add3A_113 = arith.addi %add3A_106, %add3A_112 : i32
      %lt3A_114 = arith.constant 320 : i32
      %lt3A_115 = arith.cmpi slt, %add3A_113, %lt3A_114 : i32
      %convert_element_type3A_116 = arith.extui %lt3A_115 : i1 to i32
      %cond3A_117 = arith.constant 0 : i32
      %cond3A_118 = arith.cmpi ne, %convert_element_type3A_116, %cond3A_117 : i32
      scf.if %cond3A_118 {
        %add3A_159 = arith.constant 2 : i32
        %add3A_160 = arith.addi %add3A_106, %add3A_159 : i32
        %mul3A_161 = arith.constant 32 : i32
        %mul3A_162 = arith.muli %add3A_160, %mul3A_161 : i32
        %add3A_163 = arith.addi %add3A, %mul3A_162 : i32
        %dma_start3A_164 = tpu.memref_slice %arg2[%add3A_163] : memref<327680xi32, #tpu.memory_space<hbm>> -> memref<32xi32, #tpu.memory_space<hbm>>
        %dma_start3A_165 = tpu.memref_slice %arg2[%add3A_163] : memref<327680xi32, #tpu.memory_space<hbm>> -> memref<32xi32, #tpu.memory_space<hbm>>
        tpu.enqueue_dma source(%dma_start3A_165 : memref<32xi32, #tpu.memory_space<hbm>>) target(%arg8 : memref<32xi32, #tpu.memory_space<vmem>>) target_semaphore(%arg11 : memref<!tpu.dma_semaphore, #tpu.memory_space<semaphore_mem>>)
        %mul3A_166 = arith.constant 32 : i32
        %mul3A_167 = arith.muli %add3A_160, %mul3A_166 : i32
        %add3A_168 = arith.addi %mul3A_4, %mul3A_167 : i32
        %dma_start3A_169 = tpu.memref_slice %arg3[%add3A_168] : memref<163840xi32, #tpu.memory_space<hbm>> -> memref<32xi32, #tpu.memory_space<hbm>>
        %dma_start3A_170 = tpu.memref_slice %arg3[%add3A_168] : memref<163840xi32, #tpu.memory_space<hbm>> -> memref<32xi32, #tpu.memory_space<hbm>>
        tpu.enqueue_dma source(%dma_start3A_170 : memref<32xi32, #tpu.memory_space<hbm>>) target(%arg9 : memref<32xi32, #tpu.memory_space<vmem>>) target_semaphore(%arg11 : memref<!tpu.dma_semaphore, #tpu.memory_space<semaphore_mem>>)
      } else {
      }
      %add3A_119 = arith.constant 1 : i32
      %add3A_120 = arith.addi %add3A_106, %add3A_119 : i32
      %lt3A_121 = arith.constant 320 : i32
      %lt3A_122 = arith.cmpi slt, %add3A_120, %lt3A_121 : i32
      %convert_element_type3A_123 = arith.extui %lt3A_122 : i1 to i32
      %cond3A_124 = arith.constant 0 : i32
      %cond3A_125 = arith.cmpi ne, %convert_element_type3A_123, %cond3A_124 : i32
      scf.if %cond3A_125 {
        %dma_wait3A_159 = arith.constant 0 : i32
        %dma_wait3A_160 = tpu.memref_slice %arg2[%dma_wait3A_159] : memref<327680xi32, #tpu.memory_space<hbm>> -> memref<32xi32, #tpu.memory_space<hbm>>
        %dma_wait3A_161 = arith.constant 0 : i32
        %dma_wait3A_162 = tpu.memref_slice %arg2[%dma_wait3A_161] : memref<327680xi32, #tpu.memory_space<hbm>> -> memref<32xi32, #tpu.memory_space<hbm>>
        tpu.wait_dma2 semaphore(%arg29 : memref<!tpu.dma_semaphore, #tpu.memory_space<semaphore_mem>>) src(%dma_wait3A_162 : memref<32xi32, #tpu.memory_space<hbm>>) dst(%arg26 : memref<32xi32, #tpu.memory_space<vmem>>)
        %dma_wait3A_163 = arith.constant 0 : i32
        %dma_wait3A_164 = tpu.memref_slice %arg3[%dma_wait3A_163] : memref<163840xi32, #tpu.memory_space<hbm>> -> memref<32xi32, #tpu.memory_space<hbm>>
        %dma_wait3A_165 = arith.constant 0 : i32
        %dma_wait3A_166 = tpu.memref_slice %arg3[%dma_wait3A_165] : memref<163840xi32, #tpu.memory_space<hbm>> -> memref<32xi32, #tpu.memory_space<hbm>>
        tpu.wait_dma2 semaphore(%arg29 : memref<!tpu.dma_semaphore, #tpu.memory_space<semaphore_mem>>) src(%dma_wait3A_166 : memref<32xi32, #tpu.memory_space<hbm>>) dst(%arg27 : memref<32xi32, #tpu.memory_space<vmem>>)
        %dma_start3A_167 = arith.constant 0 : i32
        %dma_start3A_168 = arith.constant 0 : i32
        %dma_start3A_169 = tpu.memref_slice %arg4[%dma_start3A_167, %dma_start3A_168] : memref<20000x128xf32, #tpu.memory_space<hbm>> -> memref<20000x128xf32, #tpu.memory_space<hbm>>
        tpu.enqueue_indirect_dma source(%dma_start3A_169 : memref<20000x128xf32, #tpu.memory_space<hbm>>) target(%arg28 : memref<32x128xf32, #tpu.memory_space<vmem>>) offsets(%arg26 : memref<32xi32, #tpu.memory_space<vmem>>) semaphore(%arg30 : memref<!tpu.dma_semaphore, #tpu.memory_space<semaphore_mem>>)
      } else {
      }
      %dma_wait3A_126 = arith.constant 0 : i32
      %dma_wait3A_127 = arith.constant 0 : i32
      %dma_wait3A_128 = tpu.memref_slice %arg4[%dma_wait3A_126, %dma_wait3A_127] : memref<20000x128xf32, #tpu.memory_space<hbm>> -> memref<20000x128xf32, #tpu.memory_space<hbm>>
      tpu.wait_indirect_dma semaphore(%arg24 : memref<!tpu.dma_semaphore, #tpu.memory_space<semaphore_mem>>) src(%dma_wait3A_128 : memref<20000x128xf32, #tpu.memory_space<hbm>>) dst(%arg22 : memref<32x128xf32, #tpu.memory_space<vmem>>)
      %dma_start3A_129 = arith.constant 0 : i32
      %dma_start3A_130 = arith.constant 0 : i32
      %dma_start3A_131 = tpu.memref_slice %arg7[%dma_start3A_129, %dma_start3A_130] : memref<10112x128xf32, #tpu.memory_space<vmem_shared>> -> memref<10112x128xf32, #tpu.memory_space<vmem_shared>>
      tpu.enqueue_indirect_dma source(%arg22 : memref<32x128xf32, #tpu.memory_space<vmem>>) target(%dma_start3A_131 : memref<10112x128xf32, #tpu.memory_space<vmem_shared>>) offsets(%arg21 : memref<32xi32, #tpu.memory_space<vmem>>) semaphore(%arg25 : memref<!tpu.dma_semaphore, #tpu.memory_space<semaphore_mem>>) {add = true}
      %add3A_132 = arith.constant 3 : i32
      %add3A_133 = arith.addi %add3A_54, %add3A_132 : i32
      %ge3A_134 = arith.constant 2 : i32
      %ge3A_135 = arith.cmpi sge, %add3A_133, %ge3A_134 : i32
      %convert_element_type3A_136 = arith.extui %ge3A_135 : i1 to i32
      %cond3A_137 = arith.constant 0 : i32
      %cond3A_138 = arith.cmpi ne, %convert_element_type3A_136, %cond3A_137 : i32
      scf.if %cond3A_138 {
        %dma_wait3A_159 = arith.constant 0 : i32
        %dma_wait3A_160 = arith.constant 0 : i32
        %dma_wait3A_161 = tpu.memref_slice %arg7[%dma_wait3A_159, %dma_wait3A_160] : memref<10112x128xf32, #tpu.memory_space<vmem_shared>> -> memref<10112x128xf32, #tpu.memory_space<vmem_shared>>
        tpu.wait_indirect_dma semaphore(%arg19 : memref<!tpu.dma_semaphore, #tpu.memory_space<semaphore_mem>>) src(%arg16 : memref<32x128xf32, #tpu.memory_space<vmem>>) dst(%dma_wait3A_161 : memref<10112x128xf32, #tpu.memory_space<vmem_shared>>)
      } else {
      }
      %add3A_139 = arith.constant 2 : i32
      %add3A_140 = arith.addi %add3A_133, %add3A_139 : i32
      %lt3A_141 = arith.constant 320 : i32
      %lt3A_142 = arith.cmpi slt, %add3A_140, %lt3A_141 : i32
      %convert_element_type3A_143 = arith.extui %lt3A_142 : i1 to i32
      %cond3A_144 = arith.constant 0 : i32
      %cond3A_145 = arith.cmpi ne, %convert_element_type3A_143, %cond3A_144 : i32
      scf.if %cond3A_145 {
        %add3A_159 = arith.constant 2 : i32
        %add3A_160 = arith.addi %add3A_133, %add3A_159 : i32
        %mul3A_161 = arith.constant 32 : i32
        %mul3A_162 = arith.muli %add3A_160, %mul3A_161 : i32
        %add3A_163 = arith.addi %add3A, %mul3A_162 : i32
        %dma_start3A_164 = tpu.memref_slice %arg2[%add3A_163] : memref<327680xi32, #tpu.memory_space<hbm>> -> memref<32xi32, #tpu.memory_space<hbm>>
        %dma_start3A_165 = tpu.memref_slice %arg2[%add3A_163] : memref<327680xi32, #tpu.memory_space<hbm>> -> memref<32xi32, #tpu.memory_space<hbm>>
        tpu.enqueue_dma source(%dma_start3A_165 : memref<32xi32, #tpu.memory_space<hbm>>) target(%arg14 : memref<32xi32, #tpu.memory_space<vmem>>) target_semaphore(%arg17 : memref<!tpu.dma_semaphore, #tpu.memory_space<semaphore_mem>>)
        %mul3A_166 = arith.constant 32 : i32
        %mul3A_167 = arith.muli %add3A_160, %mul3A_166 : i32
        %add3A_168 = arith.addi %mul3A_4, %mul3A_167 : i32
        %dma_start3A_169 = tpu.memref_slice %arg3[%add3A_168] : memref<163840xi32, #tpu.memory_space<hbm>> -> memref<32xi32, #tpu.memory_space<hbm>>
        %dma_start3A_170 = tpu.memref_slice %arg3[%add3A_168] : memref<163840xi32, #tpu.memory_space<hbm>> -> memref<32xi32, #tpu.memory_space<hbm>>
        tpu.enqueue_dma source(%dma_start3A_170 : memref<32xi32, #tpu.memory_space<hbm>>) target(%arg15 : memref<32xi32, #tpu.memory_space<vmem>>) target_semaphore(%arg17 : memref<!tpu.dma_semaphore, #tpu.memory_space<semaphore_mem>>)
      } else {
      }
      %add3A_146 = arith.constant 1 : i32
      %add3A_147 = arith.addi %add3A_133, %add3A_146 : i32
      %lt3A_148 = arith.constant 320 : i32
      %lt3A_149 = arith.cmpi slt, %add3A_147, %lt3A_148 : i32
      %convert_element_type3A_150 = arith.extui %lt3A_149 : i1 to i32
      %cond3A_151 = arith.constant 0 : i32
      %cond3A_152 = arith.cmpi ne, %convert_element_type3A_150, %cond3A_151 : i32
      scf.if %cond3A_152 {
        %dma_wait3A_159 = arith.constant 0 : i32
        %dma_wait3A_160 = tpu.memref_slice %arg2[%dma_wait3A_159] : memref<327680xi32, #tpu.memory_space<hbm>> -> memref<32xi32, #tpu.memory_space<hbm>>
        %dma_wait3A_161 = arith.constant 0 : i32
        %dma_wait3A_162 = tpu.memref_slice %arg2[%dma_wait3A_161] : memref<327680xi32, #tpu.memory_space<hbm>> -> memref<32xi32, #tpu.memory_space<hbm>>
        tpu.wait_dma2 semaphore(%arg11 : memref<!tpu.dma_semaphore, #tpu.memory_space<semaphore_mem>>) src(%dma_wait3A_162 : memref<32xi32, #tpu.memory_space<hbm>>) dst(%arg8 : memref<32xi32, #tpu.memory_space<vmem>>)
        %dma_wait3A_163 = arith.constant 0 : i32
        %dma_wait3A_164 = tpu.memref_slice %arg3[%dma_wait3A_163] : memref<163840xi32, #tpu.memory_space<hbm>> -> memref<32xi32, #tpu.memory_space<hbm>>
        %dma_wait3A_165 = arith.constant 0 : i32
        %dma_wait3A_166 = tpu.memref_slice %arg3[%dma_wait3A_165] : memref<163840xi32, #tpu.memory_space<hbm>> -> memref<32xi32, #tpu.memory_space<hbm>>
        tpu.wait_dma2 semaphore(%arg11 : memref<!tpu.dma_semaphore, #tpu.memory_space<semaphore_mem>>) src(%dma_wait3A_166 : memref<32xi32, #tpu.memory_space<hbm>>) dst(%arg9 : memref<32xi32, #tpu.memory_space<vmem>>)
        %dma_start3A_167 = arith.constant 0 : i32
        %dma_start3A_168 = arith.constant 0 : i32
        %dma_start3A_169 = tpu.memref_slice %arg4[%dma_start3A_167, %dma_start3A_168] : memref<20000x128xf32, #tpu.memory_space<hbm>> -> memref<20000x128xf32, #tpu.memory_space<hbm>>
        tpu.enqueue_indirect_dma source(%dma_start3A_169 : memref<20000x128xf32, #tpu.memory_space<hbm>>) target(%arg10 : memref<32x128xf32, #tpu.memory_space<vmem>>) offsets(%arg8 : memref<32xi32, #tpu.memory_space<vmem>>) semaphore(%arg12 : memref<!tpu.dma_semaphore, #tpu.memory_space<semaphore_mem>>)
      } else {
      }
      %dma_wait3A_153 = arith.constant 0 : i32
      %dma_wait3A_154 = arith.constant 0 : i32
      %dma_wait3A_155 = tpu.memref_slice %arg4[%dma_wait3A_153, %dma_wait3A_154] : memref<20000x128xf32, #tpu.memory_space<hbm>> -> memref<20000x128xf32, #tpu.memory_space<hbm>>
      tpu.wait_indirect_dma semaphore(%arg30 : memref<!tpu.dma_semaphore, #tpu.memory_space<semaphore_mem>>) src(%dma_wait3A_155 : memref<20000x128xf32, #tpu.memory_space<hbm>>) dst(%arg28 : memref<32x128xf32, #tpu.memory_space<vmem>>)
      %dma_start3A_156 = arith.constant 0 : i32
      %dma_start3A_157 = arith.constant 0 : i32
      %dma_start3A_158 = tpu.memref_slice %arg7[%dma_start3A_156, %dma_start3A_157] : memref<10112x128xf32, #tpu.memory_space<vmem_shared>> -> memref<10112x128xf32, #tpu.memory_space<vmem_shared>>
      tpu.enqueue_indirect_dma source(%arg28 : memref<32x128xf32, #tpu.memory_space<vmem>>) target(%dma_start3A_158 : memref<10112x128xf32, #tpu.memory_space<vmem_shared>>) offsets(%arg27 : memref<32xi32, #tpu.memory_space<vmem>>) semaphore(%arg31 : memref<!tpu.dma_semaphore, #tpu.memory_space<semaphore_mem>>) {add = true}
    }
    %scan3A_35 = arith.constant 80 : i32
    %dma_wait3A_36 = arith.constant 0 : i32
    %dma_wait3A_37 = arith.constant 0 : i32
    %dma_wait3A_38 = tpu.memref_slice %arg7[%dma_wait3A_36, %dma_wait3A_37] : memref<10112x128xf32, #tpu.memory_space<vmem_shared>> -> memref<10112x128xf32, #tpu.memory_space<vmem_shared>>
    tpu.wait_indirect_dma semaphore(%arg25 : memref<!tpu.dma_semaphore, #tpu.memory_space<semaphore_mem>>) src(%arg22 : memref<32x128xf32, #tpu.memory_space<vmem>>) dst(%dma_wait3A_38 : memref<10112x128xf32, #tpu.memory_space<vmem_shared>>)
    %dma_wait3A_39 = arith.constant 0 : i32
    %dma_wait3A_40 = arith.constant 0 : i32
    %dma_wait3A_41 = tpu.memref_slice %arg7[%dma_wait3A_39, %dma_wait3A_40] : memref<10112x128xf32, #tpu.memory_space<vmem_shared>> -> memref<10112x128xf32, #tpu.memory_space<vmem_shared>>
    tpu.wait_indirect_dma semaphore(%arg31 : memref<!tpu.dma_semaphore, #tpu.memory_space<semaphore_mem>>) src(%arg28 : memref<32x128xf32, #tpu.memory_space<vmem>>) dst(%dma_wait3A_41 : memref<10112x128xf32, #tpu.memory_space<vmem_shared>>)
    %barrier3A_42 = arith.constant 0 : index
    tpu.barrier barrier_id(%barrier3A_42)
    %mul3A_43 = arith.constant 632 : i32
    %mul3A_44 = arith.muli %arg1, %mul3A_43 : i32
    %mul3A_45 = arith.constant 10112 : i32
    %mul3A_46 = arith.muli %arg0, %mul3A_45 : i32
    %mul3A_47 = arith.constant 632 : i32
    %mul3A_48 = arith.muli %arg1, %mul3A_47 : i32
    %add3A_49 = arith.addi %mul3A_46, %mul3A_48 : i32
    "tpu.region"() ({
      %run_scoped3A = tpu.sem_alloc : memref<!tpu.dma_semaphore, #tpu.memory_space<semaphore_mem>>
      %dma_start3A_50 = arith.constant 0 : i32
      %dma_start3A_51 = tpu.memref_slice %arg6[%add3A_49, %dma_start3A_50] : memref<20224x128xf32, #tpu.memory_space<hbm>> -> memref<632x128xf32, #tpu.memory_space<hbm>>
      %dma_start3A_52 = arith.constant 0 : i32
      %dma_start3A_53 = tpu.memref_slice %arg7[%mul3A_44, %dma_start3A_52] : memref<10112x128xf32, #tpu.memory_space<vmem_shared>> -> memref<632x128xf32, #tpu.memory_space<vmem_shared>>
      tpu.enqueue_dma source(%dma_start3A_53 : memref<632x128xf32, #tpu.memory_space<vmem_shared>>) target(%dma_start3A_51 : memref<632x128xf32, #tpu.memory_space<hbm>>) target_semaphore(%run_scoped3A : memref<!tpu.dma_semaphore, #tpu.memory_space<semaphore_mem>>)
      %dma_wait3A_54 = arith.constant 0 : i32
      %dma_wait3A_55 = tpu.memref_slice %arg6[%add3A_49, %dma_wait3A_54] : memref<20224x128xf32, #tpu.memory_space<hbm>> -> memref<632x128xf32, #tpu.memory_space<hbm>>
      %dma_wait3A_56 = arith.constant 0 : i32
      %dma_wait3A_57 = tpu.memref_slice %arg7[%mul3A_44, %dma_wait3A_56] : memref<10112x128xf32, #tpu.memory_space<vmem_shared>> -> memref<632x128xf32, #tpu.memory_space<vmem_shared>>
      tpu.wait_dma2 semaphore(%run_scoped3A : memref<!tpu.dma_semaphore, #tpu.memory_space<semaphore_mem>>) src(%dma_wait3A_57 : memref<632x128xf32, #tpu.memory_space<vmem_shared>>) dst(%dma_wait3A_55 : memref<632x128xf32, #tpu.memory_space<hbm>>)
      tpu.yield
    }) : () -> ()
    return
  }
}

module attributes {stable_mosaic.version = 14 : i64} {
  func.func @sage_tc_in(%arg0: i32, %arg1: memref<1000x256xf32, #tpu.memory_space<vmem>>, %arg2: memref<256x256xf32, #tpu.memory_space<vmem>>, %arg3: memref<256x256xf32, #tpu.memory_space<vmem>>, %arg4: memref<1x256xf32, #tpu.memory_space<vmem>>, %arg5: memref<2x1000x128xf32, #tpu.memory_space<vmem>>, %arg6: memref<1000x256xf32, #tpu.memory_space<vmem>>) attributes {dimension_semantics = [#tpu.dimension_semantics<arbitrary>], iteration_bounds = array<i64: 10>, scalar_prefetch = 0 : i64, scratch_operands = 0 : i64, tpu.core_type = #tpu.core_type<tc>, window_params = [{transform_indices = @transform_0, window_bounds = array<i64: 1000, 256>}, {pipeline_mode = #tpu.pipeline_mode<synchronous>, transform_indices = @transform_1, window_bounds = array<i64: 256, 256>}, {pipeline_mode = #tpu.pipeline_mode<synchronous>, transform_indices = @transform_2, window_bounds = array<i64: 256, 256>}, {pipeline_mode = #tpu.pipeline_mode<synchronous>, transform_indices = @transform_3, window_bounds = array<i64: 1, 256>}, {transform_indices = @transform_4, window_bounds = array<i64: 2, 1000, 128>}, {transform_indices = @transform_5, window_bounds = array<i64: 1000, 256>}]} {
    %get3A = arith.constant 0 : index
    %get3A_0 = arith.constant 0 : index
    %get3A_1 = vector.load %arg1[%get3A, %get3A_0] : memref<1000x256xf32, #tpu.memory_space<vmem>>, vector<1000x256xf32>
    %get3A_2 = arith.constant 0 : index
    %get3A_3 = arith.constant 0 : index
    %get3A_4 = vector.load %arg2[%get3A_2, %get3A_3] : memref<256x256xf32, #tpu.memory_space<vmem>>, vector<256x256xf32>
    %slice3A = vector.extract_strided_slice %get3A_4 {offsets = [0, 0], sizes = [256, 128], strides = [1, 1]} : vector<256x256xf32> to vector<256x128xf32>
    %dot_general3A = arith.constant dense<0.000000e+00> : vector<1000x128xf32>
    %dot_general3A_5 = tpu.matmul %get3A_1, %slice3A, %dot_general3A {dimension_numbers = #tpu.dot_dimension_numbers<[1], [0], [0], [1], [0, 0, 1, 1], [], []>, transpose_lhs_hint = false} : vector<1000x256xf32>, vector<256x128xf32>, vector<1000x128xf32> -> vector<1000x128xf32>
    %swap3A = arith.constant 0 : index
    %swap3A_6 = arith.constant 0 : index
    %swap3A_7 = arith.constant 0 : index
    %swap3A_8 = vector.load %arg5[%swap3A, %swap3A_6, %swap3A_7] : memref<2x1000x128xf32, #tpu.memory_space<vmem>>, vector<1x1000x128xf32>
    %swap3A_9 = vector.shape_cast %swap3A_8 : vector<1x1000x128xf32> to vector<1000x128xf32>
    %swap3A_10 = vector.shape_cast %dot_general3A_5 : vector<1000x128xf32> to vector<1x1000x128xf32>
    tpu.vector_store %arg5[%swap3A, %swap3A_6, %swap3A_7], %swap3A_10 {strides = array<i32>} : memref<2x1000x128xf32, #tpu.memory_space<vmem>>, vector<1x1000x128xf32>,
    %slice3A_11 = vector.extract_strided_slice %get3A_4 {offsets = [0, 128], sizes = [256, 128], strides = [1, 1]} : vector<256x256xf32> to vector<256x128xf32>
    %dot_general3A_12 = arith.constant dense<0.000000e+00> : vector<1000x128xf32>
    %dot_general3A_13 = tpu.matmul %get3A_1, %slice3A_11, %dot_general3A_12 {dimension_numbers = #tpu.dot_dimension_numbers<[1], [0], [0], [1], [0, 0, 1, 1], [], []>, transpose_lhs_hint = false} : vector<1000x256xf32>, vector<256x128xf32>, vector<1000x128xf32> -> vector<1000x128xf32>
    %swap3A_14 = arith.constant 1 : index
    %swap3A_15 = arith.constant 0 : index
    %swap3A_16 = arith.constant 0 : index
    %swap3A_17 = vector.load %arg5[%swap3A_14, %swap3A_15, %swap3A_16] : memref<2x1000x128xf32, #tpu.memory_space<vmem>>, vector<1x1000x128xf32>
    %swap3A_18 = vector.shape_cast %swap3A_17 : vector<1x1000x128xf32> to vector<1000x128xf32>
    %swap3A_19 = vector.shape_cast %dot_general3A_13 : vector<1000x128xf32> to vector<1x1000x128xf32>
    tpu.vector_store %arg5[%swap3A_14, %swap3A_15, %swap3A_16], %swap3A_19 {strides = array<i32>} : memref<2x1000x128xf32, #tpu.memory_space<vmem>>, vector<1x1000x128xf32>,
    %get3A_20 = arith.constant 0 : index
    %get3A_21 = arith.constant 0 : index
    %get3A_22 = vector.load %arg3[%get3A_20, %get3A_21] : memref<256x256xf32, #tpu.memory_space<vmem>>, vector<256x256xf32>
    %dot_general3A_23 = arith.constant dense<0.000000e+00> : vector<1000x256xf32>
    %dot_general3A_24 = tpu.matmul %get3A_1, %get3A_22, %dot_general3A_23 {dimension_numbers = #tpu.dot_dimension_numbers<[1], [0], [0], [1], [0, 0, 1, 1], [], []>, transpose_lhs_hint = false} : vector<1000x256xf32>, vector<256x256xf32>, vector<1000x256xf32> -> vector<1000x256xf32>
    %get3A_25 = arith.constant 0 : index
    %get3A_26 = arith.constant 0 : index
    %get3A_27 = vector.load %arg4[%get3A_25, %get3A_26] : memref<1x256xf32, #tpu.memory_space<vmem>>, vector<1x256xf32>
    %add3A = vector.broadcast %get3A_27 : vector<1x256xf32> to vector<1000x256xf32>
    %add3A_28 = arith.addf %dot_general3A_24, %add3A : vector<1000x256xf32>
    %swap3A_29 = arith.constant 0 : index
    %swap3A_30 = arith.constant 0 : index
    %swap3A_31 = vector.load %arg6[%swap3A_29, %swap3A_30] : memref<1000x256xf32, #tpu.memory_space<vmem>>, vector<1000x256xf32>
    tpu.vector_store %arg6[%swap3A_29, %swap3A_30], %add3A_28 {strides = array<i32>} : memref<1000x256xf32, #tpu.memory_space<vmem>>, vector<1000x256xf32>,
    return
  }
  func.func @transform_0(%arg0: i32) -> (i32, i32) {
    %c0_i32 = arith.constant 0 : i32
    %c0_i32_0 = arith.constant 0 : i32
    return %arg0, %c0_i32 : i32, i32
  }
  func.func @transform_1(%arg0: i32) -> (i32, i32) {
    %c0_i32 = arith.constant 0 : i32
    %c0_i32_0 = arith.constant 0 : i32
    %c0_i32_1 = arith.constant 0 : i32
    return %c0_i32, %c0_i32_0 : i32, i32
  }
  func.func @transform_2(%arg0: i32) -> (i32, i32) {
    %c0_i32 = arith.constant 0 : i32
    %c0_i32_0 = arith.constant 0 : i32
    %c0_i32_1 = arith.constant 0 : i32
    return %c0_i32, %c0_i32_0 : i32, i32
  }
  func.func @transform_3(%arg0: i32) -> (i32, i32) {
    %c0_i32 = arith.constant 0 : i32
    %c0_i32_0 = arith.constant 0 : i32
    %c0_i32_1 = arith.constant 0 : i32
    return %c0_i32, %c0_i32_0 : i32, i32
  }
  func.func @transform_4(%arg0: i32) -> (i32, i32, i32) {
    %c0_i32 = arith.constant 0 : i32
    %c0_i32_0 = arith.constant 0 : i32
    %c0_i32_1 = arith.constant 0 : i32
    return %c0_i32, %arg0, %c0_i32_0 : i32, i32, i32
  }
  func.func @transform_5(%arg0: i32) -> (i32, i32) {
    %c0_i32 = arith.constant 0 : i32
    %c0_i32_0 = arith.constant 0 : i32
    return %arg0, %c0_i32 : i32, i32
  }
}

module attributes {stable_mosaic.version = 14 : i64} {
  func.func @sage_tc_mid(%arg0: i32, %arg1: memref<1000x256xf32, #tpu.memory_space<vmem>>, %arg2: memref<2x1000x128xf32, #tpu.memory_space<vmem>>, %arg3: memref<2x1000x128xf32, #tpu.memory_space<vmem>>, %arg4: memref<256x256xf32, #tpu.memory_space<vmem>>, %arg5: memref<256x256xf32, #tpu.memory_space<vmem>>, %arg6: memref<1x256xf32, #tpu.memory_space<vmem>>, %arg7: memref<2x1000x128xf32, #tpu.memory_space<vmem>>, %arg8: memref<1000x256xf32, #tpu.memory_space<vmem>>) attributes {dimension_semantics = [#tpu.dimension_semantics<arbitrary>], iteration_bounds = array<i64: 10>, scalar_prefetch = 0 : i64, scratch_operands = 0 : i64, tpu.core_type = #tpu.core_type<tc>, window_params = [{transform_indices = @transform_0, window_bounds = array<i64: 1000, 256>}, {transform_indices = @transform_1, window_bounds = array<i64: 2, 1000, 128>}, {transform_indices = @transform_2, window_bounds = array<i64: 2, 1000, 128>}, {pipeline_mode = #tpu.pipeline_mode<synchronous>, transform_indices = @transform_3, window_bounds = array<i64: 256, 256>}, {pipeline_mode = #tpu.pipeline_mode<synchronous>, transform_indices = @transform_4, window_bounds = array<i64: 256, 256>}, {pipeline_mode = #tpu.pipeline_mode<synchronous>, transform_indices = @transform_5, window_bounds = array<i64: 1, 256>}, {transform_indices = @transform_6, window_bounds = array<i64: 2, 1000, 128>}, {transform_indices = @transform_7, window_bounds = array<i64: 1000, 256>}]} {
    %get3A = arith.constant 0 : index
    %get3A_0 = arith.constant 0 : index
    %get3A_1 = arith.constant 0 : index
    %get3A_2 = vector.load %arg3[%get3A, %get3A_0, %get3A_1] : memref<2x1000x128xf32, #tpu.memory_space<vmem>>, vector<1x1000x1xf32>
    %get3A_3 = vector.shape_cast %get3A_2 : vector<1x1000x1xf32> to vector<1000x1xf32>
    %get3A_4 = arith.constant 1 : index
    %get3A_5 = arith.constant 0 : index
    %get3A_6 = arith.constant 0 : index
    %get3A_7 = vector.load %arg3[%get3A_4, %get3A_5, %get3A_6] : memref<2x1000x128xf32, #tpu.memory_space<vmem>>, vector<1x1000x1xf32>
    %get3A_8 = vector.shape_cast %get3A_7 : vector<1x1000x1xf32> to vector<1000x1xf32>
    %add3A = arith.addf %get3A_3, %get3A_8 : vector<1000x1xf32>
    %max3A = arith.constant 1.000000e+00 : f32
    %max3A_9 = vector.broadcast %max3A : f32 to vector<1000x1xf32>
    %max3A_10 = arith.maximumf %add3A, %max3A_9 : vector<1000x1xf32>
    %div3A = arith.constant 1.000000e+00 : f32
    %div3A_11 = vector.broadcast %div3A : f32 to vector<1000x1xf32>
    %div3A_12 = arith.divf %div3A_11, %max3A_10 : vector<1000x1xf32>
    %get3A_13 = arith.constant 0 : index
    %get3A_14 = arith.constant 0 : index
    %get3A_15 = arith.constant 0 : index
    %get3A_16 = vector.load %arg2[%get3A_13, %get3A_14, %get3A_15] : memref<2x1000x128xf32, #tpu.memory_space<vmem>>, vector<1x1000x128xf32>
    %get3A_17 = vector.shape_cast %get3A_16 : vector<1x1000x128xf32> to vector<1000x128xf32>
    %get3A_18 = arith.constant 1 : index
    %get3A_19 = arith.constant 0 : index
    %get3A_20 = arith.constant 0 : index
    %get3A_21 = vector.load %arg2[%get3A_18, %get3A_19, %get3A_20] : memref<2x1000x128xf32, #tpu.memory_space<vmem>>, vector<1x1000x128xf32>
    %get3A_22 = vector.shape_cast %get3A_21 : vector<1x1000x128xf32> to vector<1000x128xf32>
    %concatenate3A = tpu.concatenate %get3A_17, %get3A_22 in 1 : vector<1000x128xf32>, vector<1000x128xf32> -> vector<1000x256xf32>
    %get3A_23 = arith.constant 0 : index
    %get3A_24 = arith.constant 0 : index
    %get3A_25 = vector.load %arg1[%get3A_23, %get3A_24] : memref<1000x256xf32, #tpu.memory_space<vmem>>, vector<1000x256xf32>
    %mul3A = vector.broadcast %div3A_12 : vector<1000x1xf32> to vector<1000x256xf32>
    %mul3A_26 = arith.mulf %concatenate3A, %mul3A : vector<1000x256xf32>
    %add3A_27 = arith.addf %get3A_25, %mul3A_26 : vector<1000x256xf32>
    %max3A_28 = arith.constant 0.000000e+00 : f32
    %max3A_29 = vector.broadcast %max3A_28 : f32 to vector<1000x256xf32>
    %max3A_30 = arith.maximumf %add3A_27, %max3A_29 : vector<1000x256xf32>
    %get3A_31 = arith.constant 0 : index
    %get3A_32 = arith.constant 0 : index
    %get3A_33 = vector.load %arg4[%get3A_31, %get3A_32] : memref<256x256xf32, #tpu.memory_space<vmem>>, vector<256x256xf32>
    %slice3A = vector.extract_strided_slice %get3A_33 {offsets = [0, 0], sizes = [256, 128], strides = [1, 1]} : vector<256x256xf32> to vector<256x128xf32>
    %dot_general3A = arith.constant dense<0.000000e+00> : vector<1000x128xf32>
    %dot_general3A_34 = tpu.matmul %max3A_30, %slice3A, %dot_general3A {dimension_numbers = #tpu.dot_dimension_numbers<[1], [0], [0], [1], [0, 0, 1, 1], [], []>, transpose_lhs_hint = false} : vector<1000x256xf32>, vector<256x128xf32>, vector<1000x128xf32> -> vector<1000x128xf32>
    %swap3A = arith.constant 0 : index
    %swap3A_35 = arith.constant 0 : index
    %swap3A_36 = arith.constant 0 : index
    %swap3A_37 = vector.load %arg7[%swap3A, %swap3A_35, %swap3A_36] : memref<2x1000x128xf32, #tpu.memory_space<vmem>>, vector<1x1000x128xf32>
    %swap3A_38 = vector.shape_cast %swap3A_37 : vector<1x1000x128xf32> to vector<1000x128xf32>
    %swap3A_39 = vector.shape_cast %dot_general3A_34 : vector<1000x128xf32> to vector<1x1000x128xf32>
    tpu.vector_store %arg7[%swap3A, %swap3A_35, %swap3A_36], %swap3A_39 {strides = array<i32>} : memref<2x1000x128xf32, #tpu.memory_space<vmem>>, vector<1x1000x128xf32>,
    %slice3A_40 = vector.extract_strided_slice %get3A_33 {offsets = [0, 128], sizes = [256, 128], strides = [1, 1]} : vector<256x256xf32> to vector<256x128xf32>
    %dot_general3A_41 = arith.constant dense<0.000000e+00> : vector<1000x128xf32>
    %dot_general3A_42 = tpu.matmul %max3A_30, %slice3A_40, %dot_general3A_41 {dimension_numbers = #tpu.dot_dimension_numbers<[1], [0], [0], [1], [0, 0, 1, 1], [], []>, transpose_lhs_hint = false} : vector<1000x256xf32>, vector<256x128xf32>, vector<1000x128xf32> -> vector<1000x128xf32>
    %swap3A_43 = arith.constant 1 : index
    %swap3A_44 = arith.constant 0 : index
    %swap3A_45 = arith.constant 0 : index
    %swap3A_46 = vector.load %arg7[%swap3A_43, %swap3A_44, %swap3A_45] : memref<2x1000x128xf32, #tpu.memory_space<vmem>>, vector<1x1000x128xf32>
    %swap3A_47 = vector.shape_cast %swap3A_46 : vector<1x1000x128xf32> to vector<1000x128xf32>
    %swap3A_48 = vector.shape_cast %dot_general3A_42 : vector<1000x128xf32> to vector<1x1000x128xf32>
    tpu.vector_store %arg7[%swap3A_43, %swap3A_44, %swap3A_45], %swap3A_48 {strides = array<i32>} : memref<2x1000x128xf32, #tpu.memory_space<vmem>>, vector<1x1000x128xf32>,
    %get3A_49 = arith.constant 0 : index
    %get3A_50 = arith.constant 0 : index
    %get3A_51 = vector.load %arg5[%get3A_49, %get3A_50] : memref<256x256xf32, #tpu.memory_space<vmem>>, vector<256x256xf32>
    %dot_general3A_52 = arith.constant dense<0.000000e+00> : vector<1000x256xf32>
    %dot_general3A_53 = tpu.matmul %max3A_30, %get3A_51, %dot_general3A_52 {dimension_numbers = #tpu.dot_dimension_numbers<[1], [0], [0], [1], [0, 0, 1, 1], [], []>, transpose_lhs_hint = false} : vector<1000x256xf32>, vector<256x256xf32>, vector<1000x256xf32> -> vector<1000x256xf32>
    %get3A_54 = arith.constant 0 : index
    %get3A_55 = arith.constant 0 : index
    %get3A_56 = vector.load %arg6[%get3A_54, %get3A_55] : memref<1x256xf32, #tpu.memory_space<vmem>>, vector<1x256xf32>
    %add3A_57 = vector.broadcast %get3A_56 : vector<1x256xf32> to vector<1000x256xf32>
    %add3A_58 = arith.addf %dot_general3A_53, %add3A_57 : vector<1000x256xf32>
    %swap3A_59 = arith.constant 0 : index
    %swap3A_60 = arith.constant 0 : index
    %swap3A_61 = vector.load %arg8[%swap3A_59, %swap3A_60] : memref<1000x256xf32, #tpu.memory_space<vmem>>, vector<1000x256xf32>
    tpu.vector_store %arg8[%swap3A_59, %swap3A_60], %add3A_58 {strides = array<i32>} : memref<1000x256xf32, #tpu.memory_space<vmem>>, vector<1000x256xf32>,
    return
  }
  func.func @transform_0(%arg0: i32) -> (i32, i32) {
    %c0_i32 = arith.constant 0 : i32
    %c0_i32_0 = arith.constant 0 : i32
    return %arg0, %c0_i32 : i32, i32
  }
  func.func @transform_1(%arg0: i32) -> (i32, i32, i32) {
    %c0_i32 = arith.constant 0 : i32
    %c0_i32_0 = arith.constant 0 : i32
    %c0_i32_1 = arith.constant 0 : i32
    return %c0_i32, %arg0, %c0_i32_0 : i32, i32, i32
  }
  func.func @transform_2(%arg0: i32) -> (i32, i32, i32) {
    %c0_i32 = arith.constant 0 : i32
    %c0_i32_0 = arith.constant 0 : i32
    %c0_i32_1 = arith.constant 0 : i32
    return %c0_i32, %arg0, %c0_i32_0 : i32, i32, i32
  }
  func.func @transform_3(%arg0: i32) -> (i32, i32) {
    %c0_i32 = arith.constant 0 : i32
    %c0_i32_0 = arith.constant 0 : i32
    %c0_i32_1 = arith.constant 0 : i32
    return %c0_i32, %c0_i32_0 : i32, i32
  }
  func.func @transform_4(%arg0: i32) -> (i32, i32) {
    %c0_i32 = arith.constant 0 : i32
    %c0_i32_0 = arith.constant 0 : i32
    %c0_i32_1 = arith.constant 0 : i32
    return %c0_i32, %c0_i32_0 : i32, i32
  }
  func.func @transform_5(%arg0: i32) -> (i32, i32) {
    %c0_i32 = arith.constant 0 : i32
    %c0_i32_0 = arith.constant 0 : i32
    %c0_i32_1 = arith.constant 0 : i32
    return %c0_i32, %c0_i32_0 : i32, i32
  }
  func.func @transform_6(%arg0: i32) -> (i32, i32, i32) {
    %c0_i32 = arith.constant 0 : i32
    %c0_i32_0 = arith.constant 0 : i32
    %c0_i32_1 = arith.constant 0 : i32
    return %c0_i32, %arg0, %c0_i32_0 : i32, i32, i32
  }
  func.func @transform_7(%arg0: i32) -> (i32, i32) {
    %c0_i32 = arith.constant 0 : i32
    %c0_i32_0 = arith.constant 0 : i32
    return %arg0, %c0_i32 : i32, i32
  }
}

module attributes {stable_mosaic.version = 14 : i64} {
  func.func @sage_tc_out(%arg0: i32, %arg1: memref<1000x256xf32, #tpu.memory_space<vmem>>, %arg2: memref<2x1000x128xf32, #tpu.memory_space<vmem>>, %arg3: memref<2x1000x128xf32, #tpu.memory_space<vmem>>, %arg4: memref<1000x256xf32, #tpu.memory_space<vmem>>) attributes {dimension_semantics = [#tpu.dimension_semantics<arbitrary>], iteration_bounds = array<i64: 10>, scalar_prefetch = 0 : i64, scratch_operands = 0 : i64, tpu.core_type = #tpu.core_type<tc>, window_params = [{transform_indices = @transform_0, window_bounds = array<i64: 1000, 256>}, {transform_indices = @transform_1, window_bounds = array<i64: 2, 1000, 128>}, {transform_indices = @transform_2, window_bounds = array<i64: 2, 1000, 128>}, {transform_indices = @transform_3, window_bounds = array<i64: 1000, 256>}]} {
    %get3A = arith.constant 0 : index
    %get3A_0 = arith.constant 0 : index
    %get3A_1 = arith.constant 0 : index
    %get3A_2 = vector.load %arg3[%get3A, %get3A_0, %get3A_1] : memref<2x1000x128xf32, #tpu.memory_space<vmem>>, vector<1x1000x1xf32>
    %get3A_3 = vector.shape_cast %get3A_2 : vector<1x1000x1xf32> to vector<1000x1xf32>
    %get3A_4 = arith.constant 1 : index
    %get3A_5 = arith.constant 0 : index
    %get3A_6 = arith.constant 0 : index
    %get3A_7 = vector.load %arg3[%get3A_4, %get3A_5, %get3A_6] : memref<2x1000x128xf32, #tpu.memory_space<vmem>>, vector<1x1000x1xf32>
    %get3A_8 = vector.shape_cast %get3A_7 : vector<1x1000x1xf32> to vector<1000x1xf32>
    %add3A = arith.addf %get3A_3, %get3A_8 : vector<1000x1xf32>
    %max3A = arith.constant 1.000000e+00 : f32
    %max3A_9 = vector.broadcast %max3A : f32 to vector<1000x1xf32>
    %max3A_10 = arith.maximumf %add3A, %max3A_9 : vector<1000x1xf32>
    %div3A = arith.constant 1.000000e+00 : f32
    %div3A_11 = vector.broadcast %div3A : f32 to vector<1000x1xf32>
    %div3A_12 = arith.divf %div3A_11, %max3A_10 : vector<1000x1xf32>
    %get3A_13 = arith.constant 0 : index
    %get3A_14 = arith.constant 0 : index
    %get3A_15 = arith.constant 0 : index
    %get3A_16 = vector.load %arg2[%get3A_13, %get3A_14, %get3A_15] : memref<2x1000x128xf32, #tpu.memory_space<vmem>>, vector<1x1000x128xf32>
    %get3A_17 = vector.shape_cast %get3A_16 : vector<1x1000x128xf32> to vector<1000x128xf32>
    %get3A_18 = arith.constant 1 : index
    %get3A_19 = arith.constant 0 : index
    %get3A_20 = arith.constant 0 : index
    %get3A_21 = vector.load %arg2[%get3A_18, %get3A_19, %get3A_20] : memref<2x1000x128xf32, #tpu.memory_space<vmem>>, vector<1x1000x128xf32>
    %get3A_22 = vector.shape_cast %get3A_21 : vector<1x1000x128xf32> to vector<1000x128xf32>
    %concatenate3A = tpu.concatenate %get3A_17, %get3A_22 in 1 : vector<1000x128xf32>, vector<1000x128xf32> -> vector<1000x256xf32>
    %get3A_23 = arith.constant 0 : index
    %get3A_24 = arith.constant 0 : index
    %get3A_25 = vector.load %arg1[%get3A_23, %get3A_24] : memref<1000x256xf32, #tpu.memory_space<vmem>>, vector<1000x256xf32>
    %mul3A = vector.broadcast %div3A_12 : vector<1000x1xf32> to vector<1000x256xf32>
    %mul3A_26 = arith.mulf %concatenate3A, %mul3A : vector<1000x256xf32>
    %add3A_27 = arith.addf %get3A_25, %mul3A_26 : vector<1000x256xf32>
    %swap3A = arith.constant 0 : index
    %swap3A_28 = arith.constant 0 : index
    %swap3A_29 = vector.load %arg4[%swap3A, %swap3A_28] : memref<1000x256xf32, #tpu.memory_space<vmem>>, vector<1000x256xf32>
    tpu.vector_store %arg4[%swap3A, %swap3A_28], %add3A_27 {strides = array<i32>} : memref<1000x256xf32, #tpu.memory_space<vmem>>, vector<1000x256xf32>,
    return
  }
  func.func @transform_0(%arg0: i32) -> (i32, i32) {
    %c0_i32 = arith.constant 0 : i32
    %c0_i32_0 = arith.constant 0 : i32
    return %arg0, %c0_i32 : i32, i32
  }
  func.func @transform_1(%arg0: i32) -> (i32, i32, i32) {
    %c0_i32 = arith.constant 0 : i32
    %c0_i32_0 = arith.constant 0 : i32
    %c0_i32_1 = arith.constant 0 : i32
    return %c0_i32, %arg0, %c0_i32_0 : i32, i32, i32
  }
  func.func @transform_2(%arg0: i32) -> (i32, i32, i32) {
    %c0_i32 = arith.constant 0 : i32
    %c0_i32_0 = arith.constant 0 : i32
    %c0_i32_1 = arith.constant 0 : i32
    return %c0_i32, %arg0, %c0_i32_0 : i32, i32, i32
  }
  func.func @transform_3(%arg0: i32) -> (i32, i32) {
    %c0_i32 = arith.constant 0 : i32
    %c0_i32_0 = arith.constant 0 : i32
    return %arg0, %c0_i32 : i32, i32
  }
}

</mosaic_0001>

<sc_bundles>
// kernel: sage_sc_degree.3.cloned.1.call-start
scs
__scs_entry_jumppad:
0x0: {  	(pc) =	sbr.rel $0x88, $3  }
0x1: {  	(tag) =	ssettag $0x0;
	lr =	simm.s32 $0x1  }
0x2: {  	[smem:$0x3F99] =	sst lr;
	_ =	strace $0xD0000000  }
0x3: {  	_ = 	snop  }
0x4: {  	_ = 	snop  }
0x5: {  	_ = 	snop  }
0x6: {  	_ = 	snop  }
0x7: {  	_ = 	snop  }
__scs_overlays_trampoline_lowered:
0x8: {  	[smem:$0x3FA8] =	sst s0  }
0x9: {  	[smem:$0x3FA9] =	sst s1  }
0xa: {  	[smem:$0x3FAA] =	sst s2  }
0xb: {  	[smem:$0x3FAB] =	sst s3  }
0xc: {  	[smem:$0x3FAC] =	sst s4  }
0xd: {  	[smem:$0x3FAD] =	sst s5  }
0xe: {  	[smem:$0x3FAE] =	sst s6  }
0xf: {  	[smem:$0x3FAF] =	sst s7  }
0x10: {  	[smem:$0x3FB0] =	sst s8  }
0x11: {  	[smem:$0x3FB1] =	sst s9;
	s0 =	simm.s32 @!p0 $0x0  }
0x12: {  	s1 =	sld [smem:$0x3F97];
	s0 =	simm.s32 @p0 $0x1  }
0x13: {  	[smem:$0x3FB2] =	sst s0;
	s0 =	simm.s32 @!p1 $0x0  }
0x14: {  	s2 =	sld [smem:$0x3F96];
	s0 =	simm.s32 @p1 $0x1  }
0x15: {  	[smem:$0x3FB3] =	sst s0;
	s0 =	simm.s32 @!p2 $0x0  }
0x16: {  	s3 =	sld [smem:$0x3FDB];
	s0 =	simm.s32 @p2 $0x1  }
0x17: {  	s4 =	simm.s32 $0x1BF5;
	[smem:$0x3FB5] =	sst s0  }
0x18: {  	s0 =	sld [smem:$0x3F98];
	_ =	swait.ge [sflag:s4], $0x0  }
0x19: {  	s7 =	sld [smem:$0x3F99]  }
0x1a: {  	s8 =	sadd.s32 $0xFFFFE003, lr  }
0x1b: {  	s9 =	sadd.s32 $0xFFFFFEF7, lr;
	s5 =	simm.s32 $0xFFFFFFFF;
	p2 =	slt.u32 s8, $0xFFFFF086  }
0x1c: {  	p1 =	slt.u32 s9, $0xF7A;
	s5 =	simm.s32 @!p2 $0x0  }
0x1d: {  	s5 =	simm.s32 @p1 $0x1;
	p0 =	seq.s32 s7, s2  }
0x1e: {  	s7 =	smul.u32 @!p0 $0xF7A, s2;
	p2 =	seq.s32 @!p0 s5, $0x0  }
0x1f: {  	s9 =	smul.u32 $0xF7A, s1;
	s8 =	simm.s32 @!p0 $0x1BF5;
	p2 =	por !p2, p0  }
0x20: {  	[sflag:s8] =	ssyncset.s32 @!p0 $0xFFFFF086;
	s6 =	sadd.s32 @!p0 s3, s7;
	s7 =	simm.s32 @!p0 $0x108  }
0x21: {  	s3 =	sadd.s32 s3, s9;
	s6 =	sadd.s32 @!p0 $0x88, s6;
	s7 =	simm.s32 @p2 $0x1082  }
0x22: {  	[simem:s7], [sflag:s8] =	dma.local @!p0 [hbm:s6], $0xF7A  }
0x23: {  	s9 =	sor.u32 $0xD0000000, s2;
	s6 =	simm.s32 $0x108;
	_ =	swait.ge @!p0 [sflag:s8], $0x0  }
0x24: {  	s3 =	sadd.s32 $0x88, s3;
	s6 =	simm.s32 @!p1 $0x1082;
	[sflag:s4] =	ssyncset.s32 $0xFFFFF086  }
0x25: {  	[simem:s6], [sflag:s4] =	dma.local [hbm:s3], $0xF7A  }
0x26: {  	[smem:$0x3F99] =	sst s1;
	(tag) =	ssettag s2;
	_ =	strace s9  }
0x27: {  	s1 =	sld [smem:$0x3FA9]  }
0x28: {  	s2 =	sld [smem:$0x3FAA]  }
0x29: {  	s4 =	sld [smem:$0x3FAC]  }
0x2a: {  	p0 =	seq.s32 s5, $0x0;
	s5 =	sld [smem:$0x3FAD]  }
0x2b: {  	s6 =	sld [smem:$0x3FAE]  }
0x2c: {  	s7 =	sld [smem:$0x3FAF]  }
0x2d: {  	s3 =	simm.s32 $0x108;
	s8 =	sld [smem:$0x3FB0]  }
0x2e: {  	s3 =	simm.s32 @!p0 $0x1082;
	s9 =	sld [smem:$0x3FB1]  }
0x2f: {  	lr =	sadd.s32 s0, s3;
	s0 =	sld [smem:$0x3FA8]  }
0x30: {  	s3 =	sld [smem:$0x3FAB]  }
0x31: {  	[smem:$0x3FB4] =	sst s10  }
0x32: {  	s10 =	sld [smem:$0x3FB2];
	_ =	sdelay $0x3  }
0x33: {  	p0 =	seq.s32 s10, $0x1;
	s10 =	sld [smem:$0x3FB4];
	_ =	sdelay $0x3  }
0x34: {  	[smem:$0x3FB4] =	sst s10  }
0x35: {  	s10 =	sld [smem:$0x3FB3];
	_ =	sdelay $0x3  }
0x36: {  	p1 =	seq.s32 s10, $0x1;
	s10 =	sld [smem:$0x3FB4];
	_ =	sdelay $0x3  }
0x37: {  	[smem:$0x3FB4] =	sst s10  }
0x38: {  	s10 =	sld [smem:$0x3FB5]  }
0x39: {  	_ = 	snop;
	(pc) =	sbr.ind lr, $3  }
0x3a: {  	_ = 	snop  }
0x3b: {  	_ = 	snop  }
0x3c: {  	p2 =	seq.s32 s10, $0x1;
	s10 =	sld [smem:$0x3FB4]  }
0x3d: {  	_ =	shalt  }
0x3e: {  	_ =	shalt  }
0x3f: {  	_ =	shalt  }
0x40: {  	_ =	shalt  }
0x41: {  	_ =	shalt  }
0x42: {  	_ =	shalt  }
0x43: {  	_ =	shalt  }
0x44: {  	_ =	shalt  }
0x45: {  	_ =	shalt  }
0x46: {  	_ =	shalt  }
0x47: {  	_ =	shalt  }
0x48: {  	_ =	shalt  }
0x49: {  	_ =	shalt  }
0x4a: {  	_ =	shalt  }
0x4b: {  	_ =	shalt  }
0x4c: {  	_ =	shalt  }
0x4d: {  	_ =	shalt  }
0x4e: {  	_ =	shalt  }
0x4f: {  	_ =	shalt  }
0x50: {  	_ =	shalt  }
0x51: {  	_ =	shalt  }
0x52: {  	_ =	shalt  }
0x53: {  	_ =	shalt  }
0x54: {  	_ =	shalt  }
0x55: {  	_ =	shalt  }
0x56: {  	_ =	shalt  }
0x57: {  	_ =	shalt  }
0x58: {  	_ =	shalt  }
0x59: {  	_ =	shalt  }
0x5a: {  	_ =	shalt  }
0x5b: {  	_ =	shalt  }
0x5c: {  	_ =	shalt  }
0x5d: {  	_ =	shalt  }
0x5e: {  	_ =	shalt  }
0x5f: {  	_ =	shalt  }
0x60: {  	_ =	shalt  }
0x61: {  	_ =	shalt  }
0x62: {  	_ =	shalt  }
0x63: {  	_ =	shalt  }
0x64: {  	_ =	shalt  }
0x65: {  	_ =	shalt  }
0x66: {  	_ =	shalt  }
0x67: {  	_ =	shalt  }
0x68: {  	_ =	shalt  }
0x69: {  	_ =	shalt  }
0x6a: {  	_ =	shalt  }
0x6b: {  	_ =	shalt  }
0x6c: {  	_ =	shalt  }
0x6d: {  	_ =	shalt  }
0x6e: {  	_ =	shalt  }
0x6f: {  	_ =	shalt  }
0x70: {  	_ =	shalt  }
0x71: {  	_ =	shalt  }
0x72: {  	_ =	shalt  }
0x73: {  	_ =	shalt  }
0x74: {  	_ =	shalt  }
0x75: {  	_ =	shalt  }
0x76: {  	_ =	shalt  }
0x77: {  	_ =	shalt  }
0x78: {  	_ =	shalt  }
0x79: {  	_ =	shalt  }
0x7a: {  	_ =	shalt  }
0x7b: {  	_ =	shalt  }
0x7c: {  	_ =	shalt  }
0x7d: {  	_ =	shalt  }
0x7e: {  	_ =	shalt  }
0x7f: {  	_ =	shalt  }
0x80: {  	_ =	shalt  }
0x81: {  	_ =	shalt  }
0x82: {  	_ =	shalt  }
0x83: {  	_ =	shalt  }
0x84: {  	_ =	shalt  }
0x85: {  	_ =	shalt  }
0x86: {  	_ =	shalt  }
0x87: {  	_ =	shalt  }
.Lfunc_end0:
.L_simem_size_0:
called_computation_lowered:
.L_overlay_start_0:
0x88: {  	s2 =	sld [smem:$0x3FD9]  }
0x89: {  	s3 =	sld [smem:$0x3FFE];
	_ =	sdelay $0x1  }
0x8a: {  	s1 =	srdreg.scid  }
0x8b: {  	s0 =	sand.u32 $0x1, s1  }
0x8c: {  	s16 =	sshll.u32 s0, $0xA;
	s2 =	sadd.s32 s3, s2  }
0x8d: {  	s2 =	sadd.s32 s2, s16  }
0x8e: {  	[smem:$0x3FC0] =	sst s2  }
0x8f: {  	_ = 	snop  }
0x90: {  	(tm) =	ssettm $0x1  }
0x91: {  	s17 =	sld [smem:$0x3FFB];
	_ =	sdelay $0x3  }
0x92: {  	_ =	strace s17  }
0x93: {  	s2 =	sld [smem:$0x3FFC];
	_ =	sdelay $0x3  }
0x94: {  	_ =	strace s2  }
0x95: {  	s2 =	sld [smem:$0x3FFD];
	_ =	sdelay $0x3  }
0x96: {  	_ =	strace s2  }
0x97: {  	_ =	strace $0x8FFFFFFF  }
0x98: {  	s18 =	sld [smem:$0x3FDB];
	_ =	sdelay $0x1  }
0x99: {  	s19 =	simm.s32 $_scs_section_size  }
0x9a: {  	s4 =	simm.s32 $_size__tile_overlayer_lowered;
	s5 =	simm.s32 $_tile_overlayer_lowered  }
0x9b: {  	s22 =	simm.s32 $0x1BFF;
	s21 =	sshll.u32 s5, $0x1;
	s2 =	sadd.s32 s19, s18  }
0x9c: {  	s6 =	simm.s32 $0x0;
	s20 =	sshll.u32 s4, $0x1;
	s4 =	sadd.s32 s21, s2  }
0x9d: {  	[timem:s6], [sflag:s22] =	dma.local [hbm:s4], s20  }
0x9e: {  	_ =	swait.ge [sflag:s22], s20  }
0x9f: {  	s3 =	ssub.s32 $0x0, s20;
	[sflag:s22] =	ssyncset.done $0x0  }
0xa0: {  	[sflag:s22] =	ssyncadd.s32 s3;
	_ =	sdelay $0x1  }
0xa1: {  	s23 =	simm.s32 $0x1B8B  }
0xa2: {  	_ =	swait.ge [sflag:s23], $0x1  }
0xa3: {  	[sflag:s23] =	ssyncset.done $0x0  }
0xa4: {  	s25 =	simm.s32 $0x1B8E;
	s24 =	sld [smem:$0x3FFE];
	[sflag:s23] =	ssyncadd.s32 $0xFFFFFFFF  }
0xa5: {  	s26 =	simm.s32 $execute0_lowered;
	[smem:$0x3FD2] =	sst s25  }
0xa6: {  	s4 =	sshll.u32 s26, $0x1;
	_ =	strace $0x80000046;
	[dreg:$0x1] =	wrdreg $0xFFFFFFFF  }
0xa7: {  	s28 =	simm.s32 $_size_execute0_lowered;
	s2 =	sadd.s32 s2, s4;
	[dreg:$0x0] =	wrdreg $0x0  }
0xa8: {  	s4 =	sshll.u32 s28, $0x1;
	[dreg:$0x2] =	wrdreg s2  }
0xa9: {  	[dreg:$0x3] =	wrdreg s4  }
0xaa: {  	[dreg:$0x4] =	wrdreg $0xC0  }
0xab: {  	_ =	task [dreg:s6], $0x5FFFF  }
0xac: {  	[dreg:$0x1] =	wrdreg $0xFFFFFFFF  }
0xad: {  	[dreg:$0x0] =	wrdreg $0x60  }
0xae: {  	[dreg:$0x2] =	wrdreg s24  }
0xaf: {  	[dreg:$0x3] =	wrdreg $0x0  }
0xb0: {  	[dreg:$0x4] =	wrdreg $0x9  }
0xb1: {  	_ =	task.clear_ibuf [dreg:s6], $0x5FFFF;
	_ =	strace $0x90000046  }
0xb2: {  	s29 =	simm.s32 $0x9;
	_ =	strace $0x80000048  }
0xb3: {  	_ =	swait.ge [sflag:s29], $0x1  }
0xb4: {  	[sflag:s29] =	ssyncadd.s32 $0xFFFFFFFF  }
0xb5: {  	_ =	strace $0x90000048  }
0xb6: {  	_ =	sfence  }
0xb7: {  	s30 =	sld [smem:$0x0];
	_ =	sdelay $0x2  }
0xb8: {  	s31 =	sshll.u32 s1, $0xD;
	s1 =	sshrl.u32 s1, $0x2  }
0xb9: {  	s3 =	sand.u32 $0x4000, s31;
	s1 =	sadd.s32 s1, s30  }
0xba: {  	s0 =	sor.u32 s3, s0;
	s1 =	sshll.u32 s1, $0x11  }
0xbb: {  	s0 =	sor.u32 s1, s0  }
0xbc: {  	s0 =	sadd.s32 $0x8F2B, s0  }
0xbd: {  	[sflag:s0] =	ssyncadd.remote.s32 $0x1  }
0xbe: {  	_ =	sfence.sel $0xFFFF  }
0xbf: {  	[dreg:$0x0] =	wrdreg $0xFFFFFFFF;
	(pc) =	sbr.abs _section_cstart, $3  }
0xc0: {  	[dreg:$0x1] =	wrdreg $0xFFFFFFFF  }
0xc1: {  	_ =	task.clear_ibuf [dreg:s6], $0x2FFFF;
	_ =	strace $0x9FFFFFFF  }
0xc2: {  	(tm) =	ssettm $0x7FFFFFFF  }
0xc3: {  	_ =	shalt  }
tec
execute0_lowered:
.L_overlay_start_1:
0x0: {  	(tag) =	ssettag $0x1  }
0x1: {  	s6 =	rddreg [dreg:$0x0]  }
0x2: {  	s2 =	rddreg [dreg:$0x1];
	s4 =	srdreg.scid  }
0x3: {  	s0 =	stileid.u32;
	s3 =	simm.s32 $0x0;
	s18 =	simm.s32 $0x14D00  }
0x4: {  	s17 =	simm.s32 $0x13C00;
	s19 =	simm.s32 $0x20;
	s20 =	simm.s32 $0x14D80  }
0x5: {  	s21 =	simm.s32 $0x3;
	s7 =	sand.u32 $0x1, s4;
	s5 =	smul.u32 $0x2780, s0  }
0x6: {  	[smem:$0x7FF] =	sst s3;
	s12 =	sadd.s32 $0x1C00, s6;
	s23 =	smul.u32 $0x4F000, s0  }
0x7: {  	s1 =	sadd.s32 $0x6C00, s6;
	s22 =	sadd.s32 $0x6E00, s6;
	s13 =	smul.u32 $0x1400, s0  }
0x8: {  	s28 =	sshll.u32 s0, $0x6;
	_ =	strace $0x80000047;
	[dreg:$0x6] =	wrdreg s1  }
0x9: {  	s8 =	smul.u32 $0x27800, s7;
	s4 =	sshll.u32 s7, $0x4;
	[dreg:$0x7] =	wrdreg s22  }
0xa: {  	s11 =	ssub.s32 $0x2, s7;
	s25 =	smul.u32 $0x14000, s7;
	[dreg:$0x4] =	wrdreg s18  }
0xb: {  	s18 =	simm.s32 $0x1;
	s22 =	simm.s32 $0x2;
	s9 =	sor.u32 s0, s4  }
0xc: {  	s26 =	sshrl.u32 s11, $0x1;
	s8 =	sadd.s32 s5, s8;
	s9 =	smul.u32 $0x1400, s9  }
0xd: {  	s11 =	ssub.s32 s11, s26;
	s13 =	sadd.s32 s13, s25;
	s25 =	simm.s32 $0x8  }
0xe: {  	s26 =	simm.s32 $0x0;
	s10 =	sadd.s32 s8, s6;
	s8 =	sshrl.u32 s23, $0x2  }
0xf: {  	s14 =	sor.u32 $0xA0, s13;
	s30 =	sor.u32 $0x60, s13;
	s16 =	sor.u32 $0x40, s13  }
0x10: {  	s13 =	sor.u32 $0x80, s13;
	s23 =	simm.s32 $0x7;
	s24 =	sshrl.u32 s9, $0x3  }
0x11: {  	s15 =	sadd.s32 s8, s2;
	s8 =	sor.u32 $0x1C09, s28;
	s9 =	sadd.s32 $0x9600, s10  }
0x12: {  	s10 =	smax.u32 s11, $0x1;
	s29 =	sshrl.u32 s14, $0x3;
	s14 =	sshrl.u32 s30, $0x3  }
0x13: {  	s16 =	sshrl.u32 s16, $0x3;
	s13 =	sshrl.u32 s13, $0x3;
	s6 =	sadd.s32 s12, s24  }
0x14: {  	s11 =	sadd.s32 s29, s12;
	s14 =	sadd.s32 s14, s12;
	s31 =	sadd.s32 s16, s12  }
0x15: {  	s12 =	sadd.s32 s13, s12;
	s13 =	simm.s32 $0x14C00;
	s15 =	sshrl.u32 s15, $0x3  }
0x16: {  	s16 =	simm.s32 $0x9;
	s24 =	simm.s32 $0x6;
	[dreg:$0x5] =	wrdreg s14  }
0x17: {  	s7 =	sadd.s32 $0x4, s6;
	[dreg:$0x3] =	wrdreg s31;
	s14 =	simm.s32 $0x14C80  }
.LBB2_1:
0x18: {  	[tilespmem:s13], [sflag:$0x1] =	stream.linear.gather [hbm4b:s6+s3], $0x20, $0x38;
	[tilespmem:$0x14E00] =	vst v63  }
0x19: {  	s0 =	rddreg [dreg:$0x7]  }
0x1a: {  	[tilespmem:s14], [sflag:$0x3] =	stream.linear.gather [hbm4b:s7+s3], $0x20, $0x38;
	[tilespmem:$0x14E00] =	vst v63  }
0x1b: {  	[spmem:s15], [sflag:s8] =	dma.local [hbm:s0], $0x2780  }
0x1c: {  	_ =	swait.ge [sflag:s16], $0x2780  }
0x1d: {  	[sflag:s16] =	ssyncset.done $0x0  }
0x1e: {  	s31 =	rddreg [dreg:$0x6];
	[sflag:s16] =	ssyncadd.s32 $0xFFFFD880  }
0x1f: {  	[tilespmem:s17], [sflag:$0x9] =	stream.linear.gather [hbm4b:s31+s3], $0x1000, $0x38;
	[tilespmem:$0x14E00] =	vst v63  }
0x20: {  	_ =	swait.ge [sflag:s16], $0x1000  }
0x21: {  	[sflag:s16] =	ssyncset.done $0x0  }
0x22: {  	p0 =	por $0x1, $0x1;
	[sflag:s16] =	ssyncadd.s32 $0xFFFFF000  }
0x23: {  	s28 =	simm.s32 @!p0 $0x6;
	[bflag:$0x0] =	sbarrier.arrive $0xFFFF  }
0x24: {  	_ =	swait.ge @!p0 [sflag:s28], $0x1000  }
0x25: {  	s29 =	rddreg [dreg:$0x3];
	[sflag:s28] =	ssyncset.done @!p0 $0x0  }
0x26: {  	s30 =	rddreg [dreg:$0x4];
	[sflag:s28] =	ssyncadd.s32 @!p0 $0xFFFFF000;
	s28 =	sadd.s32 $0x0, s29  }
0x27: {  	[tilespmem:s30], [sflag:$0x5] =	stream.linear.gather [hbm4b:s28+s3], $0x20, $0x38;
	[tilespmem:$0x14E00] =	vst v63  }
0x28: {  	_ =	swait.ge [sflag:s18], $0x20  }
0x29: {  	[sflag:s18] =	ssyncset.done $0x0  }
0x2a: {  	s28 =	simm.s32 @!p0 $0x8;
	[sflag:s18] =	ssyncadd.s32 $0xFFFFFFE0  }
0x2b: {  	[spmem:s2] =	stream.indirect.scatter.add.f32 [tilespmem:s17], [sflag:$0x2], $0x80, s13, s19, $0xb8;
	[tilespmem:$0x14E00] =	vst v63  }
0x2c: {  	_ =	swait.ge @!p0 [sflag:s28], $0x1000  }
0x2d: {  	s29 =	rddreg [dreg:$0x5];
	[sflag:s28] =	ssyncset.done @!p0 $0x0  }
0x2e: {  	[sflag:s28] =	ssyncadd.s32 @!p0 $0xFFFFF000;
	s28 =	sadd.s32 $0x0, s29  }
0x2f: {  	[tilespmem:s20], [sflag:$0x7] =	stream.linear.gather [hbm4b:s28+s3], $0x20, $0x38;
	[tilespmem:$0x14E00] =	vst v63  }
0x30: {  	_ =	swait.ge [sflag:s21], $0x20  }
0x31: {  	[sflag:s21] =	ssyncset.done $0x0  }
0x32: {  	[sflag:s21] =	ssyncadd.s32 $0xFFFFFFE0  }
0x33: {  	[spmem:s2] =	stream.indirect.scatter.add.f32 [tilespmem:s17], [sflag:$0x4], $0x80, s14, s19, $0xb8;
	[tilespmem:$0x14E00] =	vst v63  }
0x34: {  	_ =	swait.ge [sflag:s22], $0x1000  }
0x35: {  	p0 =	por $0x0, $0x0;
	[sflag:s22] =	ssyncset.done $0x0  }
0x36: {  	s28 =	simm.s32 @p0 $0x5;
	[sflag:s22] =	ssyncadd.s32 $0xFFFFF000  }
0x37: {  	_ =	swait.ge @p0 [sflag:s28], $0x20  }
0x38: {  	s29 =	simm.s32 @p0 $0x13C00;
	s30 =	simm.s32 @p0 $0x4;
	[sflag:s28] =	ssyncset.done @p0 $0x0  }
0x39: {  	s31 =	simm.s32 @p0 $0x14D00;
	[sflag:s28] =	ssyncadd.s32 @p0 $0xFFFFFFE0;
	s28 =	simm.s32 @p0 $0x20  }
0x3a: {  	[spmem:s2] =	stream.indirect.scatter.add.f32 @p0 [tilespmem:s29], [sflag:$0x6], $0x80, s31, s28, $0xb8;
	[tilespmem:$0x14E00] =	vst v63  }
0x3b: {  	_ =	swait.ge @p0 [sflag:s30], $0x1000  }
0x3c: {  	s28 =	simm.s32 @!p0 $0x14C00;
	s29 =	simm.s32 @!p0 $0x5;
	[sflag:s30] =	ssyncset.done @p0 $0x0  }
0x3d: {  	s31 =	simm.s32 @!p0 $0x0;
	[sflag:s30] =	ssyncadd.s32 @p0 $0xFFFFF000;
	s30 =	sadd.s32 @!p0 $0x0, s12  }
0x3e: {  	[tilespmem:s28], [sflag:$0x1] =	stream.linear.gather @!p0 [hbm4b:s30+s31], $0x20, $0x38;
	[tilespmem:$0x14E00] =	vst v63  }
0x3f: {  	_ =	swait.ge @!p0 [sflag:s29], $0x20  }
0x40: {  	s28 =	simm.s32 @!p0 $0x13C00;
	[sflag:s29] =	ssyncset.done @!p0 $0x0  }
0x41: {  	s30 =	simm.s32 @!p0 $0x14D00;
	[sflag:s29] =	ssyncadd.s32 @!p0 $0xFFFFFFE0;
	s29 =	simm.s32 @!p0 $0x20  }
0x42: {  	[spmem:s2] =	stream.indirect.scatter.add.f32 @!p0 [tilespmem:s28], [sflag:$0x6], $0x80, s30, s29, $0xb8;
	[tilespmem:$0x14E00] =	vst v63  }
0x43: {  	s28 =	simm.s32 @!p0 $0x4  }
0x44: {  	_ =	swait.ge @!p0 [sflag:s28], $0x1000  }
0x45: {  	[sflag:s28] =	ssyncset.done @!p0 $0x0  }
0x46: {  	s29 =	simm.s32 @!p0 $0x14C80;
	[sflag:s28] =	ssyncadd.s32 @!p0 $0xFFFFF000;
	s28 =	sadd.s32 @!p0 $0x0, s11  }
0x47: {  	[tilespmem:s29], [sflag:$0x3] =	stream.linear.gather @!p0 [hbm4b:s28+s31], $0x20, $0x38;
	[tilespmem:$0x14E00] =	vst v63  }
0x48: {  	p1 =	por $0x0, $0x0;
	_ =	swait.ge [sflag:s23], $0x20  }
0x49: {  	s28 =	simm.s32 $0x10;
	s29 =	simm.s32 $0x20;
	[sflag:s23] =	ssyncset.done $0x0  }
.LBB2_2:
0x4a: {  	s31 =	simm.s32 @!p1 $0x6;
	[sflag:s23] =	ssyncadd.s32 $0xFFFFFFE0  }
0x4b: {  	[spmem:s2] =	stream.indirect.scatter.add.f32 [tilespmem:s17], [sflag:$0x8], $0x80, s20, s19, $0xb8;
	[tilespmem:$0x14E00] =	vst v63  }
0x4c: {  	_ =	swait.ge @!p1 [sflag:s31], $0x1000  }
0x4d: {  	[sflag:s31] =	ssyncset.done @!p1 $0x0;
	s0 =	rddreg [dreg:$0x3]  }
0x4e: {  	s4 =	rddreg [dreg:$0x4];
	[sflag:s31] =	ssyncadd.s32 @!p1 $0xFFFFF000;
	s0 =	sadd.s32 s28, s0  }
0x4f: {  	[tilespmem:s4], [sflag:$0x5] =	stream.linear.gather [hbm4b:s0+s3], $0x20, $0x38;
	[tilespmem:$0x14E00] =	vst v63  }
0x50: {  	_ =	swait.ge [sflag:s18], $0x20  }
0x51: {  	[sflag:s18] =	ssyncset.done $0x0  }
0x52: {  	s0 =	simm.s32 @!p1 $0x8;
	[sflag:s18] =	ssyncadd.s32 $0xFFFFFFE0  }
0x53: {  	[spmem:s2] =	stream.indirect.scatter.add.f32 [tilespmem:s17], [sflag:$0x2], $0x80, s13, s19, $0xb8;
	[tilespmem:$0x14E00] =	vst v63  }
0x54: {  	_ =	swait.ge @!p1 [sflag:s0], $0x1000  }
0x55: {  	[sflag:s0] =	ssyncset.done @!p1 $0x0;
	s5 =	rddreg [dreg:$0x5]  }
0x56: {  	[sflag:s0] =	ssyncadd.s32 @!p1 $0xFFFFF000;
	s31 =	sadd.s32 s28, s5  }
0x57: {  	[tilespmem:s20], [sflag:$0x7] =	stream.linear.gather [hbm4b:s31+s3], $0x20, $0x38;
	[tilespmem:$0x14E00] =	vst v63  }
0x58: {  	_ =	swait.ge [sflag:s21], $0x20  }
0x59: {  	[sflag:s21] =	ssyncset.done $0x0  }
0x5a: {  	[sflag:s21] =	ssyncadd.s32 $0xFFFFFFE0  }
0x5b: {  	[spmem:s2] =	stream.indirect.scatter.add.f32 [tilespmem:s17], [sflag:$0x4], $0x80, s14, s19, $0xb8;
	[tilespmem:$0x14E00] =	vst v63  }
0x5c: {  	_ =	swait.ge [sflag:s22], $0x1000  }
0x5d: {  	p1 =	seq.s32 s28, $0x270;
	[sflag:s22] =	ssyncset.done $0x0  }
0x5e: {  	s0 =	simm.s32 @p1 $0x5;
	[sflag:s22] =	ssyncadd.s32 $0xFFFFF000  }
0x5f: {  	_ =	swait.ge @p1 [sflag:s0], $0x20  }
0x60: {  	s31 =	simm.s32 @p1 $0x13C00;
	s1 =	simm.s32 @p1 $0x4;
	[sflag:s0] =	ssyncset.done @p1 $0x0  }
0x61: {  	s4 =	simm.s32 @p1 $0x14D00;
	[sflag:s0] =	ssyncadd.s32 @p1 $0xFFFFFFE0;
	s0 =	simm.s32 @p1 $0x20  }
0x62: {  	[spmem:s2] =	stream.indirect.scatter.add.f32 @p1 [tilespmem:s31], [sflag:$0x6], $0x80, s4, s0, $0xb8;
	[tilespmem:$0x14E00] =	vst v63  }
0x63: {  	_ =	swait.ge @p1 [sflag:s1], $0x1000  }
0x64: {  	s0 =	simm.s32 @!p1 $0x14C00;
	s4 =	simm.s32 @!p1 $0x5;
	[sflag:s1] =	ssyncset.done @p1 $0x0  }
0x65: {  	s31 =	simm.s32 @!p1 $0x0;
	[sflag:s1] =	ssyncadd.s32 @p1 $0xFFFFF000;
	s1 =	sadd.s32 @!p1 s28, s12  }
0x66: {  	[tilespmem:s0], [sflag:$0x1] =	stream.linear.gather @!p1 [hbm4b:s1+s31], $0x20, $0x38;
	[tilespmem:$0x14E00] =	vst v63  }
0x67: {  	s30 =	smov.u32 s29;
	s29 =	sadd.s32 $0x10, s29;
	_ =	swait.ge @!p1 [sflag:s4], $0x20  }
0x68: {  	s5 =	simm.s32 @!p1 $0x14D00;
	s0 =	simm.s32 @!p1 $0x13C00;
	[sflag:s4] =	ssyncset.done @!p1 $0x0  }
0x69: {  	s1 =	simm.s32 @!p1 $0x4;
	[sflag:s4] =	ssyncadd.s32 @!p1 $0xFFFFFFE0;
	s4 =	simm.s32 @!p1 $0x20  }
0x6a: {  	[spmem:s2] =	stream.indirect.scatter.add.f32 @!p1 [tilespmem:s0], [sflag:$0x6], $0x80, s5, s4, $0xb8;
	[tilespmem:$0x14E00] =	vst v63  }
0x6b: {  	p0 =	sne.s32 s29, $0x280;
	_ =	swait.ge @!p1 [sflag:s1], $0x1000  }
.Ltmp0:
0x6c: {  	[sflag:s1] =	ssyncset.done @!p1 $0x0;
	(pc) =	sbr.rel @p0 .LBB2_2-.Ltmp0, $4  }
0x6d: {  	s0 =	sadd.s32 @!p1 s28, s11;
	[sflag:s1] =	ssyncadd.s32 @!p1 $0xFFFFF000;
	s1 =	simm.s32 @!p1 $0x14C80  }
0x6e: {  	[tilespmem:s1], [sflag:$0x3] =	stream.linear.gather @!p1 [hbm4b:s0+s31], $0x20, $0x38;
	[tilespmem:$0x14E00] =	vst v63  }
0x6f: {  	s28 =	smov.u32 s30;
	_ =	swait.ge [sflag:s23], $0x20  }
0x70: {  	p1 =	seq.s32 s28, $0x0;
	[sflag:s23] =	ssyncset.done $0x0  }
0x71: {  	s0 =	simm.s32 @!p1 $0x6;
	[sflag:s23] =	ssyncadd.s32 $0xFFFFFFE0  }
0x72: {  	[spmem:s2] =	stream.indirect.scatter.add.f32 [tilespmem:s17], [sflag:$0x8], $0x80, s20, s19, $0xb8;
	[tilespmem:$0x14E00] =	vst v63  }
0x73: {  	_ =	swait.ge @!p1 [sflag:s0], $0x1000  }
0x74: {  	s1 =	rddreg [dreg:$0x3];
	[sflag:s0] =	ssyncset.done @!p1 $0x0  }
0x75: {  	s4 =	rddreg [dreg:$0x4];
	[sflag:s0] =	ssyncadd.s32 @!p1 $0xFFFFF000;
	s29 =	sadd.s32 s28, s1  }
0x76: {  	[tilespmem:s4], [sflag:$0x5] =	stream.linear.gather [hbm4b:s29+s3], $0x20, $0x38;
	[tilespmem:$0x14E00] =	vst v63  }
0x77: {  	_ =	swait.ge [sflag:s18], $0x20  }
0x78: {  	[sflag:s18] =	ssyncset.done $0x0  }
0x79: {  	s0 =	simm.s32 @!p1 $0x8;
	[sflag:s18] =	ssyncadd.s32 $0xFFFFFFE0  }
0x7a: {  	[spmem:s2] =	stream.indirect.scatter.add.f32 [tilespmem:s17], [sflag:$0x2], $0x80, s13, s19, $0xb8;
	[tilespmem:$0x14E00] =	vst v63  }
0x7b: {  	_ =	swait.ge @!p1 [sflag:s0], $0x1000  }
0x7c: {  	s30 =	rddreg [dreg:$0x5];
	[sflag:s0] =	ssyncset.done @!p1 $0x0  }
0x7d: {  	[sflag:s0] =	ssyncadd.s32 @!p1 $0xFFFFF000;
	s31 =	sadd.s32 s28, s30  }
0x7e: {  	[tilespmem:s20], [sflag:$0x7] =	stream.linear.gather [hbm4b:s31+s3], $0x20, $0x38;
	[tilespmem:$0x14E00] =	vst v63  }
0x7f: {  	_ =	swait.ge [sflag:s21], $0x20  }
0x80: {  	[sflag:s21] =	ssyncset.done $0x0  }
0x81: {  	[sflag:s21] =	ssyncadd.s32 $0xFFFFFFE0  }
0x82: {  	[spmem:s2] =	stream.indirect.scatter.add.f32 [tilespmem:s17], [sflag:$0x4], $0x80, s14, s19, $0xb8;
	[tilespmem:$0x14E00] =	vst v63  }
0x83: {  	_ =	swait.ge [sflag:s22], $0x1000  }
0x84: {  	p0 =	seq.s32 s28, $0x270;
	[sflag:s22] =	ssyncset.done $0x0  }
0x85: {  	s0 =	simm.s32 @p0 $0x5;
	[sflag:s22] =	ssyncadd.s32 $0xFFFFF000  }
0x86: {  	_ =	swait.ge @p0 [sflag:s0], $0x20  }
0x87: {  	s5 =	simm.s32 @p0 $0x14D00;
	s1 =	simm.s32 @p0 $0x13C00;
	[sflag:s0] =	ssyncset.done @p0 $0x0  }
0x88: {  	s4 =	simm.s32 @p0 $0x4;
	[sflag:s0] =	ssyncadd.s32 @p0 $0xFFFFFFE0;
	s0 =	simm.s32 @p0 $0x20  }
0x89: {  	[spmem:s2] =	stream.indirect.scatter.add.f32 @p0 [tilespmem:s1], [sflag:$0x6], $0x80, s5, s0, $0xb8;
	[tilespmem:$0x14E00] =	vst v63  }
0x8a: {  	_ =	swait.ge @p0 [sflag:s4], $0x1000  }
0x8b: {  	s0 =	simm.s32 @!p0 $0x14C00;
	s1 =	simm.s32 @!p0 $0x5;
	[sflag:s4] =	ssyncset.done @p0 $0x0  }
0x8c: {  	s5 =	simm.s32 @!p0 $0x0;
	[sflag:s4] =	ssyncadd.s32 @p0 $0xFFFFF000;
	s4 =	sadd.s32 @!p0 s28, s12  }
0x8d: {  	[tilespmem:s0], [sflag:$0x1] =	stream.linear.gather @!p0 [hbm4b:s4+s5], $0x20, $0x38;
	[tilespmem:$0x14E00] =	vst v63  }
0x8e: {  	_ =	swait.ge @!p0 [sflag:s1], $0x20  }
0x8f: {  	s0 =	simm.s32 @!p0 $0x13C00;
	[sflag:s1] =	ssyncset.done @!p0 $0x0  }
0x90: {  	s4 =	simm.s32 @!p0 $0x14D00;
	[sflag:s1] =	ssyncadd.s32 @!p0 $0xFFFFFFE0;
	s1 =	simm.s32 @!p0 $0x20  }
0x91: {  	[spmem:s2] =	stream.indirect.scatter.add.f32 @!p0 [tilespmem:s0], [sflag:$0x6], $0x80, s4, s1, $0xb8;
	[tilespmem:$0x14E00] =	vst v63  }
0x92: {  	s0 =	simm.s32 @!p0 $0x4  }
0x93: {  	_ =	swait.ge @!p0 [sflag:s0], $0x1000  }
0x94: {  	[sflag:s0] =	ssyncset.done @!p0 $0x0  }
0x95: {  	s1 =	simm.s32 @!p0 $0x14C80;
	[sflag:s0] =	ssyncadd.s32 @!p0 $0xFFFFF000;
	s0 =	sadd.s32 @!p0 s28, s11  }
0x96: {  	[tilespmem:s1], [sflag:$0x3] =	stream.linear.gather @!p0 [hbm4b:s0+s5], $0x20, $0x38;
	[tilespmem:$0x14E00] =	vst v63  }
0x97: {  	_ =	swait.ge [sflag:s23], $0x20  }
0x98: {  	[sflag:s23] =	ssyncset.done $0x0  }
0x99: {  	[sflag:s23] =	ssyncadd.s32 $0xFFFFFFE0  }
0x9a: {  	[spmem:s2] =	stream.indirect.scatter.add.f32 [tilespmem:s17], [sflag:$0x8], $0x80, s20, s19, $0xb8;
	[tilespmem:$0x14E00] =	vst v63  }
0x9b: {  	_ =	swait.ge [sflag:s24], $0x1000  }
0x9c: {  	[sflag:s24] =	ssyncset.done $0x0  }
0x9d: {  	[sflag:s24] =	ssyncadd.s32 $0xFFFFF000  }
0x9e: {  	_ =	swait.ge [sflag:s25], $0x1000  }
0x9f: {  	s26 =	sadd.s32 $0x1, s26;
	[sflag:s25] =	ssyncset.done $0x0  }
0xa0: {  	p0 =	sne.s32 s26, s10;
	[sflag:s25] =	ssyncadd.s32 $0xFFFFF000  }
.Ltmp1:
0xa1: {  	[bflag:$0x0] =	sbarrier.arrive $0xFFFF;
	(pc) =	sbr.rel @p0 .LBB2_1-.Ltmp1, $4  }
0xa2: {  	[hbm:s9], [sflag:s8] =	dma.local [spmem:s15], $0x2780  }
0xa3: {  	_ =	swait.ge [sflag:s16], $0x2780  }
0xa4: {  	[sflag:s16] =	ssyncset.done $0x0  }
0xa5: {  	[sflag:s16] =	ssyncadd.s32 $0xFFFFD880  }
0xa6: {  	_ =	sfence.sel $0x180000  }
0xa7: {  	[bflag:$0x0] =	sbarrier.arrive $0xFFFF  }
0xa8: {  	_ =	strace $0x90000047  }
0xa9: {  	s0 =	stileid.u32;
	[bflag:$0x2] =	sbarrier.arrive $0xFFFF  }
0xaa: {  	p0 =	sne.s32 s0, $0x0;
	s0 =	rddreg [dreg:$0x2]  }
0xab: {  	s0 =	sadd.s32 @!p0 $0x100000, s0  }
0xac: {  	[sflag:s0] =	ssyncadd.tile.s32 @!p0 $0x1;
	_ =	shalt  }
.Lfunc_end2:
_tile_overlayer_lowered:
.L_overlay_start_2:
0xad: {  	(tag) =	ssettag $0x2  }
0xae: {  	s0 =	rddreg [dreg:$0x0];
	s2 =	stileid.u32  }
0xaf: {  	s1 =	rddreg [dreg:$0x1];
	p0 =	sne.s32 s2, $0x0  }
0xb0: {  	s3 =	rddreg [dreg:$0x2];
	[bflag:$0x3] =	sbarrier.arrive $0xFFFF;
	s2 =	simm.s32 @!p0 $0x1C09  }
0xb1: {  	[timem:s3], [sflag:s2] =	dma.local @!p0 [hbm:s0], s1  }
0xb2: {  	s0 =	simm.s32 @!p0 $0x9  }
0xb3: {  	_ =	swait.ge @!p0 [sflag:s0], s1  }
0xb4: {  	s1 =	ssub.s32 @!p0 $0x0, s1;
	[sflag:s0] =	ssyncset.done @!p0 $0x0  }
0xb5: {  	[sflag:s0] =	ssyncadd.s32 @!p0 s1  }
0xb6: {  	[bflag:$0x3] =	sbarrier.arrive $0xFFFF  }
0xb7: {  	_ =	shalt  }

// kernel: sage_sc_scatter.4.cloned.1.call-start
scs
__scs_entry_jumppad:
0x0: {  	(pc) =	sbr.rel $0x88, $3  }
0x1: {  	(tag) =	ssettag $0x0;
	lr =	simm.s32 $0x1  }
0x2: {  	[smem:$0x3F99] =	sst lr;
	_ =	strace $0xD0000000  }
0x3: {  	_ = 	snop  }
0x4: {  	_ = 	snop  }
0x5: {  	_ = 	snop  }
0x6: {  	_ = 	snop  }
0x7: {  	_ = 	snop  }
__scs_overlays_trampoline_lowered:
0x8: {  	[smem:$0x3FA8] =	sst s0  }
0x9: {  	[smem:$0x3FA9] =	sst s1  }
0xa: {  	[smem:$0x3FAA] =	sst s2  }
0xb: {  	[smem:$0x3FAB] =	sst s3  }
0xc: {  	[smem:$0x3FAC] =	sst s4  }
0xd: {  	[smem:$0x3FAD] =	sst s5  }
0xe: {  	[smem:$0x3FAE] =	sst s6  }
0xf: {  	[smem:$0x3FAF] =	sst s7  }
0x10: {  	[smem:$0x3FB0] =	sst s8  }
0x11: {  	[smem:$0x3FB1] =	sst s9;
	s0 =	simm.s32 @!p0 $0x0  }
0x12: {  	s1 =	sld [smem:$0x3F97];
	s0 =	simm.s32 @p0 $0x1  }
0x13: {  	[smem:$0x3FB2] =	sst s0;
	s0 =	simm.s32 @!p1 $0x0  }
0x14: {  	s2 =	sld [smem:$0x3F96];
	s0 =	simm.s32 @p1 $0x1  }
0x15: {  	[smem:$0x3FB3] =	sst s0;
	s0 =	simm.s32 @!p2 $0x0  }
0x16: {  	s3 =	sld [smem:$0x3FDB];
	s0 =	simm.s32 @p2 $0x1  }
0x17: {  	s4 =	simm.s32 $0x1BF5;
	[smem:$0x3FB5] =	sst s0  }
0x18: {  	s0 =	sld [smem:$0x3F98];
	_ =	swait.ge [sflag:s4], $0x0  }
0x19: {  	s7 =	sld [smem:$0x3F99]  }
0x1a: {  	s8 =	sadd.s32 $0xFFFFE003, lr  }
0x1b: {  	s9 =	sadd.s32 $0xFFFFFEF7, lr;
	s5 =	simm.s32 $0xFFFFFFFF;
	p2 =	slt.u32 s8, $0xFFFFF086  }
0x1c: {  	p1 =	slt.u32 s9, $0xF7A;
	s5 =	simm.s32 @!p2 $0x0  }
0x1d: {  	s5 =	simm.s32 @p1 $0x1;
	p0 =	seq.s32 s7, s2  }
0x1e: {  	s7 =	smul.u32 @!p0 $0xF7A, s2;
	p2 =	seq.s32 @!p0 s5, $0x0  }
0x1f: {  	s9 =	smul.u32 $0xF7A, s1;
	s8 =	simm.s32 @!p0 $0x1BF5;
	p2 =	por !p2, p0  }
0x20: {  	[sflag:s8] =	ssyncset.s32 @!p0 $0xFFFFF086;
	s6 =	sadd.s32 @!p0 s3, s7;
	s7 =	simm.s32 @!p0 $0x108  }
0x21: {  	s3 =	sadd.s32 s3, s9;
	s6 =	sadd.s32 @!p0 $0x88, s6;
	s7 =	simm.s32 @p2 $0x1082  }
0x22: {  	[simem:s7], [sflag:s8] =	dma.local @!p0 [hbm:s6], $0xF7A  }
0x23: {  	s9 =	sor.u32 $0xD0000000, s2;
	s6 =	simm.s32 $0x108;
	_ =	swait.ge @!p0 [sflag:s8], $0x0  }
0x24: {  	s3 =	sadd.s32 $0x88, s3;
	s6 =	simm.s32 @!p1 $0x1082;
	[sflag:s4] =	ssyncset.s32 $0xFFFFF086  }
0x25: {  	[simem:s6], [sflag:s4] =	dma.local [hbm:s3], $0xF7A  }
0x26: {  	[smem:$0x3F99] =	sst s1;
	(tag) =	ssettag s2;
	_ =	strace s9  }
0x27: {  	s1 =	sld [smem:$0x3FA9]  }
0x28: {  	s2 =	sld [smem:$0x3FAA]  }
0x29: {  	s4 =	sld [smem:$0x3FAC]  }
0x2a: {  	p0 =	seq.s32 s5, $0x0;
	s5 =	sld [smem:$0x3FAD]  }
0x2b: {  	s6 =	sld [smem:$0x3FAE]  }
0x2c: {  	s7 =	sld [smem:$0x3FAF]  }
0x2d: {  	s3 =	simm.s32 $0x108;
	s8 =	sld [smem:$0x3FB0]  }
0x2e: {  	s3 =	simm.s32 @!p0 $0x1082;
	s9 =	sld [smem:$0x3FB1]  }
0x2f: {  	lr =	sadd.s32 s0, s3;
	s0 =	sld [smem:$0x3FA8]  }
0x30: {  	s3 =	sld [smem:$0x3FAB]  }
0x31: {  	[smem:$0x3FB4] =	sst s10  }
0x32: {  	s10 =	sld [smem:$0x3FB2];
	_ =	sdelay $0x3  }
0x33: {  	p0 =	seq.s32 s10, $0x1;
	s10 =	sld [smem:$0x3FB4];
	_ =	sdelay $0x3  }
0x34: {  	[smem:$0x3FB4] =	sst s10  }
0x35: {  	s10 =	sld [smem:$0x3FB3];
	_ =	sdelay $0x3  }
0x36: {  	p1 =	seq.s32 s10, $0x1;
	s10 =	sld [smem:$0x3FB4];
	_ =	sdelay $0x3  }
0x37: {  	[smem:$0x3FB4] =	sst s10  }
0x38: {  	s10 =	sld [smem:$0x3FB5]  }
0x39: {  	_ = 	snop;
	(pc) =	sbr.ind lr, $3  }
0x3a: {  	_ = 	snop  }
0x3b: {  	_ = 	snop  }
0x3c: {  	p2 =	seq.s32 s10, $0x1;
	s10 =	sld [smem:$0x3FB4]  }
0x3d: {  	_ =	shalt  }
0x3e: {  	_ =	shalt  }
0x3f: {  	_ =	shalt  }
0x40: {  	_ =	shalt  }
0x41: {  	_ =	shalt  }
0x42: {  	_ =	shalt  }
0x43: {  	_ =	shalt  }
0x44: {  	_ =	shalt  }
0x45: {  	_ =	shalt  }
0x46: {  	_ =	shalt  }
0x47: {  	_ =	shalt  }
0x48: {  	_ =	shalt  }
0x49: {  	_ =	shalt  }
0x4a: {  	_ =	shalt  }
0x4b: {  	_ =	shalt  }
0x4c: {  	_ =	shalt  }
0x4d: {  	_ =	shalt  }
0x4e: {  	_ =	shalt  }
0x4f: {  	_ =	shalt  }
0x50: {  	_ =	shalt  }
0x51: {  	_ =	shalt  }
0x52: {  	_ =	shalt  }
0x53: {  	_ =	shalt  }
0x54: {  	_ =	shalt  }
0x55: {  	_ =	shalt  }
0x56: {  	_ =	shalt  }
0x57: {  	_ =	shalt  }
0x58: {  	_ =	shalt  }
0x59: {  	_ =	shalt  }
0x5a: {  	_ =	shalt  }
0x5b: {  	_ =	shalt  }
0x5c: {  	_ =	shalt  }
0x5d: {  	_ =	shalt  }
0x5e: {  	_ =	shalt  }
0x5f: {  	_ =	shalt  }
0x60: {  	_ =	shalt  }
0x61: {  	_ =	shalt  }
0x62: {  	_ =	shalt  }
0x63: {  	_ =	shalt  }
0x64: {  	_ =	shalt  }
0x65: {  	_ =	shalt  }
0x66: {  	_ =	shalt  }
0x67: {  	_ =	shalt  }
0x68: {  	_ =	shalt  }
0x69: {  	_ =	shalt  }
0x6a: {  	_ =	shalt  }
0x6b: {  	_ =	shalt  }
0x6c: {  	_ =	shalt  }
0x6d: {  	_ =	shalt  }
0x6e: {  	_ =	shalt  }
0x6f: {  	_ =	shalt  }
0x70: {  	_ =	shalt  }
0x71: {  	_ =	shalt  }
0x72: {  	_ =	shalt  }
0x73: {  	_ =	shalt  }
0x74: {  	_ =	shalt  }
0x75: {  	_ =	shalt  }
0x76: {  	_ =	shalt  }
0x77: {  	_ =	shalt  }
0x78: {  	_ =	shalt  }
0x79: {  	_ =	shalt  }
0x7a: {  	_ =	shalt  }
0x7b: {  	_ =	shalt  }
0x7c: {  	_ =	shalt  }
0x7d: {  	_ =	shalt  }
0x7e: {  	_ =	shalt  }
0x7f: {  	_ =	shalt  }
0x80: {  	_ =	shalt  }
0x81: {  	_ =	shalt  }
0x82: {  	_ =	shalt  }
0x83: {  	_ =	shalt  }
0x84: {  	_ =	shalt  }
0x85: {  	_ =	shalt  }
0x86: {  	_ =	shalt  }
0x87: {  	_ =	shalt  }
.Lfunc_end0:
.L_simem_size_0:
called_computation.1_lowered:
.L_overlay_start_0:
0x88: {  	s2 =	sld [smem:$0x3FD9]  }
0x89: {  	s3 =	sld [smem:$0x3FFE];
	_ =	sdelay $0x1  }
0x8a: {  	s1 =	srdreg.scid  }
0x8b: {  	s0 =	sand.u32 $0x1, s1  }
0x8c: {  	s17 =	sshll.u32 s0, $0xA;
	s2 =	sadd.s32 s3, s2  }
0x8d: {  	s2 =	sadd.s32 s2, s17  }
0x8e: {  	[smem:$0x3FC0] =	sst s2  }
0x8f: {  	_ = 	snop  }
0x90: {  	(tm) =	ssettm $0x1  }
0x91: {  	s18 =	sld [smem:$0x3FFB];
	_ =	sdelay $0x3  }
0x92: {  	_ =	strace s18  }
0x93: {  	s2 =	sld [smem:$0x3FFC];
	_ =	sdelay $0x3  }
0x94: {  	_ =	strace s2  }
0x95: {  	s2 =	sld [smem:$0x3FFD];
	_ =	sdelay $0x3  }
0x96: {  	_ =	strace s2  }
0x97: {  	_ =	strace $0x8FFFFFFF  }
0x98: {  	s19 =	sld [smem:$0x3FDB];
	_ =	sdelay $0x1  }
0x99: {  	s20 =	simm.s32 $_scs_section_size  }
0x9a: {  	s4 =	simm.s32 $_size__tile_overlayer_lowered;
	s5 =	simm.s32 $_tile_overlayer_lowered  }
0x9b: {  	s6 =	simm.s32 $0x1BFF;
	s21 =	sshll.u32 s5, $0x1;
	s3 =	sadd.s32 s20, s19  }
0x9c: {  	s22 =	simm.s32 $0x0;
	s4 =	sshll.u32 s4, $0x1;
	s5 =	sadd.s32 s21, s3  }
0x9d: {  	[timem:s22], [sflag:s6] =	dma.local [hbm:s5], s4  }
0x9e: {  	_ =	swait.ge [sflag:s6], s4  }
0x9f: {  	s4 =	ssub.s32 $0x0, s4;
	[sflag:s6] =	ssyncset.done $0x0  }
0xa0: {  	[sflag:s6] =	ssyncadd.s32 s4;
	_ =	sdelay $0x1  }
0xa1: {  	s23 =	simm.s32 $0x1B8B  }
0xa2: {  	_ =	swait.ge [sflag:s23], $0x1  }
0xa3: {  	[sflag:s23] =	ssyncset.done $0x0  }
0xa4: {  	[sflag:s23] =	ssyncadd.s32 $0xFFFFFFFF  }
0xa5: {  	s4 =	sld [smem:$0x0]  }
0xa6: {  	s5 =	sand.u32 $0xFFFFFFFE, s1  }
0xa7: {  	p0 =	sne.s32 s1, s5  }
0xa8: {  	s5 =	sshll.u32 @p0 s5, $0xE  }
0xa9: {  	s5 =	sadd.s32 @p0 $0x11B8D, s5;
	s6 =	sshll.u32 @p0 s4, $0x11  }
0xaa: {  	s5 =	sor.u32 @p0 s6, s5  }
0xab: {  	[sflag:s5] =	ssyncadd.remote.s32 @p0 $0x1;
	_ =	sdelay $0x1  }
0xac: {  	s5 =	simm.s32 @p0 $0x1B8D  }
0xad: {  	_ =	swait.eq @p0 [sflag:s5], $0x1  }
0xae: {  	[sflag:s5] =	ssyncadd.s32 @p0 $0xFFFFFFFF  }
0xaf: {  	s6 =	sshll.u32 @!p0 s1, $0xE  }
0xb0: {  	s6 =	sor.u32 @!p0 $0x4000, s6;
	s5 =	simm.s32 @!p0 $0x1B8D  }
0xb1: {  	s4 =	sshll.u32 @!p0 s4, $0x11;
	s6 =	sadd.s32 @!p0 $0x11B8D, s6;
	_ =	swait.eq @!p0 [sflag:s5], $0x1  }
0xb2: {  	s4 =	sor.u32 @!p0 s4, s6;
	[sflag:s5] =	ssyncadd.s32 @!p0 $0xFFFFFFFF  }
0xb3: {  	s25 =	simm.s32 $0x1B8E;
	s24 =	sld [smem:$0x3FFE];
	[sflag:s4] =	ssyncadd.remote.s32 @!p0 $0x1  }
0xb4: {  	s26 =	simm.s32 $execute0_lowered;
	[smem:$0x3FD2] =	sst s25  }
0xb5: {  	s5 =	sshll.u32 s26, $0x1;
	_ =	strace $0x80000049;
	[dreg:$0x1] =	wrdreg $0xFFFFFFFF  }
0xb6: {  	s28 =	simm.s32 $_size_execute0_lowered;
	s3 =	sadd.s32 s3, s5;
	[dreg:$0x0] =	wrdreg $0x0  }
0xb7: {  	s5 =	sshll.u32 s28, $0x1;
	[dreg:$0x2] =	wrdreg s3  }
0xb8: {  	[dreg:$0x3] =	wrdreg s5  }
0xb9: {  	[dreg:$0x4] =	wrdreg $0xC0  }
0xba: {  	_ =	task [dreg:s22], $0x5FFFF  }
0xbb: {  	[dreg:$0x1] =	wrdreg $0xFFFFFFFF  }
0xbc: {  	[dreg:$0x0] =	wrdreg $0x60  }
0xbd: {  	[dreg:$0x2] =	wrdreg s24  }
0xbe: {  	[dreg:$0x3] =	wrdreg $0x0  }
0xbf: {  	[dreg:$0x4] =	wrdreg $0xA  }
0xc0: {  	_ =	task.clear_ibuf [dreg:s22], $0x5FFFF;
	_ =	strace $0x90000049  }
0xc1: {  	s29 =	simm.s32 $0xA;
	_ =	strace $0x8000004B  }
0xc2: {  	_ =	swait.ge [sflag:s29], $0x1  }
0xc3: {  	[sflag:s29] =	ssyncadd.s32 $0xFFFFFFFF  }
0xc4: {  	_ =	strace $0x9000004B  }
0xc5: {  	_ =	sfence  }
0xc6: {  	s30 =	sld [smem:$0x0];
	_ =	sdelay $0x2  }
0xc7: {  	s31 =	sshll.u32 s1, $0xD;
	s1 =	sshrl.u32 s1, $0x2  }
0xc8: {  	s4 =	sand.u32 $0x4000, s31;
	s1 =	sadd.s32 s1, s30  }
0xc9: {  	s0 =	sor.u32 s4, s0;
	s1 =	sshll.u32 s1, $0x11  }
0xca: {  	s0 =	sor.u32 s1, s0  }
0xcb: {  	s0 =	sadd.s32 $0x8F2B, s0  }
0xcc: {  	[sflag:s0] =	ssyncadd.remote.s32 $0x1  }
0xcd: {  	_ =	sfence.sel $0xFFFF  }
0xce: {  	[dreg:$0x0] =	wrdreg $0xFFFFFFFF;
	(pc) =	sbr.abs _section_cstart, $3  }
0xcf: {  	[dreg:$0x1] =	wrdreg $0xFFFFFFFF  }
0xd0: {  	_ =	task.clear_ibuf [dreg:s22], $0x2FFFF;
	_ =	strace $0x9FFFFFFF  }
0xd1: {  	(tm) =	ssettm $0x7FFFFFFF  }
tec
execute0_lowered:
.L_overlay_start_1:
0x0: {  	(tag) =	ssettag $0x1  }
0x1: {  	s0 =	rddreg [dreg:$0x0]  }
0x2: {  	s2 =	rddreg [dreg:$0x1]  }
0x3: {  	s1 =	srdreg.scid;
	s12 =	stileid.u32;
	s3 =	simm.s32 $0x0  }
0x4: {  	s28 =	simm.s32 $0x2;
	s29 =	simm.s32 $0x16F00;
	s30 =	simm.s32 $0x16F80  }
0x5: {  	s31 =	simm.s32 $0x7;
	s1 =	sand.u32 $0x1, s1;
	s5 =	smul.u32 $0x2780, s12  }
0x6: {  	[smem:$0x7FF] =	sst s3;
	s7 =	sadd.s32 $0xA6800, s0;
	s10 =	smul.u32 $0x2800, s12  }
0x7: {  	s9 =	sadd.s32 $0x1C00, s0;
	s4 =	sadd.s32 $0x58600, s0;
	s13 =	smul.u32 $0x4F000, s12  }
0x8: {  	s11 =	sadd.s32 $0x6E00, s0;
	s18 =	sshll.u32 s12, $0x6;
	s21 =	smul.u32 $0x500, s12  }
0x9: {  	s12 =	simm.s32 $0x0;
	s6 =	smul.u32 $0x27800, s1;
	_ =	strace $0x8000004A  }
0xa: {  	s8 =	smul.u32 $0x28000, s1;
	[dreg:$0x7] =	wrdreg s11;
	s1 =	ssub.s32 $0x2, s1  }
0xb: {  	s11 =	simm.s32 $0x8;
	s25 =	sshrl.u32 s1, $0x1;
	s17 =	sshrl.u32 s13, $0x2  }
0xc: {  	s13 =	sadd.s32 s21, s9;
	s21 =	simm.s32 $0x20;
	s5 =	sadd.s32 s5, s6  }
0xd: {  	s26 =	sadd.s32 s10, s8;
	s10 =	sshrl.u32 s10, $0x3;
	s1 =	ssub.s32 s1, s25  }
0xe: {  	s0 =	sadd.s32 s5, s0;
	s8 =	sshrl.u32 s26, $0x3;
	s15 =	sadd.s32 s9, s10  }
0xf: {  	s19 =	sor.u32 $0x80, s26;
	s22 =	sor.u32 $0x60, s26;
	s24 =	sor.u32 $0x40, s26  }
0x10: {  	s6 =	sor.u32 $0xA0, s26;
	s1 =	smax.u32 s1, $0x1;
	s9 =	simm.s32 $0x17000  }
0x11: {  	s14 =	sadd.s32 s7, s8;
	[dreg:$0x9] =	wrdreg s15;
	s16 =	sadd.s32 $0x4, s15  }
0x12: {  	s0 =	sadd.s32 $0xB0800, s0;
	s20 =	sshrl.u32 s19, $0x3;
	s23 =	sshrl.u32 s22, $0x3  }
0x13: {  	s10 =	sshrl.u32 s24, $0x3;
	s6 =	sshrl.u32 s6, $0x3;
	[dreg:$0xe] =	wrdreg s1  }
0x14: {  	s19 =	simm.s32 $0xD;
	s24 =	simm.s32 $0x15E80;
	[dreg:$0x8] =	wrdreg s14  }
0x15: {  	s1 =	simm.s32 $0x5;
	s8 =	simm.s32 $0xA;
	[dreg:$0xb] =	wrdreg s16  }
0x16: {  	s22 =	simm.s32 $0x13D00;
	s5 =	sadd.s32 $0x4, s14;
	[dreg:$0xd] =	wrdreg s0  }
0x17: {  	s14 =	sor.u32 $0x1C0D, s18;
	s0 =	sadd.s32 s20, s7;
	[dreg:$0xa] =	wrdreg s5  }
0x18: {  	s25 =	sadd.s32 s10, s7;
	s26 =	sadd.s32 s6, s7;
	[dreg:$0x3] =	wrdreg s0  }
0x19: {  	s6 =	simm.s32 $0x6;
	s5 =	sadd.s32 s17, s2;
	[dreg:$0x5] =	wrdreg s25  }
0x1a: {  	s0 =	sadd.s32 s23, s7;
	[dreg:$0x6] =	wrdreg s26;
	s23 =	simm.s32 $0x15E00  }
0x1b: {  	s25 =	simm.s32 $0x4;
	s26 =	simm.s32 $0x14E00;
	[dreg:$0xc] =	wrdreg s14  }
0x1c: {  	s7 =	simm.s32 $0xB;
	[dreg:$0x4] =	wrdreg s0;
	s18 =	sshrl.u32 s5, $0x3  }
0x1d: {  	s0 =	simm.s32 $0x15F00;
	s5 =	simm.s32 $0x3;
	[dreg:$0xf] =	wrdreg s18  }
.LBB2_1:
0x1e: {  	[dreg:$0x10] =	wrdreg s12  }
0x1f: {  	s10 =	rddreg [dreg:$0x8];
	s12 =	simm.s32 $0x13C00  }
0x20: {  	[tilespmem:s12], [sflag:$0x1] =	stream.linear.gather [hbm4b:s10+s3], $0x20, $0x38;
	[tilespmem:$0x18000] =	vst v63  }
0x21: {  	s16 =	rddreg [dreg:$0x9];
	s15 =	simm.s32 $0x13C80  }
0x22: {  	[tilespmem:s15], [sflag:$0x1] =	stream.linear.gather [hbm4b:s16+s3], $0x20, $0x38;
	[tilespmem:$0x18000] =	vst v63  }
0x23: {  	s17 =	rddreg [dreg:$0xa];
	s16 =	simm.s32 $0x14D00  }
0x24: {  	[tilespmem:s16], [sflag:$0x4] =	stream.linear.gather [hbm4b:s17+s3], $0x20, $0x38;
	[tilespmem:$0x18000] =	vst v63  }
0x25: {  	s20 =	rddreg [dreg:$0xb];
	s17 =	simm.s32 $0x14D80  }
0x26: {  	[tilespmem:s17], [sflag:$0x4] =	stream.linear.gather [hbm4b:s20+s3], $0x20, $0x38;
	[tilespmem:$0x18000] =	vst v63  }
0x27: {  	s20 =	rddreg [dreg:$0x7]  }
0x28: {  	[spmem:s18], [sflag:s14] =	dma.local [hbm:s20], $0x2780  }
0x29: {  	_ =	swait.ge [sflag:s19], $0x2780  }
0x2a: {  	[sflag:s19] =	ssyncset.done $0x0  }
0x2b: {  	s18 =	simm.s32 $0x1;
	[sflag:s19] =	ssyncadd.s32 $0xFFFFD880  }
0x2c: {  	_ =	swait.ge [sflag:s18], $0x20  }
0x2d: {  	[sflag:s18] =	ssyncset.done $0x0  }
0x2e: {  	[sflag:s18] =	ssyncadd.s32 $0xFFFFFFE0  }
0x2f: {  	_ =	swait.ge [sflag:s18], $0x20  }
0x30: {  	[sflag:s18] =	ssyncset.done $0x0  }
0x31: {  	p0 =	por $0x1, $0x1;
	s19 =	simm.s32 $0x13D00;
	[sflag:s18] =	ssyncadd.s32 $0xFFFFFFE0  }
0x32: {  	[tilespmem:s19], [sflag:$0x2] =	stream.indirect.gather [hbm4b:s4+s21], $0x80, s12, s21, $0xb8;
	[tilespmem:$0x18000] =	vst v63  }
0x33: {  	s10 =	simm.s32 @!p0 $0x9;
	[bflag:$0x0] =	sbarrier.arrive $0xFFFF  }
0x34: {  	_ =	swait.ge @!p0 [sflag:s10], $0x1000  }
0x35: {  	s20 =	rddreg [dreg:$0x5];
	[sflag:s10] =	ssyncset.done @!p0 $0x0  }
0x36: {  	[sflag:s10] =	ssyncadd.s32 @!p0 $0xFFFFF000;
	s10 =	sadd.s32 $0x0, s13;
	s12 =	sadd.s32 $0x0, s20  }
0x37: {  	[tilespmem:s23], [sflag:$0x7] =	stream.linear.gather [hbm4b:s12+s3], $0x20, $0x38;
	[tilespmem:$0x18000] =	vst v63  }
0x38: {  	s18 =	sadd.s32 $0x8, s10  }
0x39: {  	[tilespmem:s24], [sflag:$0x7] =	stream.linear.gather [hbm4b:s18+s3], $0x20, $0x38;
	[tilespmem:$0x18000] =	vst v63  }
0x3a: {  	_ =	swait.ge [sflag:s25], $0x20  }
0x3b: {  	[sflag:s25] =	ssyncset.done $0x0  }
0x3c: {  	[sflag:s25] =	ssyncadd.s32 $0xFFFFFFE0  }
0x3d: {  	_ =	swait.ge [sflag:s25], $0x20  }
0x3e: {  	[sflag:s25] =	ssyncset.done $0x0  }
0x3f: {  	[sflag:s25] =	ssyncadd.s32 $0xFFFFFFE0  }
0x40: {  	[tilespmem:s26], [sflag:$0x5] =	stream.indirect.gather [hbm4b:s4+s21], $0x80, s16, s21, $0xb8;
	[tilespmem:$0x18000] =	vst v63  }
0x41: {  	_ =	swait.ge [sflag:s28], $0x1000  }
0x42: {  	[sflag:s28] =	ssyncset.done $0x0  }
0x43: {  	s12 =	simm.s32 @!p0 $0xC;
	[sflag:s28] =	ssyncadd.s32 $0xFFFFF000  }
0x44: {  	[spmem:s2] =	stream.indirect.scatter.add.f32 [tilespmem:s19], [sflag:$0x3], $0x80, s15, s21, $0xb8;
	[tilespmem:$0x18000] =	vst v63  }
0x45: {  	_ =	swait.ge @!p0 [sflag:s12], $0x1000  }
0x46: {  	s19 =	rddreg [dreg:$0x4];
	[sflag:s12] =	ssyncset.done @!p0 $0x0  }
0x47: {  	[sflag:s12] =	ssyncadd.s32 @!p0 $0xFFFFF000;
	s20 =	sadd.s32 $0x0, s19  }
0x48: {  	[tilespmem:s29], [sflag:$0xA] =	stream.linear.gather [hbm4b:s20+s3], $0x20, $0x38;
	[tilespmem:$0x18000] =	vst v63  }
0x49: {  	s10 =	sadd.s32 $0xC, s10  }
0x4a: {  	[tilespmem:s30], [sflag:$0xA] =	stream.linear.gather [hbm4b:s10+s3], $0x20, $0x38;
	[tilespmem:$0x18000] =	vst v63  }
0x4b: {  	_ =	swait.ge [sflag:s31], $0x20  }
0x4c: {  	[sflag:s31] =	ssyncset.done $0x0  }
0x4d: {  	[sflag:s31] =	ssyncadd.s32 $0xFFFFFFE0  }
0x4e: {  	_ =	swait.ge [sflag:s31], $0x20  }
0x4f: {  	[sflag:s31] =	ssyncset.done $0x0  }
0x50: {  	[sflag:s31] =	ssyncadd.s32 $0xFFFFFFE0  }
0x51: {  	[tilespmem:s0], [sflag:$0x8] =	stream.indirect.gather [hbm4b:s4+s21], $0x80, s23, s21, $0xb8;
	[tilespmem:$0x18000] =	vst v63  }
0x52: {  	_ =	swait.ge [sflag:s1], $0x1000  }
0x53: {  	[sflag:s1] =	ssyncset.done $0x0  }
0x54: {  	p0 =	por $0x0, $0x0;
	[sflag:s1] =	ssyncadd.s32 $0xFFFFF000  }
0x55: {  	[spmem:s2] =	stream.indirect.scatter.add.f32 [tilespmem:s26], [sflag:$0x6], $0x80, s17, s21, $0xb8;
	[tilespmem:$0x18000] =	vst v63  }
0x56: {  	s12 =	simm.s32 @!p0 $0x0;
	_ =	swait.ge [sflag:s5], $0x1000  }
0x57: {  	s18 =	sadd.s32 @!p0 $0x0, s13;
	s10 =	rddreg [dreg:$0x3];
	[sflag:s5] =	ssyncset.done $0x0  }
0x58: {  	s19 =	simm.s32 @!p0 $0x13C00;
	[sflag:s5] =	ssyncadd.s32 $0xFFFFF000;
	s10 =	sadd.s32 @!p0 $0x0, s10  }
0x59: {  	[tilespmem:s19], [sflag:$0x1] =	stream.linear.gather @!p0 [hbm4b:s10+s12], $0x20, $0x38;
	[tilespmem:$0x18000] =	vst v63  }
0x5a: {  	s20 =	simm.s32 @!p0 $0x13C80;
	s10 =	sadd.s32 @!p0 $0x10, s18  }
0x5b: {  	[tilespmem:s20], [sflag:$0x1] =	stream.linear.gather @!p0 [hbm4b:s10+s12], $0x20, $0x38;
	[tilespmem:$0x18000] =	vst v63  }
0x5c: {  	_ =	swait.ge [sflag:s8], $0x20  }
0x5d: {  	[sflag:s8] =	ssyncset.done $0x0  }
0x5e: {  	[sflag:s8] =	ssyncadd.s32 $0xFFFFFFE0  }
0x5f: {  	_ =	swait.ge [sflag:s8], $0x20  }
0x60: {  	[sflag:s8] =	ssyncset.done $0x0  }
0x61: {  	[sflag:s8] =	ssyncadd.s32 $0xFFFFFFE0  }
0x62: {  	[tilespmem:s9], [sflag:$0xB] =	stream.indirect.gather [hbm4b:s4+s21], $0x80, s29, s21, $0xb8;
	[tilespmem:$0x18000] =	vst v63  }
0x63: {  	_ =	swait.ge [sflag:s11], $0x1000  }
0x64: {  	[sflag:s11] =	ssyncset.done $0x0  }
0x65: {  	[sflag:s11] =	ssyncadd.s32 $0xFFFFF000  }
0x66: {  	[spmem:s2] =	stream.indirect.scatter.add.f32 [tilespmem:s0], [sflag:$0x9], $0x80, s24, s21, $0xb8;
	[tilespmem:$0x18000] =	vst v63  }
0x67: {  	_ =	swait.ge [sflag:s6], $0x1000  }
0x68: {  	s10 =	rddreg [dreg:$0x6];
	[sflag:s6] =	ssyncset.done $0x0  }
0x69: {  	s20 =	simm.s32 @!p0 $0x14D00;
	[sflag:s6] =	ssyncadd.s32 $0xFFFFF000;
	s10 =	sadd.s32 @!p0 $0x0, s10  }
0x6a: {  	[tilespmem:s20], [sflag:$0x4] =	stream.linear.gather @!p0 [hbm4b:s10+s12], $0x20, $0x38;
	[tilespmem:$0x18000] =	vst v63  }
0x6b: {  	s10 =	sadd.s32 @!p0 $0x14, s18;
	s18 =	simm.s32 @!p0 $0x14D80  }
0x6c: {  	[tilespmem:s18], [sflag:$0x4] =	stream.linear.gather @!p0 [hbm4b:s10+s12], $0x20, $0x38;
	[tilespmem:$0x18000] =	vst v63  }
0x6d: {  	s10 =	simm.s32 @!p0 $0x1  }
0x6e: {  	_ =	swait.ge @!p0 [sflag:s10], $0x20  }
0x6f: {  	[sflag:s10] =	ssyncset.done @!p0 $0x0  }
0x70: {  	[sflag:s10] =	ssyncadd.s32 @!p0 $0xFFFFFFE0  }
0x71: {  	_ =	swait.ge @!p0 [sflag:s10], $0x20  }
0x72: {  	p1 =	por $0x0, $0x0;
	[sflag:s10] =	ssyncset.done @!p0 $0x0  }
0x73: {  	s12 =	simm.s32 @!p0 $0x20;
	[sflag:s10] =	ssyncadd.s32 @!p0 $0xFFFFFFE0;
	s10 =	simm.s32 @!p0 $0x13D00  }
0x74: {  	[tilespmem:s10], [sflag:$0x2] =	stream.indirect.gather @!p0 [hbm4b:s4+s12], $0x80, s19, s12, $0xb8;
	[tilespmem:$0x18000] =	vst v63  }
0x75: {  	s12 =	simm.s32 $0x10;
	s10 =	simm.s32 $0x20;
	_ =	swait.ge [sflag:s7], $0x1000  }
.LBB2_2:
0x76: {  	[sflag:s7] =	ssyncset.done $0x0  }
0x77: {  	s19 =	simm.s32 @!p1 $0x9;
	[sflag:s7] =	ssyncadd.s32 $0xFFFFF000  }
0x78: {  	[spmem:s2] =	stream.indirect.scatter.add.f32 [tilespmem:s9], [sflag:$0xC], $0x80, s30, s21, $0xb8;
	[tilespmem:$0x18000] =	vst v63  }
0x79: {  	_ =	swait.ge @!p1 [sflag:s19], $0x1000  }
0x7a: {  	[sflag:s19] =	ssyncset.done @!p1 $0x0;
	s20 =	rddreg [dreg:$0x5]  }
0x7b: {  	[sflag:s19] =	ssyncadd.s32 @!p1 $0xFFFFF000;
	s19 =	sadd.s32 s12, s13;
	s20 =	sadd.s32 s12, s20  }
0x7c: {  	[tilespmem:s23], [sflag:$0x7] =	stream.linear.gather [hbm4b:s20+s3], $0x20, $0x38;
	[tilespmem:$0x18000] =	vst v63  }
0x7d: {  	s15 =	sadd.s32 $0x8, s19  }
0x7e: {  	[tilespmem:s24], [sflag:$0x7] =	stream.linear.gather [hbm4b:s15+s3], $0x20, $0x38;
	[tilespmem:$0x18000] =	vst v63  }
0x7f: {  	_ =	swait.ge [sflag:s25], $0x20  }
0x80: {  	[sflag:s25] =	ssyncset.done $0x0  }
0x81: {  	[sflag:s25] =	ssyncadd.s32 $0xFFFFFFE0  }
0x82: {  	_ =	swait.ge [sflag:s25], $0x20  }
0x83: {  	[sflag:s25] =	ssyncset.done $0x0  }
0x84: {  	s14 =	simm.s32 $0x14D00;
	[sflag:s25] =	ssyncadd.s32 $0xFFFFFFE0  }
0x85: {  	[tilespmem:s26], [sflag:$0x5] =	stream.indirect.gather [hbm4b:s4+s21], $0x80, s14, s21, $0xb8;
	[tilespmem:$0x18000] =	vst v63  }
0x86: {  	_ =	swait.ge [sflag:s28], $0x1000  }
0x87: {  	[sflag:s28] =	ssyncset.done $0x0  }
0x88: {  	s16 =	simm.s32 $0x13C80;
	s20 =	simm.s32 @!p1 $0xC;
	[sflag:s28] =	ssyncadd.s32 $0xFFFFF000  }
0x89: {  	[spmem:s2] =	stream.indirect.scatter.add.f32 [tilespmem:s22], [sflag:$0x3], $0x80, s16, s21, $0xb8;
	[tilespmem:$0x18000] =	vst v63  }
0x8a: {  	_ =	swait.ge @!p1 [sflag:s20], $0x1000  }
0x8b: {  	s17 =	rddreg [dreg:$0x4];
	[sflag:s20] =	ssyncset.done @!p1 $0x0  }
0x8c: {  	[sflag:s20] =	ssyncadd.s32 @!p1 $0xFFFFF000;
	s14 =	sadd.s32 s12, s17  }
0x8d: {  	[tilespmem:s29], [sflag:$0xA] =	stream.linear.gather [hbm4b:s14+s3], $0x20, $0x38;
	[tilespmem:$0x18000] =	vst v63  }
0x8e: {  	s19 =	sadd.s32 $0xC, s19  }
0x8f: {  	[tilespmem:s30], [sflag:$0xA] =	stream.linear.gather [hbm4b:s19+s3], $0x20, $0x38;
	[tilespmem:$0x18000] =	vst v63  }
0x90: {  	_ =	swait.ge [sflag:s31], $0x20  }
0x91: {  	[sflag:s31] =	ssyncset.done $0x0  }
0x92: {  	[sflag:s31] =	ssyncadd.s32 $0xFFFFFFE0  }
0x93: {  	_ =	swait.ge [sflag:s31], $0x20  }
0x94: {  	[sflag:s31] =	ssyncset.done $0x0  }
0x95: {  	[sflag:s31] =	ssyncadd.s32 $0xFFFFFFE0  }
0x96: {  	[tilespmem:s0], [sflag:$0x8] =	stream.indirect.gather [hbm4b:s4+s21], $0x80, s23, s21, $0xb8;
	[tilespmem:$0x18000] =	vst v63  }
0x97: {  	_ =	swait.ge [sflag:s1], $0x1000  }
0x98: {  	[sflag:s1] =	ssyncset.done $0x0  }
0x99: {  	s20 =	simm.s32 $0x14D80;
	p1 =	seq.s32 s12, $0x4F0;
	[sflag:s1] =	ssyncadd.s32 $0xFFFFF000  }
0x9a: {  	[spmem:s2] =	stream.indirect.scatter.add.f32 [tilespmem:s26], [sflag:$0x6], $0x80, s20, s21, $0xb8;
	[tilespmem:$0x18000] =	vst v63  }
0x9b: {  	s15 =	sadd.s32 @!p1 s12, s13;
	_ =	swait.ge [sflag:s5], $0x1000  }
0x9c: {  	s19 =	simm.s32 @!p1 $0x13C00;
	s14 =	rddreg [dreg:$0x3];
	[sflag:s5] =	ssyncset.done $0x0  }
0x9d: {  	s20 =	simm.s32 @!p1 $0x0;
	[sflag:s5] =	ssyncadd.s32 $0xFFFFF000;
	s14 =	sadd.s32 @!p1 s12, s14  }
0x9e: {  	[tilespmem:s19], [sflag:$0x1] =	stream.linear.gather @!p1 [hbm4b:s14+s20], $0x20, $0x38;
	[tilespmem:$0x18000] =	vst v63  }
0x9f: {  	s16 =	sadd.s32 @!p1 $0x10, s15;
	s14 =	simm.s32 @!p1 $0x13C80  }
0xa0: {  	[tilespmem:s14], [sflag:$0x1] =	stream.linear.gather @!p1 [hbm4b:s16+s20], $0x20, $0x38;
	[tilespmem:$0x18000] =	vst v63  }
0xa1: {  	_ =	swait.ge [sflag:s8], $0x20  }
0xa2: {  	[sflag:s8] =	ssyncset.done $0x0  }
0xa3: {  	[sflag:s8] =	ssyncadd.s32 $0xFFFFFFE0  }
0xa4: {  	_ =	swait.ge [sflag:s8], $0x20  }
0xa5: {  	[sflag:s8] =	ssyncset.done $0x0  }
0xa6: {  	[sflag:s8] =	ssyncadd.s32 $0xFFFFFFE0  }
0xa7: {  	[tilespmem:s9], [sflag:$0xB] =	stream.indirect.gather [hbm4b:s4+s21], $0x80, s29, s21, $0xb8;
	[tilespmem:$0x18000] =	vst v63  }
0xa8: {  	_ =	swait.ge [sflag:s11], $0x1000  }
0xa9: {  	[sflag:s11] =	ssyncset.done $0x0  }
0xaa: {  	[sflag:s11] =	ssyncadd.s32 $0xFFFFF000  }
0xab: {  	[spmem:s2] =	stream.indirect.scatter.add.f32 [tilespmem:s0], [sflag:$0x9], $0x80, s24, s21, $0xb8;
	[tilespmem:$0x18000] =	vst v63  }
0xac: {  	_ =	swait.ge [sflag:s6], $0x1000  }
0xad: {  	s14 =	rddreg [dreg:$0x6];
	[sflag:s6] =	ssyncset.done $0x0  }
0xae: {  	s16 =	simm.s32 @!p1 $0x14D00;
	[sflag:s6] =	ssyncadd.s32 $0xFFFFF000;
	s14 =	sadd.s32 @!p1 s12, s14  }
0xaf: {  	[tilespmem:s16], [sflag:$0x4] =	stream.linear.gather @!p1 [hbm4b:s14+s20], $0x20, $0x38;
	[tilespmem:$0x18000] =	vst v63  }
0xb0: {  	s17 =	simm.s32 @!p1 $0x14D80;
	s15 =	sadd.s32 @!p1 $0x14, s15;
	s14 =	simm.s32 @!p1 $0x1  }
0xb1: {  	[tilespmem:s17], [sflag:$0x4] =	stream.linear.gather @!p1 [hbm4b:s15+s20], $0x20, $0x38;
	[tilespmem:$0x18000] =	vst v63  }
0xb2: {  	_ =	swait.ge @!p1 [sflag:s14], $0x20  }
0xb3: {  	s18 =	smov.u32 s10;
	s10 =	sadd.s32 $0x10, s10;
	[sflag:s14] =	ssyncset.done @!p1 $0x0  }
0xb4: {  	p0 =	sne.s32 s10, $0x500;
	[sflag:s14] =	ssyncadd.s32 @!p1 $0xFFFFFFE0  }
.Ltmp0:
0xb5: {  	_ =	swait.ge @!p1 [sflag:s14], $0x20;
	(pc) =	sbr.rel @p0 .LBB2_2-.Ltmp0, $4  }
0xb6: {  	s12 =	smov.u32 s18;
	[sflag:s14] =	ssyncset.done @!p1 $0x0  }
0xb7: {  	s16 =	simm.s32 @!p1 $0x13D00;
	s15 =	simm.s32 @!p1 $0x20;
	[sflag:s14] =	ssyncadd.s32 @!p1 $0xFFFFFFE0  }
0xb8: {  	[tilespmem:s16], [sflag:$0x2] =	stream.indirect.gather @!p1 [hbm4b:s4+s15], $0x80, s19, s15, $0xb8;
	[tilespmem:$0x18000] =	vst v63  }
0xb9: {  	p1 =	seq.s32 s12, $0x0;
	_ =	swait.ge [sflag:s7], $0x1000  }
0xba: {  	[sflag:s7] =	ssyncset.done $0x0  }
0xbb: {  	s10 =	simm.s32 @!p1 $0x9;
	[sflag:s7] =	ssyncadd.s32 $0xFFFFF000  }
0xbc: {  	[spmem:s2] =	stream.indirect.scatter.add.f32 [tilespmem:s9], [sflag:$0xC], $0x80, s30, s21, $0xb8;
	[tilespmem:$0x18000] =	vst v63  }
0xbd: {  	_ =	swait.ge @!p1 [sflag:s10], $0x1000  }
0xbe: {  	s14 =	rddreg [dreg:$0x5];
	[sflag:s10] =	ssyncset.done @!p1 $0x0  }
0xbf: {  	s20 =	sadd.s32 s12, s13;
	[sflag:s10] =	ssyncadd.s32 @!p1 $0xFFFFF000;
	s14 =	sadd.s32 s12, s14  }
0xc0: {  	[tilespmem:s23], [sflag:$0x7] =	stream.linear.gather [hbm4b:s14+s3], $0x20, $0x38;
	[tilespmem:$0x18000] =	vst v63  }
0xc1: {  	s16 =	sadd.s32 $0x8, s20  }
0xc2: {  	[tilespmem:s24], [sflag:$0x7] =	stream.linear.gather [hbm4b:s16+s3], $0x20, $0x38;
	[tilespmem:$0x18000] =	vst v63  }
0xc3: {  	_ =	swait.ge [sflag:s25], $0x20  }
0xc4: {  	[sflag:s25] =	ssyncset.done $0x0  }
0xc5: {  	[sflag:s25] =	ssyncadd.s32 $0xFFFFFFE0  }
0xc6: {  	_ =	swait.ge [sflag:s25], $0x20  }
0xc7: {  	[sflag:s25] =	ssyncset.done $0x0  }
0xc8: {  	s17 =	simm.s32 $0x14D00;
	[sflag:s25] =	ssyncadd.s32 $0xFFFFFFE0  }
0xc9: {  	[tilespmem:s26], [sflag:$0x5] =	stream.indirect.gather [hbm4b:s4+s21], $0x80, s17, s21, $0xb8;
	[tilespmem:$0x18000] =	vst v63  }
0xca: {  	_ =	swait.ge [sflag:s28], $0x1000  }
0xcb: {  	[sflag:s28] =	ssyncset.done $0x0  }
0xcc: {  	s15 =	simm.s32 $0x13C80;
	s14 =	simm.s32 @!p1 $0xC;
	[sflag:s28] =	ssyncadd.s32 $0xFFFFF000  }
0xcd: {  	[spmem:s2] =	stream.indirect.scatter.add.f32 [tilespmem:s22], [sflag:$0x3], $0x80, s15, s21, $0xb8;
	[tilespmem:$0x18000] =	vst v63  }
0xce: {  	_ =	swait.ge @!p1 [sflag:s14], $0x1000  }
0xcf: {  	s18 =	rddreg [dreg:$0x4];
	[sflag:s14] =	ssyncset.done @!p1 $0x0  }
0xd0: {  	[sflag:s14] =	ssyncadd.s32 @!p1 $0xFFFFF000;
	s19 =	sadd.s32 s12, s18  }
0xd1: {  	[tilespmem:s29], [sflag:$0xA] =	stream.linear.gather [hbm4b:s19+s3], $0x20, $0x38;
	[tilespmem:$0x18000] =	vst v63  }
0xd2: {  	s10 =	sadd.s32 $0xC, s20  }
0xd3: {  	[tilespmem:s30], [sflag:$0xA] =	stream.linear.gather [hbm4b:s10+s3], $0x20, $0x38;
	[tilespmem:$0x18000] =	vst v63  }
0xd4: {  	_ =	swait.ge [sflag:s31], $0x20  }
0xd5: {  	[sflag:s31] =	ssyncset.done $0x0  }
0xd6: {  	[sflag:s31] =	ssyncadd.s32 $0xFFFFFFE0  }
0xd7: {  	_ =	swait.ge [sflag:s31], $0x20  }
0xd8: {  	[sflag:s31] =	ssyncset.done $0x0  }
0xd9: {  	[sflag:s31] =	ssyncadd.s32 $0xFFFFFFE0  }
0xda: {  	[tilespmem:s0], [sflag:$0x8] =	stream.indirect.gather [hbm4b:s4+s21], $0x80, s23, s21, $0xb8;
	[tilespmem:$0x18000] =	vst v63  }
0xdb: {  	_ =	swait.ge [sflag:s1], $0x1000  }
0xdc: {  	[sflag:s1] =	ssyncset.done $0x0  }
0xdd: {  	p0 =	seq.s32 s12, $0x4F0;
	s20 =	simm.s32 $0x14D80;
	[sflag:s1] =	ssyncadd.s32 $0xFFFFF000  }
0xde: {  	[spmem:s2] =	stream.indirect.scatter.add.f32 [tilespmem:s26], [sflag:$0x6], $0x80, s20, s21, $0xb8;
	[tilespmem:$0x18000] =	vst v63  }
0xdf: {  	s16 =	simm.s32 @!p0 $0x13C00;
	_ =	swait.ge [sflag:s5], $0x1000  }
0xe0: {  	s15 =	sadd.s32 @!p0 s12, s13;
	s10 =	rddreg [dreg:$0x3];
	[sflag:s5] =	ssyncset.done $0x0  }
0xe1: {  	s14 =	simm.s32 @!p0 $0x0;
	[sflag:s5] =	ssyncadd.s32 $0xFFFFF000;
	s10 =	sadd.s32 @!p0 s12, s10  }
0xe2: {  	[tilespmem:s16], [sflag:$0x1] =	stream.linear.gather @!p0 [hbm4b:s10+s14], $0x20, $0x38;
	[tilespmem:$0x18000] =	vst v63  }
0xe3: {  	s17 =	simm.s32 @!p0 $0x13C80;
	s10 =	sadd.s32 @!p0 $0x10, s15  }
0xe4: {  	[tilespmem:s17], [sflag:$0x1] =	stream.linear.gather @!p0 [hbm4b:s10+s14], $0x20, $0x38;
	[tilespmem:$0x18000] =	vst v63  }
0xe5: {  	_ =	swait.ge [sflag:s8], $0x20  }
0xe6: {  	[sflag:s8] =	ssyncset.done $0x0  }
0xe7: {  	[sflag:s8] =	ssyncadd.s32 $0xFFFFFFE0  }
0xe8: {  	_ =	swait.ge [sflag:s8], $0x20  }
0xe9: {  	[sflag:s8] =	ssyncset.done $0x0  }
0xea: {  	[sflag:s8] =	ssyncadd.s32 $0xFFFFFFE0  }
0xeb: {  	[tilespmem:s9], [sflag:$0xB] =	stream.indirect.gather [hbm4b:s4+s21], $0x80, s29, s21, $0xb8;
	[tilespmem:$0x18000] =	vst v63  }
0xec: {  	_ =	swait.ge [sflag:s11], $0x1000  }
0xed: {  	[sflag:s11] =	ssyncset.done $0x0  }
0xee: {  	[sflag:s11] =	ssyncadd.s32 $0xFFFFF000  }
0xef: {  	[spmem:s2] =	stream.indirect.scatter.add.f32 [tilespmem:s0], [sflag:$0x9], $0x80, s24, s21, $0xb8;
	[tilespmem:$0x18000] =	vst v63  }
0xf0: {  	_ =	swait.ge [sflag:s6], $0x1000  }
0xf1: {  	s10 =	rddreg [dreg:$0x6];
	[sflag:s6] =	ssyncset.done $0x0  }
0xf2: {  	[sflag:s6] =	ssyncadd.s32 $0xFFFFF000;
	s10 =	sadd.s32 @!p0 s12, s10;
	s12 =	simm.s32 @!p0 $0x14D00  }
0xf3: {  	[tilespmem:s12], [sflag:$0x4] =	stream.linear.gather @!p0 [hbm4b:s10+s14], $0x20, $0x38;
	[tilespmem:$0x18000] =	vst v63  }
0xf4: {  	s10 =	sadd.s32 @!p0 $0x14, s15;
	s12 =	simm.s32 @!p0 $0x14D80  }
0xf5: {  	[tilespmem:s12], [sflag:$0x4] =	stream.linear.gather @!p0 [hbm4b:s10+s14], $0x20, $0x38;
	[tilespmem:$0x18000] =	vst v63  }
0xf6: {  	s10 =	simm.s32 @!p0 $0x1  }
0xf7: {  	_ =	swait.ge @!p0 [sflag:s10], $0x20  }
0xf8: {  	[sflag:s10] =	ssyncset.done @!p0 $0x0  }
0xf9: {  	[sflag:s10] =	ssyncadd.s32 @!p0 $0xFFFFFFE0  }
0xfa: {  	_ =	swait.ge @!p0 [sflag:s10], $0x20  }
0xfb: {  	[sflag:s10] =	ssyncset.done @!p0 $0x0  }
0xfc: {  	s12 =	simm.s32 @!p0 $0x20;
	[sflag:s10] =	ssyncadd.s32 @!p0 $0xFFFFFFE0;
	s10 =	simm.s32 @!p0 $0x13D00  }
0xfd: {  	[tilespmem:s10], [sflag:$0x2] =	stream.indirect.gather @!p0 [hbm4b:s4+s12], $0x80, s16, s12, $0xb8;
	[tilespmem:$0x18000] =	vst v63  }
0xfe: {  	_ =	swait.ge [sflag:s7], $0x1000  }
0xff: {  	[sflag:s7] =	ssyncset.done $0x0  }
0x100: {  	s14 =	simm.s32 $0x9;
	[sflag:s7] =	ssyncadd.s32 $0xFFFFF000  }
0x101: {  	[spmem:s2] =	stream.indirect.scatter.add.f32 [tilespmem:s9], [sflag:$0xC], $0x80, s30, s21, $0xb8;
	[tilespmem:$0x18000] =	vst v63  }
0x102: {  	_ =	swait.ge [sflag:s14], $0x1000  }
0x103: {  	[sflag:s14] =	ssyncset.done $0x0  }
0x104: {  	s15 =	simm.s32 $0xC;
	[sflag:s14] =	ssyncadd.s32 $0xFFFFF000  }
0x105: {  	_ =	swait.ge [sflag:s15], $0x1000  }
0x106: {  	[sflag:s15] =	ssyncset.done $0x0  }
0x107: {  	[sflag:s15] =	ssyncadd.s32 $0xFFFFF000  }
0x108: {  	[bflag:$0x0] =	sbarrier.arrive $0xFFFF  }
0x109: {  	s14 =	rddreg [dreg:$0xc]  }
0x10a: {  	s16 =	rddreg [dreg:$0xd]  }
0x10b: {  	s19 =	simm.s32 $0xD;
	s18 =	rddreg [dreg:$0xf]  }
0x10c: {  	[hbm:s16], [sflag:s14] =	dma.local [spmem:s18], $0x2780  }
0x10d: {  	_ =	swait.ge [sflag:s19], $0x2780  }
0x10e: {  	s17 =	rddreg [dreg:$0x10]  }
0x10f: {  	s20 =	rddreg [dreg:$0xe];
	s12 =	sadd.s32 $0x1, s17  }
0x110: {  	p0 =	sne.s32 s12, s20  }
.Ltmp1:
0x111: {  	_ = 	snop;
	(pc) =	sbr.rel @p0 .LBB2_1-.Ltmp1, $3  }
0x112: {  	_ =	sdelay $0x1  }
0x113: {  	[sflag:s19] =	ssyncset.done $0x0  }
0x114: {  	[sflag:s19] =	ssyncadd.s32 $0xFFFFD880  }
0x115: {  	_ =	sfence.sel $0x180000  }
0x116: {  	[bflag:$0x0] =	sbarrier.arrive $0xFFFF  }
0x117: {  	_ =	strace $0x9000004A  }
0x118: {  	s0 =	stileid.u32;
	[bflag:$0x2] =	sbarrier.arrive $0xFFFF  }
0x119: {  	p0 =	sne.s32 s0, $0x0;
	s0 =	rddreg [dreg:$0x2]  }
0x11a: {  	s0 =	sadd.s32 @!p0 $0x100000, s0  }
0x11b: {  	[sflag:s0] =	ssyncadd.tile.s32 @!p0 $0x1;
	_ =	shalt  }
.Lfunc_end2:
_tile_overlayer_lowered:
.L_overlay_start_2:
0x11c: {  	(tag) =	ssettag $0x2  }
0x11d: {  	s0 =	rddreg [dreg:$0x0];
	s2 =	stileid.u32  }
0x11e: {  	s1 =	rddreg [dreg:$0x1];
	p0 =	sne.s32 s2, $0x0  }
0x11f: {  	s3 =	rddreg [dreg:$0x2];
	[bflag:$0x3] =	sbarrier.arrive $0xFFFF;
	s2 =	simm.s32 @!p0 $0x1C0D  }
0x120: {  	[timem:s3], [sflag:s2] =	dma.local @!p0 [hbm:s0], s1  }
0x121: {  	s0 =	simm.s32 @!p0 $0xD  }
0x122: {  	_ =	swait.ge @!p0 [sflag:s0], s1  }
0x123: {  	s1 =	ssub.s32 @!p0 $0x0, s1;
	[sflag:s0] =	ssyncset.done @!p0 $0x0  }
0x124: {  	[sflag:s0] =	ssyncadd.s32 @!p0 s1  }
0x125: {  	[bflag:$0x3] =	sbarrier.arrive $0xFFFF  }
0x126: {  	_ =	shalt  }

// kernel: sage_sc_scatter.7.cloned.1.call-start
scs
__scs_entry_jumppad:
0x0: {  	(pc) =	sbr.rel $0x88, $3  }
0x1: {  	(tag) =	ssettag $0x0;
	lr =	simm.s32 $0x1  }
0x2: {  	[smem:$0x3F99] =	sst lr;
	_ =	strace $0xD0000000  }
0x3: {  	_ = 	snop  }
0x4: {  	_ = 	snop  }
0x5: {  	_ = 	snop  }
0x6: {  	_ = 	snop  }
0x7: {  	_ = 	snop  }
__scs_overlays_trampoline_lowered:
0x8: {  	[smem:$0x3FA8] =	sst s0  }
0x9: {  	[smem:$0x3FA9] =	sst s1  }
0xa: {  	[smem:$0x3FAA] =	sst s2  }
0xb: {  	[smem:$0x3FAB] =	sst s3  }
0xc: {  	[smem:$0x3FAC] =	sst s4  }
0xd: {  	[smem:$0x3FAD] =	sst s5  }
0xe: {  	[smem:$0x3FAE] =	sst s6  }
0xf: {  	[smem:$0x3FAF] =	sst s7  }
0x10: {  	[smem:$0x3FB0] =	sst s8  }
0x11: {  	[smem:$0x3FB1] =	sst s9;
	s0 =	simm.s32 @!p0 $0x0  }
0x12: {  	s1 =	sld [smem:$0x3F97];
	s0 =	simm.s32 @p0 $0x1  }
0x13: {  	[smem:$0x3FB2] =	sst s0;
	s0 =	simm.s32 @!p1 $0x0  }
0x14: {  	s2 =	sld [smem:$0x3F96];
	s0 =	simm.s32 @p1 $0x1  }
0x15: {  	[smem:$0x3FB3] =	sst s0;
	s0 =	simm.s32 @!p2 $0x0  }
0x16: {  	s3 =	sld [smem:$0x3FDB];
	s0 =	simm.s32 @p2 $0x1  }
0x17: {  	s4 =	simm.s32 $0x1BF5;
	[smem:$0x3FB5] =	sst s0  }
0x18: {  	s0 =	sld [smem:$0x3F98];
	_ =	swait.ge [sflag:s4], $0x0  }
0x19: {  	s7 =	sld [smem:$0x3F99]  }
0x1a: {  	s8 =	sadd.s32 $0xFFFFE003, lr  }
0x1b: {  	s9 =	sadd.s32 $0xFFFFFEF7, lr;
	s5 =	simm.s32 $0xFFFFFFFF;
	p2 =	slt.u32 s8, $0xFFFFF086  }
0x1c: {  	p1 =	slt.u32 s9, $0xF7A;
	s5 =	simm.s32 @!p2 $0x0  }
0x1d: {  	s5 =	simm.s32 @p1 $0x1;
	p0 =	seq.s32 s7, s2  }
0x1e: {  	s7 =	smul.u32 @!p0 $0xF7A, s2;
	p2 =	seq.s32 @!p0 s5, $0x0  }
0x1f: {  	s9 =	smul.u32 $0xF7A, s1;
	s8 =	simm.s32 @!p0 $0x1BF5;
	p2 =	por !p2, p0  }
0x20: {  	[sflag:s8] =	ssyncset.s32 @!p0 $0xFFFFF086;
	s6 =	sadd.s32 @!p0 s3, s7;
	s7 =	simm.s32 @!p0 $0x108  }
0x21: {  	s3 =	sadd.s32 s3, s9;
	s6 =	sadd.s32 @!p0 $0x88, s6;
	s7 =	simm.s32 @p2 $0x1082  }
0x22: {  	[simem:s7], [sflag:s8] =	dma.local @!p0 [hbm:s6], $0xF7A  }
0x23: {  	s9 =	sor.u32 $0xD0000000, s2;
	s6 =	simm.s32 $0x108;
	_ =	swait.ge @!p0 [sflag:s8], $0x0  }
0x24: {  	s3 =	sadd.s32 $0x88, s3;
	s6 =	simm.s32 @!p1 $0x1082;
	[sflag:s4] =	ssyncset.s32 $0xFFFFF086  }
0x25: {  	[simem:s6], [sflag:s4] =	dma.local [hbm:s3], $0xF7A  }
0x26: {  	[smem:$0x3F99] =	sst s1;
	(tag) =	ssettag s2;
	_ =	strace s9  }
0x27: {  	s1 =	sld [smem:$0x3FA9]  }
0x28: {  	s2 =	sld [smem:$0x3FAA]  }
0x29: {  	s4 =	sld [smem:$0x3FAC]  }
0x2a: {  	p0 =	seq.s32 s5, $0x0;
	s5 =	sld [smem:$0x3FAD]  }
0x2b: {  	s6 =	sld [smem:$0x3FAE]  }
0x2c: {  	s7 =	sld [smem:$0x3FAF]  }
0x2d: {  	s3 =	simm.s32 $0x108;
	s8 =	sld [smem:$0x3FB0]  }
0x2e: {  	s3 =	simm.s32 @!p0 $0x1082;
	s9 =	sld [smem:$0x3FB1]  }
0x2f: {  	lr =	sadd.s32 s0, s3;
	s0 =	sld [smem:$0x3FA8]  }
0x30: {  	s3 =	sld [smem:$0x3FAB]  }
0x31: {  	[smem:$0x3FB4] =	sst s10  }
0x32: {  	s10 =	sld [smem:$0x3FB2];
	_ =	sdelay $0x3  }
0x33: {  	p0 =	seq.s32 s10, $0x1;
	s10 =	sld [smem:$0x3FB4];
	_ =	sdelay $0x3  }
0x34: {  	[smem:$0x3FB4] =	sst s10  }
0x35: {  	s10 =	sld [smem:$0x3FB3];
	_ =	sdelay $0x3  }
0x36: {  	p1 =	seq.s32 s10, $0x1;
	s10 =	sld [smem:$0x3FB4];
	_ =	sdelay $0x3  }
0x37: {  	[smem:$0x3FB4] =	sst s10  }
0x38: {  	s10 =	sld [smem:$0x3FB5]  }
0x39: {  	_ = 	snop;
	(pc) =	sbr.ind lr, $3  }
0x3a: {  	_ = 	snop  }
0x3b: {  	_ = 	snop  }
0x3c: {  	p2 =	seq.s32 s10, $0x1;
	s10 =	sld [smem:$0x3FB4]  }
0x3d: {  	_ =	shalt  }
0x3e: {  	_ =	shalt  }
0x3f: {  	_ =	shalt  }
0x40: {  	_ =	shalt  }
0x41: {  	_ =	shalt  }
0x42: {  	_ =	shalt  }
0x43: {  	_ =	shalt  }
0x44: {  	_ =	shalt  }
0x45: {  	_ =	shalt  }
0x46: {  	_ =	shalt  }
0x47: {  	_ =	shalt  }
0x48: {  	_ =	shalt  }
0x49: {  	_ =	shalt  }
0x4a: {  	_ =	shalt  }
0x4b: {  	_ =	shalt  }
0x4c: {  	_ =	shalt  }
0x4d: {  	_ =	shalt  }
0x4e: {  	_ =	shalt  }
0x4f: {  	_ =	shalt  }
0x50: {  	_ =	shalt  }
0x51: {  	_ =	shalt  }
0x52: {  	_ =	shalt  }
0x53: {  	_ =	shalt  }
0x54: {  	_ =	shalt  }
0x55: {  	_ =	shalt  }
0x56: {  	_ =	shalt  }
0x57: {  	_ =	shalt  }
0x58: {  	_ =	shalt  }
0x59: {  	_ =	shalt  }
0x5a: {  	_ =	shalt  }
0x5b: {  	_ =	shalt  }
0x5c: {  	_ =	shalt  }
0x5d: {  	_ =	shalt  }
0x5e: {  	_ =	shalt  }
0x5f: {  	_ =	shalt  }
0x60: {  	_ =	shalt  }
0x61: {  	_ =	shalt  }
0x62: {  	_ =	shalt  }
0x63: {  	_ =	shalt  }
0x64: {  	_ =	shalt  }
0x65: {  	_ =	shalt  }
0x66: {  	_ =	shalt  }
0x67: {  	_ =	shalt  }
0x68: {  	_ =	shalt  }
0x69: {  	_ =	shalt  }
0x6a: {  	_ =	shalt  }
0x6b: {  	_ =	shalt  }
0x6c: {  	_ =	shalt  }
0x6d: {  	_ =	shalt  }
0x6e: {  	_ =	shalt  }
0x6f: {  	_ =	shalt  }
0x70: {  	_ =	shalt  }
0x71: {  	_ =	shalt  }
0x72: {  	_ =	shalt  }
0x73: {  	_ =	shalt  }
0x74: {  	_ =	shalt  }
0x75: {  	_ =	shalt  }
0x76: {  	_ =	shalt  }
0x77: {  	_ =	shalt  }
0x78: {  	_ =	shalt  }
0x79: {  	_ =	shalt  }
0x7a: {  	_ =	shalt  }
0x7b: {  	_ =	shalt  }
0x7c: {  	_ =	shalt  }
0x7d: {  	_ =	shalt  }
0x7e: {  	_ =	shalt  }
0x7f: {  	_ =	shalt  }
0x80: {  	_ =	shalt  }
0x81: {  	_ =	shalt  }
0x82: {  	_ =	shalt  }
0x83: {  	_ =	shalt  }
0x84: {  	_ =	shalt  }
0x85: {  	_ =	shalt  }
0x86: {  	_ =	shalt  }
0x87: {  	_ =	shalt  }
.Lfunc_end0:
.L_simem_size_0:
called_computation.2_lowered:
.L_overlay_start_0:
0x88: {  	s2 =	sld [smem:$0x3FD9]  }
0x89: {  	s3 =	sld [smem:$0x3FFE];
	_ =	sdelay $0x1  }
0x8a: {  	s1 =	srdreg.scid  }
0x8b: {  	s0 =	sand.u32 $0x1, s1  }
0x8c: {  	s17 =	sshll.u32 s0, $0xA;
	s2 =	sadd.s32 s3, s2  }
0x8d: {  	s2 =	sadd.s32 s2, s17  }
0x8e: {  	[smem:$0x3FC0] =	sst s2  }
0x8f: {  	_ = 	snop  }
0x90: {  	s2 =	sld [smem:$0x3FD0];
	(tm) =	ssettm $0x1  }
0x91: {  	s18 =	sld [smem:$0x3FFB];
	_ =	sdelay $0x3  }
0x92: {  	_ =	strace s18  }
0x93: {  	s3 =	sld [smem:$0x3FFC];
	_ =	sdelay $0x3  }
0x94: {  	_ =	strace s3  }
0x95: {  	s3 =	sld [smem:$0x3FFD];
	_ =	sdelay $0x3  }
0x96: {  	_ =	strace s3  }
0x97: {  	_ =	strace $0x8FFFFFFF  }
0x98: {  	s19 =	sld [smem:$0x3FDB];
	_ =	sdelay $0x1  }
0x99: {  	s4 =	simm.s32 $_scs_section_size  }
0x9a: {  	s5 =	simm.s32 $_size__tile_overlayer_lowered;
	s6 =	simm.s32 $_tile_overlayer_lowered  }
0x9b: {  	s22 =	simm.s32 $0x1BFF;
	s21 =	sshll.u32 s6, $0x1;
	s3 =	sadd.s32 s4, s19  }
0x9c: {  	s7 =	simm.s32 $0x0;
	s20 =	sshll.u32 s5, $0x1;
	s5 =	sadd.s32 s21, s3  }
0x9d: {  	[timem:s7], [sflag:s22] =	dma.local [hbm:s5], s20  }
0x9e: {  	_ =	swait.ge [sflag:s22], s20  }
0x9f: {  	s4 =	ssub.s32 $0x0, s20;
	[sflag:s22] =	ssyncset.done $0x0  }
0xa0: {  	[sflag:s22] =	ssyncadd.s32 s4;
	_ =	sdelay $0x1  }
0xa1: {  	s23 =	simm.s32 $0x1B8B  }
0xa2: {  	_ =	swait.ge [sflag:s23], $0x1  }
0xa3: {  	[sflag:s23] =	ssyncset.done $0x0  }
0xa4: {  	s25 =	simm.s32 $0x1B8E;
	s24 =	sld [smem:$0x3FFE];
	[sflag:s23] =	ssyncadd.s32 $0xFFFFFFFF  }
0xa5: {  	s26 =	simm.s32 $execute0_lowered;
	[smem:$0x3FD2] =	sst s25  }
0xa6: {  	s5 =	sshll.u32 s26, $0x1;
	_ =	strace $0x8000004C;
	[dreg:$0x1] =	wrdreg $0xFFFFFFFF  }
0xa7: {  	s28 =	simm.s32 $_size_execute0_lowered;
	s3 =	sadd.s32 s3, s5;
	[dreg:$0x0] =	wrdreg $0x0  }
0xa8: {  	s5 =	sshll.u32 s28, $0x1;
	[dreg:$0x2] =	wrdreg s3  }
0xa9: {  	[dreg:$0x3] =	wrdreg s5  }
0xaa: {  	[dreg:$0x4] =	wrdreg $0xC0  }
0xab: {  	_ =	task [dreg:s7], $0x5FFFF  }
0xac: {  	[dreg:$0x1] =	wrdreg $0xFFFFFFFF  }
0xad: {  	[dreg:$0x0] =	wrdreg $0x60  }
0xae: {  	[dreg:$0x2] =	wrdreg s24  }
0xaf: {  	[dreg:$0x3] =	wrdreg s2  }
0xb0: {  	[dreg:$0x4] =	wrdreg $0x0  }
0xb1: {  	[dreg:$0x5] =	wrdreg $0x9  }
0xb2: {  	_ =	task.clear_ibuf [dreg:s7], $0x6FFFF;
	_ =	strace $0x9000004C  }
0xb3: {  	s29 =	simm.s32 $0x9;
	_ =	strace $0x8000004E  }
0xb4: {  	_ =	swait.ge [sflag:s29], $0x1  }
0xb5: {  	[sflag:s29] =	ssyncadd.s32 $0xFFFFFFFF  }
0xb6: {  	_ =	strace $0x9000004E  }
0xb7: {  	_ =	sfence  }
0xb8: {  	s30 =	sld [smem:$0x0];
	_ =	sdelay $0x2  }
0xb9: {  	s31 =	sshll.u32 s1, $0xD;
	s1 =	sshrl.u32 s1, $0x2  }
0xba: {  	s3 =	sand.u32 $0x4000, s31;
	s1 =	sadd.s32 s1, s30  }
0xbb: {  	s0 =	sor.u32 s3, s0;
	s1 =	sshll.u32 s1, $0x11  }
0xbc: {  	s0 =	sor.u32 s1, s0  }
0xbd: {  	s0 =	sadd.s32 $0x8F2B, s0  }
0xbe: {  	[sflag:s0] =	ssyncadd.remote.s32 $0x1  }
0xbf: {  	_ =	sfence.sel $0xFFFF  }
0xc0: {  	[dreg:$0x0] =	wrdreg $0xFFFFFFFF;
	(pc) =	sbr.abs _section_cstart, $3  }
0xc1: {  	[dreg:$0x1] =	wrdreg $0xFFFFFFFF  }
0xc2: {  	_ =	task.clear_ibuf [dreg:s7], $0x2FFFF;
	_ =	strace $0x9FFFFFFF  }
0xc3: {  	(tm) =	ssettm $0x7FFFFFFF  }
tec
execute0_lowered:
.L_overlay_start_1:
0x0: {  	(tag) =	ssettag $0x1  }
0x1: {  	s0 =	rddreg [dreg:$0x0]  }
0x2: {  	s2 =	rddreg [dreg:$0x1]  }
0x3: {  	s3 =	rddreg [dreg:$0x2]  }
0x4: {  	s1 =	srdreg.scid;
	s12 =	stileid.u32  }
0x5: {  	s4 =	simm.s32 $0x0;
	s28 =	simm.s32 $0x2;
	s29 =	simm.s32 $0x16F00  }
0x6: {  	s30 =	simm.s32 $0x16F80;
	s31 =	simm.s32 $0x7;
	s5 =	smul.u32 $0x2780, s12  }
0x7: {  	s1 =	sand.u32 $0x1, s1;
	[smem:$0x7FF] =	sst s4;
	s10 =	smul.u32 $0x2800, s12  }
0x8: {  	s8 =	sadd.s32 $0xA6800, s0;
	s9 =	sadd.s32 $0x1C00, s0;
	s13 =	smul.u32 $0x4F000, s12  }
0x9: {  	s11 =	sadd.s32 $0x6E00, s0;
	s18 =	sshll.u32 s12, $0x6;
	s21 =	smul.u32 $0x500, s12  }
0xa: {  	s12 =	simm.s32 $0x0;
	s6 =	smul.u32 $0x27800, s1;
	_ =	strace $0x8000004D  }
0xb: {  	s7 =	smul.u32 $0x28000, s1;
	[dreg:$0x8] =	wrdreg s11;
	s1 =	ssub.s32 $0x2, s1  }
0xc: {  	s11 =	simm.s32 $0x8;
	s25 =	sshrl.u32 s1, $0x1;
	s17 =	sshrl.u32 s13, $0x2  }
0xd: {  	s13 =	sadd.s32 s21, s9;
	s21 =	simm.s32 $0x20;
	s5 =	sadd.s32 s5, s6  }
0xe: {  	s26 =	sadd.s32 s10, s7;
	s10 =	sshrl.u32 s10, $0x3;
	s1 =	ssub.s32 s1, s25  }
0xf: {  	s0 =	sadd.s32 s5, s0;
	s7 =	sshrl.u32 s26, $0x3;
	s15 =	sadd.s32 s9, s10  }
0x10: {  	s19 =	sor.u32 $0x80, s26;
	s22 =	sor.u32 $0x60, s26;
	s24 =	sor.u32 $0x40, s26  }
0x11: {  	s6 =	sor.u32 $0xA0, s26;
	s1 =	smax.u32 s1, $0x1;
	s9 =	simm.s32 $0x17000  }
0x12: {  	s14 =	sadd.s32 s8, s7;
	[dreg:$0xa] =	wrdreg s15;
	s16 =	sadd.s32 $0x4, s15  }
0x13: {  	s0 =	sadd.s32 $0xB0800, s0;
	s20 =	sshrl.u32 s19, $0x3;
	s23 =	sshrl.u32 s22, $0x3  }
0x14: {  	s10 =	sshrl.u32 s24, $0x3;
	s6 =	sshrl.u32 s6, $0x3;
	[dreg:$0xf] =	wrdreg s1  }
0x15: {  	s19 =	simm.s32 $0xD;
	s24 =	simm.s32 $0x15E80;
	[dreg:$0x9] =	wrdreg s14  }
0x16: {  	s1 =	simm.s32 $0x5;
	s7 =	simm.s32 $0xB;
	[dreg:$0xc] =	wrdreg s16  }
0x17: {  	s22 =	simm.s32 $0x13D00;
	s5 =	sadd.s32 $0x4, s14;
	[dreg:$0xe] =	wrdreg s0  }
0x18: {  	s14 =	sor.u32 $0x1C0D, s18;
	s0 =	sadd.s32 s20, s8;
	[dreg:$0xb] =	wrdreg s5  }
0x19: {  	s25 =	sadd.s32 s10, s8;
	s26 =	sadd.s32 s6, s8;
	[dreg:$0x4] =	wrdreg s0  }
0x1a: {  	s6 =	simm.s32 $0x6;
	s5 =	sadd.s32 s17, s3;
	[dreg:$0x6] =	wrdreg s25  }
0x1b: {  	s0 =	sadd.s32 s23, s8;
	[dreg:$0x7] =	wrdreg s26;
	s23 =	simm.s32 $0x15E00  }
0x1c: {  	s25 =	simm.s32 $0x4;
	s26 =	simm.s32 $0x14E00;
	[dreg:$0xd] =	wrdreg s14  }
0x1d: {  	s8 =	simm.s32 $0xA;
	[dreg:$0x5] =	wrdreg s0;
	s18 =	sshrl.u32 s5, $0x3  }
0x1e: {  	s0 =	simm.s32 $0x15F00;
	s5 =	simm.s32 $0x3;
	[dreg:$0x10] =	wrdreg s18  }
.LBB2_1:
0x1f: {  	[dreg:$0x11] =	wrdreg s12  }
0x20: {  	s10 =	rddreg [dreg:$0x9];
	s12 =	simm.s32 $0x13C00  }
0x21: {  	[tilespmem:s12], [sflag:$0x1] =	stream.linear.gather [hbm4b:s10+s4], $0x20, $0x38;
	[tilespmem:$0x18000] =	vst v63  }
0x22: {  	s16 =	rddreg [dreg:$0xa];
	s15 =	simm.s32 $0x13C80  }
0x23: {  	[tilespmem:s15], [sflag:$0x1] =	stream.linear.gather [hbm4b:s16+s4], $0x20, $0x38;
	[tilespmem:$0x18000] =	vst v63  }
0x24: {  	s17 =	rddreg [dreg:$0xb];
	s16 =	simm.s32 $0x14D00  }
0x25: {  	[tilespmem:s16], [sflag:$0x4] =	stream.linear.gather [hbm4b:s17+s4], $0x20, $0x38;
	[tilespmem:$0x18000] =	vst v63  }
0x26: {  	s20 =	rddreg [dreg:$0xc];
	s17 =	simm.s32 $0x14D80  }
0x27: {  	[tilespmem:s17], [sflag:$0x4] =	stream.linear.gather [hbm4b:s20+s4], $0x20, $0x38;
	[tilespmem:$0x18000] =	vst v63  }
0x28: {  	s20 =	rddreg [dreg:$0x8]  }
0x29: {  	[spmem:s18], [sflag:s14] =	dma.local [hbm:s20], $0x2780  }
0x2a: {  	_ =	swait.ge [sflag:s19], $0x2780  }
0x2b: {  	[sflag:s19] =	ssyncset.done $0x0  }
0x2c: {  	s18 =	simm.s32 $0x1;
	[sflag:s19] =	ssyncadd.s32 $0xFFFFD880  }
0x2d: {  	_ =	swait.ge [sflag:s18], $0x20  }
0x2e: {  	[sflag:s18] =	ssyncset.done $0x0  }
0x2f: {  	[sflag:s18] =	ssyncadd.s32 $0xFFFFFFE0  }
0x30: {  	_ =	swait.ge [sflag:s18], $0x20  }
0x31: {  	[sflag:s18] =	ssyncset.done $0x0  }
0x32: {  	p0 =	por $0x1, $0x1;
	s19 =	simm.s32 $0x13D00;
	[sflag:s18] =	ssyncadd.s32 $0xFFFFFFE0  }
0x33: {  	[tilespmem:s19], [sflag:$0x2] =	stream.indirect.gather [hbm4b:s2+s21], $0x80, s12, s21, $0xb8;
	[tilespmem:$0x18000] =	vst v63  }
0x34: {  	s10 =	simm.s32 @!p0 $0x9;
	[bflag:$0x0] =	sbarrier.arrive $0xFFFF  }
0x35: {  	_ =	swait.ge @!p0 [sflag:s10], $0x1000  }
0x36: {  	s20 =	rddreg [dreg:$0x6];
	[sflag:s10] =	ssyncset.done @!p0 $0x0  }
0x37: {  	[sflag:s10] =	ssyncadd.s32 @!p0 $0xFFFFF000;
	s10 =	sadd.s32 $0x0, s13;
	s12 =	sadd.s32 $0x0, s20  }
0x38: {  	[tilespmem:s23], [sflag:$0x7] =	stream.linear.gather [hbm4b:s12+s4], $0x20, $0x38;
	[tilespmem:$0x18000] =	vst v63  }
0x39: {  	s18 =	sadd.s32 $0x8, s10  }
0x3a: {  	[tilespmem:s24], [sflag:$0x7] =	stream.linear.gather [hbm4b:s18+s4], $0x20, $0x38;
	[tilespmem:$0x18000] =	vst v63  }
0x3b: {  	_ =	swait.ge [sflag:s25], $0x20  }
0x3c: {  	[sflag:s25] =	ssyncset.done $0x0  }
0x3d: {  	[sflag:s25] =	ssyncadd.s32 $0xFFFFFFE0  }
0x3e: {  	_ =	swait.ge [sflag:s25], $0x20  }
0x3f: {  	[sflag:s25] =	ssyncset.done $0x0  }
0x40: {  	[sflag:s25] =	ssyncadd.s32 $0xFFFFFFE0  }
0x41: {  	[tilespmem:s26], [sflag:$0x5] =	stream.indirect.gather [hbm4b:s2+s21], $0x80, s16, s21, $0xb8;
	[tilespmem:$0x18000] =	vst v63  }
0x42: {  	_ =	swait.ge [sflag:s28], $0x1000  }
0x43: {  	[sflag:s28] =	ssyncset.done $0x0  }
0x44: {  	s12 =	simm.s32 @!p0 $0xC;
	[sflag:s28] =	ssyncadd.s32 $0xFFFFF000  }
0x45: {  	[spmem:s3] =	stream.indirect.scatter.add.f32 [tilespmem:s19], [sflag:$0x3], $0x80, s15, s21, $0xb8;
	[tilespmem:$0x18000] =	vst v63  }
0x46: {  	_ =	swait.ge @!p0 [sflag:s12], $0x1000  }
0x47: {  	s19 =	rddreg [dreg:$0x5];
	[sflag:s12] =	ssyncset.done @!p0 $0x0  }
0x48: {  	[sflag:s12] =	ssyncadd.s32 @!p0 $0xFFFFF000;
	s20 =	sadd.s32 $0x0, s19  }
0x49: {  	[tilespmem:s29], [sflag:$0xA] =	stream.linear.gather [hbm4b:s20+s4], $0x20, $0x38;
	[tilespmem:$0x18000] =	vst v63  }
0x4a: {  	s10 =	sadd.s32 $0xC, s10  }
0x4b: {  	[tilespmem:s30], [sflag:$0xA] =	stream.linear.gather [hbm4b:s10+s4], $0x20, $0x38;
	[tilespmem:$0x18000] =	vst v63  }
0x4c: {  	_ =	swait.ge [sflag:s31], $0x20  }
0x4d: {  	[sflag:s31] =	ssyncset.done $0x0  }
0x4e: {  	[sflag:s31] =	ssyncadd.s32 $0xFFFFFFE0  }
0x4f: {  	_ =	swait.ge [sflag:s31], $0x20  }
0x50: {  	[sflag:s31] =	ssyncset.done $0x0  }
0x51: {  	[sflag:s31] =	ssyncadd.s32 $0xFFFFFFE0  }
0x52: {  	[tilespmem:s0], [sflag:$0x8] =	stream.indirect.gather [hbm4b:s2+s21], $0x80, s23, s21, $0xb8;
	[tilespmem:$0x18000] =	vst v63  }
0x53: {  	_ =	swait.ge [sflag:s1], $0x1000  }
0x54: {  	[sflag:s1] =	ssyncset.done $0x0  }
0x55: {  	p0 =	por $0x0, $0x0;
	[sflag:s1] =	ssyncadd.s32 $0xFFFFF000  }
0x56: {  	[spmem:s3] =	stream.indirect.scatter.add.f32 [tilespmem:s26], [sflag:$0x6], $0x80, s17, s21, $0xb8;
	[tilespmem:$0x18000] =	vst v63  }
0x57: {  	s12 =	simm.s32 @!p0 $0x0;
	_ =	swait.ge [sflag:s5], $0x1000  }
0x58: {  	s18 =	sadd.s32 @!p0 $0x0, s13;
	s10 =	rddreg [dreg:$0x4];
	[sflag:s5] =	ssyncset.done $0x0  }
0x59: {  	s19 =	simm.s32 @!p0 $0x13C00;
	[sflag:s5] =	ssyncadd.s32 $0xFFFFF000;
	s10 =	sadd.s32 @!p0 $0x0, s10  }
0x5a: {  	[tilespmem:s19], [sflag:$0x1] =	stream.linear.gather @!p0 [hbm4b:s10+s12], $0x20, $0x38;
	[tilespmem:$0x18000] =	vst v63  }
0x5b: {  	s20 =	simm.s32 @!p0 $0x13C80;
	s10 =	sadd.s32 @!p0 $0x10, s18  }
0x5c: {  	[tilespmem:s20], [sflag:$0x1] =	stream.linear.gather @!p0 [hbm4b:s10+s12], $0x20, $0x38;
	[tilespmem:$0x18000] =	vst v63  }
0x5d: {  	_ =	swait.ge [sflag:s8], $0x20  }
0x5e: {  	[sflag:s8] =	ssyncset.done $0x0  }
0x5f: {  	[sflag:s8] =	ssyncadd.s32 $0xFFFFFFE0  }
0x60: {  	_ =	swait.ge [sflag:s8], $0x20  }
0x61: {  	[sflag:s8] =	ssyncset.done $0x0  }
0x62: {  	[sflag:s8] =	ssyncadd.s32 $0xFFFFFFE0  }
0x63: {  	[tilespmem:s9], [sflag:$0xB] =	stream.indirect.gather [hbm4b:s2+s21], $0x80, s29, s21, $0xb8;
	[tilespmem:$0x18000] =	vst v63  }
0x64: {  	_ =	swait.ge [sflag:s11], $0x1000  }
0x65: {  	[sflag:s11] =	ssyncset.done $0x0  }
0x66: {  	[sflag:s11] =	ssyncadd.s32 $0xFFFFF000  }
0x67: {  	[spmem:s3] =	stream.indirect.scatter.add.f32 [tilespmem:s0], [sflag:$0x9], $0x80, s24, s21, $0xb8;
	[tilespmem:$0x18000] =	vst v63  }
0x68: {  	_ =	swait.ge [sflag:s6], $0x1000  }
0x69: {  	s10 =	rddreg [dreg:$0x7];
	[sflag:s6] =	ssyncset.done $0x0  }
0x6a: {  	s20 =	simm.s32 @!p0 $0x14D00;
	[sflag:s6] =	ssyncadd.s32 $0xFFFFF000;
	s10 =	sadd.s32 @!p0 $0x0, s10  }
0x6b: {  	[tilespmem:s20], [sflag:$0x4] =	stream.linear.gather @!p0 [hbm4b:s10+s12], $0x20, $0x38;
	[tilespmem:$0x18000] =	vst v63  }
0x6c: {  	s10 =	sadd.s32 @!p0 $0x14, s18;
	s18 =	simm.s32 @!p0 $0x14D80  }
0x6d: {  	[tilespmem:s18], [sflag:$0x4] =	stream.linear.gather @!p0 [hbm4b:s10+s12], $0x20, $0x38;
	[tilespmem:$0x18000] =	vst v63  }
0x6e: {  	s10 =	simm.s32 @!p0 $0x1  }
0x6f: {  	_ =	swait.ge @!p0 [sflag:s10], $0x20  }
0x70: {  	[sflag:s10] =	ssyncset.done @!p0 $0x0  }
0x71: {  	[sflag:s10] =	ssyncadd.s32 @!p0 $0xFFFFFFE0  }
0x72: {  	_ =	swait.ge @!p0 [sflag:s10], $0x20  }
0x73: {  	p1 =	por $0x0, $0x0;
	[sflag:s10] =	ssyncset.done @!p0 $0x0  }
0x74: {  	s12 =	simm.s32 @!p0 $0x20;
	[sflag:s10] =	ssyncadd.s32 @!p0 $0xFFFFFFE0;
	s10 =	simm.s32 @!p0 $0x13D00  }
0x75: {  	[tilespmem:s10], [sflag:$0x2] =	stream.indirect.gather @!p0 [hbm4b:s2+s12], $0x80, s19, s12, $0xb8;
	[tilespmem:$0x18000] =	vst v63  }
0x76: {  	s12 =	simm.s32 $0x10;
	s10 =	simm.s32 $0x20;
	_ =	swait.ge [sflag:s7], $0x1000  }
.LBB2_2:
0x77: {  	[sflag:s7] =	ssyncset.done $0x0  }
0x78: {  	s19 =	simm.s32 @!p1 $0x9;
	[sflag:s7] =	ssyncadd.s32 $0xFFFFF000  }
0x79: {  	[spmem:s3] =	stream.indirect.scatter.add.f32 [tilespmem:s9], [sflag:$0xC], $0x80, s30, s21, $0xb8;
	[tilespmem:$0x18000] =	vst v63  }
0x7a: {  	_ =	swait.ge @!p1 [sflag:s19], $0x1000  }
0x7b: {  	[sflag:s19] =	ssyncset.done @!p1 $0x0;
	s20 =	rddreg [dreg:$0x6]  }
0x7c: {  	[sflag:s19] =	ssyncadd.s32 @!p1 $0xFFFFF000;
	s19 =	sadd.s32 s12, s13;
	s20 =	sadd.s32 s12, s20  }
0x7d: {  	[tilespmem:s23], [sflag:$0x7] =	stream.linear.gather [hbm4b:s20+s4], $0x20, $0x38;
	[tilespmem:$0x18000] =	vst v63  }
0x7e: {  	s15 =	sadd.s32 $0x8, s19  }
0x7f: {  	[tilespmem:s24], [sflag:$0x7] =	stream.linear.gather [hbm4b:s15+s4], $0x20, $0x38;
	[tilespmem:$0x18000] =	vst v63  }
0x80: {  	_ =	swait.ge [sflag:s25], $0x20  }
0x81: {  	[sflag:s25] =	ssyncset.done $0x0  }
0x82: {  	[sflag:s25] =	ssyncadd.s32 $0xFFFFFFE0  }
0x83: {  	_ =	swait.ge [sflag:s25], $0x20  }
0x84: {  	[sflag:s25] =	ssyncset.done $0x0  }
0x85: {  	s14 =	simm.s32 $0x14D00;
	[sflag:s25] =	ssyncadd.s32 $0xFFFFFFE0  }
0x86: {  	[tilespmem:s26], [sflag:$0x5] =	stream.indirect.gather [hbm4b:s2+s21], $0x80, s14, s21, $0xb8;
	[tilespmem:$0x18000] =	vst v63  }
0x87: {  	_ =	swait.ge [sflag:s28], $0x1000  }
0x88: {  	[sflag:s28] =	ssyncset.done $0x0  }
0x89: {  	s16 =	simm.s32 $0x13C80;
	s20 =	simm.s32 @!p1 $0xC;
	[sflag:s28] =	ssyncadd.s32 $0xFFFFF000  }
0x8a: {  	[spmem:s3] =	stream.indirect.scatter.add.f32 [tilespmem:s22], [sflag:$0x3], $0x80, s16, s21, $0xb8;
	[tilespmem:$0x18000] =	vst v63  }
0x8b: {  	_ =	swait.ge @!p1 [sflag:s20], $0x1000  }
0x8c: {  	s17 =	rddreg [dreg:$0x5];
	[sflag:s20] =	ssyncset.done @!p1 $0x0  }
0x8d: {  	[sflag:s20] =	ssyncadd.s32 @!p1 $0xFFFFF000;
	s14 =	sadd.s32 s12, s17  }
0x8e: {  	[tilespmem:s29], [sflag:$0xA] =	stream.linear.gather [hbm4b:s14+s4], $0x20, $0x38;
	[tilespmem:$0x18000] =	vst v63  }
0x8f: {  	s19 =	sadd.s32 $0xC, s19  }
0x90: {  	[tilespmem:s30], [sflag:$0xA] =	stream.linear.gather [hbm4b:s19+s4], $0x20, $0x38;
	[tilespmem:$0x18000] =	vst v63  }
0x91: {  	_ =	swait.ge [sflag:s31], $0x20  }
0x92: {  	[sflag:s31] =	ssyncset.done $0x0  }
0x93: {  	[sflag:s31] =	ssyncadd.s32 $0xFFFFFFE0  }
0x94: {  	_ =	swait.ge [sflag:s31], $0x20  }
0x95: {  	[sflag:s31] =	ssyncset.done $0x0  }
0x96: {  	[sflag:s31] =	ssyncadd.s32 $0xFFFFFFE0  }
0x97: {  	[tilespmem:s0], [sflag:$0x8] =	stream.indirect.gather [hbm4b:s2+s21], $0x80, s23, s21, $0xb8;
	[tilespmem:$0x18000] =	vst v63  }
0x98: {  	_ =	swait.ge [sflag:s1], $0x1000  }
0x99: {  	[sflag:s1] =	ssyncset.done $0x0  }
0x9a: {  	s20 =	simm.s32 $0x14D80;
	p1 =	seq.s32 s12, $0x4F0;
	[sflag:s1] =	ssyncadd.s32 $0xFFFFF000  }
0x9b: {  	[spmem:s3] =	stream.indirect.scatter.add.f32 [tilespmem:s26], [sflag:$0x6], $0x80, s20, s21, $0xb8;
	[tilespmem:$0x18000] =	vst v63  }
0x9c: {  	s15 =	sadd.s32 @!p1 s12, s13;
	_ =	swait.ge [sflag:s5], $0x1000  }
0x9d: {  	s19 =	simm.s32 @!p1 $0x13C00;
	s14 =	rddreg [dreg:$0x4];
	[sflag:s5] =	ssyncset.done $0x0  }
0x9e: {  	s20 =	simm.s32 @!p1 $0x0;
	[sflag:s5] =	ssyncadd.s32 $0xFFFFF000;
	s14 =	sadd.s32 @!p1 s12, s14  }
0x9f: {  	[tilespmem:s19], [sflag:$0x1] =	stream.linear.gather @!p1 [hbm4b:s14+s20], $0x20, $0x38;
	[tilespmem:$0x18000] =	vst v63  }
0xa0: {  	s16 =	sadd.s32 @!p1 $0x10, s15;
	s14 =	simm.s32 @!p1 $0x13C80  }
0xa1: {  	[tilespmem:s14], [sflag:$0x1] =	stream.linear.gather @!p1 [hbm4b:s16+s20], $0x20, $0x38;
	[tilespmem:$0x18000] =	vst v63  }
0xa2: {  	_ =	swait.ge [sflag:s8], $0x20  }
0xa3: {  	[sflag:s8] =	ssyncset.done $0x0  }
0xa4: {  	[sflag:s8] =	ssyncadd.s32 $0xFFFFFFE0  }
0xa5: {  	_ =	swait.ge [sflag:s8], $0x20  }
0xa6: {  	[sflag:s8] =	ssyncset.done $0x0  }
0xa7: {  	[sflag:s8] =	ssyncadd.s32 $0xFFFFFFE0  }
0xa8: {  	[tilespmem:s9], [sflag:$0xB] =	stream.indirect.gather [hbm4b:s2+s21], $0x80, s29, s21, $0xb8;
	[tilespmem:$0x18000] =	vst v63  }
0xa9: {  	_ =	swait.ge [sflag:s11], $0x1000  }
0xaa: {  	[sflag:s11] =	ssyncset.done $0x0  }
0xab: {  	[sflag:s11] =	ssyncadd.s32 $0xFFFFF000  }
0xac: {  	[spmem:s3] =	stream.indirect.scatter.add.f32 [tilespmem:s0], [sflag:$0x9], $0x80, s24, s21, $0xb8;
	[tilespmem:$0x18000] =	vst v63  }
0xad: {  	_ =	swait.ge [sflag:s6], $0x1000  }
0xae: {  	s14 =	rddreg [dreg:$0x7];
	[sflag:s6] =	ssyncset.done $0x0  }
0xaf: {  	s16 =	simm.s32 @!p1 $0x14D00;
	[sflag:s6] =	ssyncadd.s32 $0xFFFFF000;
	s14 =	sadd.s32 @!p1 s12, s14  }
0xb0: {  	[tilespmem:s16], [sflag:$0x4] =	stream.linear.gather @!p1 [hbm4b:s14+s20], $0x20, $0x38;
	[tilespmem:$0x18000] =	vst v63  }
0xb1: {  	s17 =	simm.s32 @!p1 $0x14D80;
	s15 =	sadd.s32 @!p1 $0x14, s15;
	s14 =	simm.s32 @!p1 $0x1  }
0xb2: {  	[tilespmem:s17], [sflag:$0x4] =	stream.linear.gather @!p1 [hbm4b:s15+s20], $0x20, $0x38;
	[tilespmem:$0x18000] =	vst v63  }
0xb3: {  	_ =	swait.ge @!p1 [sflag:s14], $0x20  }
0xb4: {  	s18 =	smov.u32 s10;
	s10 =	sadd.s32 $0x10, s10;
	[sflag:s14] =	ssyncset.done @!p1 $0x0  }
0xb5: {  	p0 =	sne.s32 s10, $0x500;
	[sflag:s14] =	ssyncadd.s32 @!p1 $0xFFFFFFE0  }
.Ltmp0:
0xb6: {  	_ =	swait.ge @!p1 [sflag:s14], $0x20;
	(pc) =	sbr.rel @p0 .LBB2_2-.Ltmp0, $4  }
0xb7: {  	s12 =	smov.u32 s18;
	[sflag:s14] =	ssyncset.done @!p1 $0x0  }
0xb8: {  	s16 =	simm.s32 @!p1 $0x13D00;
	s15 =	simm.s32 @!p1 $0x20;
	[sflag:s14] =	ssyncadd.s32 @!p1 $0xFFFFFFE0  }
0xb9: {  	[tilespmem:s16], [sflag:$0x2] =	stream.indirect.gather @!p1 [hbm4b:s2+s15], $0x80, s19, s15, $0xb8;
	[tilespmem:$0x18000] =	vst v63  }
0xba: {  	p1 =	seq.s32 s12, $0x0;
	_ =	swait.ge [sflag:s7], $0x1000  }
0xbb: {  	[sflag:s7] =	ssyncset.done $0x0  }
0xbc: {  	s10 =	simm.s32 @!p1 $0x9;
	[sflag:s7] =	ssyncadd.s32 $0xFFFFF000  }
0xbd: {  	[spmem:s3] =	stream.indirect.scatter.add.f32 [tilespmem:s9], [sflag:$0xC], $0x80, s30, s21, $0xb8;
	[tilespmem:$0x18000] =	vst v63  }
0xbe: {  	_ =	swait.ge @!p1 [sflag:s10], $0x1000  }
0xbf: {  	s14 =	rddreg [dreg:$0x6];
	[sflag:s10] =	ssyncset.done @!p1 $0x0  }
0xc0: {  	s20 =	sadd.s32 s12, s13;
	[sflag:s10] =	ssyncadd.s32 @!p1 $0xFFFFF000;
	s14 =	sadd.s32 s12, s14  }
0xc1: {  	[tilespmem:s23], [sflag:$0x7] =	stream.linear.gather [hbm4b:s14+s4], $0x20, $0x38;
	[tilespmem:$0x18000] =	vst v63  }
0xc2: {  	s16 =	sadd.s32 $0x8, s20  }
0xc3: {  	[tilespmem:s24], [sflag:$0x7] =	stream.linear.gather [hbm4b:s16+s4], $0x20, $0x38;
	[tilespmem:$0x18000] =	vst v63  }
0xc4: {  	_ =	swait.ge [sflag:s25], $0x20  }
0xc5: {  	[sflag:s25] =	ssyncset.done $0x0  }
0xc6: {  	[sflag:s25] =	ssyncadd.s32 $0xFFFFFFE0  }
0xc7: {  	_ =	swait.ge [sflag:s25], $0x20  }
0xc8: {  	[sflag:s25] =	ssyncset.done $0x0  }
0xc9: {  	s17 =	simm.s32 $0x14D00;
	[sflag:s25] =	ssyncadd.s32 $0xFFFFFFE0  }
0xca: {  	[tilespmem:s26], [sflag:$0x5] =	stream.indirect.gather [hbm4b:s2+s21], $0x80, s17, s21, $0xb8;
	[tilespmem:$0x18000] =	vst v63  }
0xcb: {  	_ =	swait.ge [sflag:s28], $0x1000  }
0xcc: {  	[sflag:s28] =	ssyncset.done $0x0  }
0xcd: {  	s15 =	simm.s32 $0x13C80;
	s14 =	simm.s32 @!p1 $0xC;
	[sflag:s28] =	ssyncadd.s32 $0xFFFFF000  }
0xce: {  	[spmem:s3] =	stream.indirect.scatter.add.f32 [tilespmem:s22], [sflag:$0x3], $0x80, s15, s21, $0xb8;
	[tilespmem:$0x18000] =	vst v63  }
0xcf: {  	_ =	swait.ge @!p1 [sflag:s14], $0x1000  }
0xd0: {  	s18 =	rddreg [dreg:$0x5];
	[sflag:s14] =	ssyncset.done @!p1 $0x0  }
0xd1: {  	[sflag:s14] =	ssyncadd.s32 @!p1 $0xFFFFF000;
	s19 =	sadd.s32 s12, s18  }
0xd2: {  	[tilespmem:s29], [sflag:$0xA] =	stream.linear.gather [hbm4b:s19+s4], $0x20, $0x38;
	[tilespmem:$0x18000] =	vst v63  }
0xd3: {  	s10 =	sadd.s32 $0xC, s20  }
0xd4: {  	[tilespmem:s30], [sflag:$0xA] =	stream.linear.gather [hbm4b:s10+s4], $0x20, $0x38;
	[tilespmem:$0x18000] =	vst v63  }
0xd5: {  	_ =	swait.ge [sflag:s31], $0x20  }
0xd6: {  	[sflag:s31] =	ssyncset.done $0x0  }
0xd7: {  	[sflag:s31] =	ssyncadd.s32 $0xFFFFFFE0  }
0xd8: {  	_ =	swait.ge [sflag:s31], $0x20  }
0xd9: {  	[sflag:s31] =	ssyncset.done $0x0  }
0xda: {  	[sflag:s31] =	ssyncadd.s32 $0xFFFFFFE0  }
0xdb: {  	[tilespmem:s0], [sflag:$0x8] =	stream.indirect.gather [hbm4b:s2+s21], $0x80, s23, s21, $0xb8;
	[tilespmem:$0x18000] =	vst v63  }
0xdc: {  	_ =	swait.ge [sflag:s1], $0x1000  }
0xdd: {  	[sflag:s1] =	ssyncset.done $0x0  }
0xde: {  	p0 =	seq.s32 s12, $0x4F0;
	s20 =	simm.s32 $0x14D80;
	[sflag:s1] =	ssyncadd.s32 $0xFFFFF000  }
0xdf: {  	[spmem:s3] =	stream.indirect.scatter.add.f32 [tilespmem:s26], [sflag:$0x6], $0x80, s20, s21, $0xb8;
	[tilespmem:$0x18000] =	vst v63  }
0xe0: {  	s16 =	simm.s32 @!p0 $0x13C00;
	_ =	swait.ge [sflag:s5], $0x1000  }
0xe1: {  	s15 =	sadd.s32 @!p0 s12, s13;
	s10 =	rddreg [dreg:$0x4];
	[sflag:s5] =	ssyncset.done $0x0  }
0xe2: {  	s14 =	simm.s32 @!p0 $0x0;
	[sflag:s5] =	ssyncadd.s32 $0xFFFFF000;
	s10 =	sadd.s32 @!p0 s12, s10  }
0xe3: {  	[tilespmem:s16], [sflag:$0x1] =	stream.linear.gather @!p0 [hbm4b:s10+s14], $0x20, $0x38;
	[tilespmem:$0x18000] =	vst v63  }
0xe4: {  	s17 =	simm.s32 @!p0 $0x13C80;
	s10 =	sadd.s32 @!p0 $0x10, s15  }
0xe5: {  	[tilespmem:s17], [sflag:$0x1] =	stream.linear.gather @!p0 [hbm4b:s10+s14], $0x20, $0x38;
	[tilespmem:$0x18000] =	vst v63  }
0xe6: {  	_ =	swait.ge [sflag:s8], $0x20  }
0xe7: {  	[sflag:s8] =	ssyncset.done $0x0  }
0xe8: {  	[sflag:s8] =	ssyncadd.s32 $0xFFFFFFE0  }
0xe9: {  	_ =	swait.ge [sflag:s8], $0x20  }
0xea: {  	[sflag:s8] =	ssyncset.done $0x0  }
0xeb: {  	[sflag:s8] =	ssyncadd.s32 $0xFFFFFFE0  }
0xec: {  	[tilespmem:s9], [sflag:$0xB] =	stream.indirect.gather [hbm4b:s2+s21], $0x80, s29, s21, $0xb8;
	[tilespmem:$0x18000] =	vst v63  }
0xed: {  	_ =	swait.ge [sflag:s11], $0x1000  }
0xee: {  	[sflag:s11] =	ssyncset.done $0x0  }
0xef: {  	[sflag:s11] =	ssyncadd.s32 $0xFFFFF000  }
0xf0: {  	[spmem:s3] =	stream.indirect.scatter.add.f32 [tilespmem:s0], [sflag:$0x9], $0x80, s24, s21, $0xb8;
	[tilespmem:$0x18000] =	vst v63  }
0xf1: {  	_ =	swait.ge [sflag:s6], $0x1000  }
0xf2: {  	s10 =	rddreg [dreg:$0x7];
	[sflag:s6] =	ssyncset.done $0x0  }
0xf3: {  	[sflag:s6] =	ssyncadd.s32 $0xFFFFF000;
	s10 =	sadd.s32 @!p0 s12, s10;
	s12 =	simm.s32 @!p0 $0x14D00  }
0xf4: {  	[tilespmem:s12], [sflag:$0x4] =	stream.linear.gather @!p0 [hbm4b:s10+s14], $0x20, $0x38;
	[tilespmem:$0x18000] =	vst v63  }
0xf5: {  	s10 =	sadd.s32 @!p0 $0x14, s15;
	s12 =	simm.s32 @!p0 $0x14D80  }
0xf6: {  	[tilespmem:s12], [sflag:$0x4] =	stream.linear.gather @!p0 [hbm4b:s10+s14], $0x20, $0x38;
	[tilespmem:$0x18000] =	vst v63  }
0xf7: {  	s10 =	simm.s32 @!p0 $0x1  }
0xf8: {  	_ =	swait.ge @!p0 [sflag:s10], $0x20  }
0xf9: {  	[sflag:s10] =	ssyncset.done @!p0 $0x0  }
0xfa: {  	[sflag:s10] =	ssyncadd.s32 @!p0 $0xFFFFFFE0  }
0xfb: {  	_ =	swait.ge @!p0 [sflag:s10], $0x20  }
0xfc: {  	[sflag:s10] =	ssyncset.done @!p0 $0x0  }
0xfd: {  	s12 =	simm.s32 @!p0 $0x20;
	[sflag:s10] =	ssyncadd.s32 @!p0 $0xFFFFFFE0;
	s10 =	simm.s32 @!p0 $0x13D00  }
0xfe: {  	[tilespmem:s10], [sflag:$0x2] =	stream.indirect.gather @!p0 [hbm4b:s2+s12], $0x80, s16, s12, $0xb8;
	[tilespmem:$0x18000] =	vst v63  }
0xff: {  	_ =	swait.ge [sflag:s7], $0x1000  }
0x100: {  	[sflag:s7] =	ssyncset.done $0x0  }
0x101: {  	s14 =	simm.s32 $0x9;
	[sflag:s7] =	ssyncadd.s32 $0xFFFFF000  }
0x102: {  	[spmem:s3] =	stream.indirect.scatter.add.f32 [tilespmem:s9], [sflag:$0xC], $0x80, s30, s21, $0xb8;
	[tilespmem:$0x18000] =	vst v63  }
0x103: {  	_ =	swait.ge [sflag:s14], $0x1000  }
0x104: {  	[sflag:s14] =	ssyncset.done $0x0  }
0x105: {  	s15 =	simm.s32 $0xC;
	[sflag:s14] =	ssyncadd.s32 $0xFFFFF000  }
0x106: {  	_ =	swait.ge [sflag:s15], $0x1000  }
0x107: {  	[sflag:s15] =	ssyncset.done $0x0  }
0x108: {  	[sflag:s15] =	ssyncadd.s32 $0xFFFFF000  }
0x109: {  	[bflag:$0x0] =	sbarrier.arrive $0xFFFF  }
0x10a: {  	s14 =	rddreg [dreg:$0xd]  }
0x10b: {  	s16 =	rddreg [dreg:$0xe]  }
0x10c: {  	s19 =	simm.s32 $0xD;
	s18 =	rddreg [dreg:$0x10]  }
0x10d: {  	[hbm:s16], [sflag:s14] =	dma.local [spmem:s18], $0x2780  }
0x10e: {  	_ =	swait.ge [sflag:s19], $0x2780  }
0x10f: {  	s17 =	rddreg [dreg:$0x11]  }
0x110: {  	s20 =	rddreg [dreg:$0xf];
	s12 =	sadd.s32 $0x1, s17  }
0x111: {  	p0 =	sne.s32 s12, s20  }
.Ltmp1:
0x112: {  	_ = 	snop;
	(pc) =	sbr.rel @p0 .LBB2_1-.Ltmp1, $3  }
0x113: {  	_ =	sdelay $0x1  }
0x114: {  	[sflag:s19] =	ssyncset.done $0x0  }
0x115: {  	[sflag:s19] =	ssyncadd.s32 $0xFFFFD880  }
0x116: {  	_ =	sfence.sel $0x180000  }
0x117: {  	[bflag:$0x0] =	sbarrier.arrive $0xFFFF  }
0x118: {  	_ =	strace $0x9000004D  }
0x119: {  	s0 =	stileid.u32;
	[bflag:$0x2] =	sbarrier.arrive $0xFFFF  }
0x11a: {  	p0 =	sne.s32 s0, $0x0;
	s0 =	rddreg [dreg:$0x3]  }
0x11b: {  	s0 =	sadd.s32 @!p0 $0x100000, s0  }
0x11c: {  	[sflag:s0] =	ssyncadd.tile.s32 @!p0 $0x1;
	_ =	shalt  }
.Lfunc_end2:
_tile_overlayer_lowered:
.L_overlay_start_2:
0x11d: {  	(tag) =	ssettag $0x2  }
0x11e: {  	s0 =	rddreg [dreg:$0x0];
	s2 =	stileid.u32  }
0x11f: {  	s1 =	rddreg [dreg:$0x1];
	p0 =	sne.s32 s2, $0x0  }
0x120: {  	s3 =	rddreg [dreg:$0x2];
	[bflag:$0x3] =	sbarrier.arrive $0xFFFF;
	s2 =	simm.s32 @!p0 $0x1C0D  }
0x121: {  	[timem:s3], [sflag:s2] =	dma.local @!p0 [hbm:s0], s1  }
0x122: {  	s0 =	simm.s32 @!p0 $0xD  }
0x123: {  	_ =	swait.ge @!p0 [sflag:s0], s1  }
0x124: {  	s1 =	ssub.s32 @!p0 $0x0, s1;
	[sflag:s0] =	ssyncset.done @!p0 $0x0  }
0x125: {  	[sflag:s0] =	ssyncadd.s32 @!p0 s1  }
0x126: {  	[bflag:$0x3] =	sbarrier.arrive $0xFFFF  }
0x127: {  	_ =	shalt  }

</sc_bundles>
